<compile_context>
chip_gen: v7x
topology: tpu7x:2x2x1
jax: 0.10.2.dev20260603
libtpu: 0.0.44.dev20260713+nightly
codegen_flags: <defaults>
</compile_context>

<pallas_src>
import functools

import jax
import jax.numpy as jnp
from jax import lax
from jax.experimental import pallas as pl
from jax.experimental.pallas import tpu as pltpu
from jax.experimental.pallas import tpu_sc as plsc

N = 10000
D = 128
NPAD = 10240
E = 320000
NC, NS, L = 2, 16, 16
NW = NC * NS
EPT = 10240
EPAD = EPT * NW
RPS = NPAD // NS
CH = 128
K = EPT // CH
NCHUNK = NW * K
PK = 40
PK2 = PK // 2
NPHF = K // PK

_mesh = plsc.VectorSubcoreMesh(core_axis_name="c", subcore_axis_name="s")


@functools.partial(
    pl.kernel,
    out_type=jax.ShapeDtypeStruct((NC, NPAD, D), jnp.float32),
    mesh=_mesh,
    scratch_types=[
        pltpu.VMEM_SHARED((NPAD, D), jnp.float32),
        pltpu.VMEM((CH, D), jnp.float32),
        pltpu.VMEM((K, CH), jnp.int32),
        pltpu.VMEM((64, D), jnp.float32),
        pltpu.SemaphoreType.DMA,
    ],
)
def _deg_kernel(dst_hbm, hist_hbm, shared_h, ones_v, didx, zbuf, sem):
    cid = lax.axis_index("c")
    sid = lax.axis_index("s")
    wid = sid * NC + cid

    def fill(i, _):
        for j in range(D // L):
            zbuf[i, pl.ds(j * L, L)] = jnp.zeros((L,), jnp.float32)
        return 0

    lax.fori_loop(0, 64, fill, 0)

    def fill1(i, _):
        for j in range(D // L):
            ones_v[i, pl.ds(j * L, L)] = jnp.ones((L,), jnp.float32)
        return 0

    lax.fori_loop(0, CH, fill1, 0)
    for j in range(RPS // 64):
        pltpu.sync_copy(zbuf, shared_h.at[pl.ds(sid * RPS + j * 64, 64)])
    pltpu.sync_copy(dst_hbm.at[pl.ds(wid * K, K)], didx)
    plsc.subcore_barrier()

    def grp(g, _):
        k = g * 8
        for j in range(8):
            pltpu.async_copy(ones_v, shared_h.at[didx.at[k + j]], sem,
                             add=True)
        for j in range(8):
            pltpu.make_async_copy(ones_v, shared_h.at[didx.at[k + j]],
                                  sem).wait()
        return 0

    lax.fori_loop(0, K // 8, grp, 0)
    plsc.subcore_barrier()
    pltpu.sync_copy(
        shared_h.at[pl.ds(sid * RPS, RPS)],
        hist_hbm.at[cid, pl.ds(sid * RPS, RPS)],
    )


@functools.partial(
    pl.kernel,
    out_type=jax.ShapeDtypeStruct((NC, NPAD, D), jnp.float32),
    mesh=_mesh,
    scratch_types=[
        pltpu.VMEM_SHARED((NPAD, D), jnp.float32),
        pltpu.VMEM((CH, D), jnp.float32),
        pltpu.VMEM((CH, D), jnp.float32),
        pltpu.VMEM((PK, CH), jnp.int32),
        pltpu.VMEM((PK, CH), jnp.int32),
        pltpu.SemaphoreType.DMA,
        pltpu.SemaphoreType.DMA,
    ],
)
def _edge_kernel(y_hbm, src_hbm, dst_hbm, z_hbm,
                 shared_z, rows0, rows1, sidx, didx, sem0, sem1):
    cid = lax.axis_index("c")
    sid = lax.axis_index("s")

    def fill(i, _):
        for j in range(D // L):
            rows0[i, pl.ds(j * L, L)] = jnp.zeros((L,), jnp.float32)
        return 0

    lax.fori_loop(0, CH, fill, 0)
    for j in range(RPS // CH):
        pltpu.sync_copy(rows0, shared_z.at[pl.ds(sid * RPS + j * CH, CH)])
    plsc.subcore_barrier()

    wid = sid * NC + cid
    base_chunk = wid * K

    for p in range(NPHF):
        pltpu.sync_copy(src_hbm.at[pl.ds(base_chunk + p * PK, PK)], sidx)
        pltpu.sync_copy(dst_hbm.at[pl.ds(base_chunk + p * PK, PK)], didx)
        pltpu.async_copy(y_hbm.at[sidx.at[0]], rows0, sem0)
        pltpu.async_copy(y_hbm.at[sidx.at[1]], rows1, sem1)

        def step(k2, _):
            k = k2 * 2
            pltpu.make_async_copy(y_hbm.at[sidx.at[k]], rows0,
                                  sem0).wait()
            pltpu.sync_copy(rows0, shared_z.at[didx.at[k]], add=True)
            pltpu.async_copy(y_hbm.at[sidx.at[k + 2]], rows0, sem0)
            pltpu.make_async_copy(y_hbm.at[sidx.at[k + 1]], rows1,
                                  sem1).wait()
            pltpu.sync_copy(rows1, shared_z.at[didx.at[k + 1]],
                            add=True)
            pltpu.async_copy(y_hbm.at[sidx.at[k + 3]], rows1, sem1)
            return 0

        lax.fori_loop(0, PK2 - 1, step, 0)
        pltpu.make_async_copy(y_hbm.at[sidx.at[PK - 2]], rows0,
                              sem0).wait()
        pltpu.sync_copy(rows0, shared_z.at[didx.at[PK - 2]], add=True)
        pltpu.make_async_copy(y_hbm.at[sidx.at[PK - 1]], rows1,
                              sem1).wait()
        pltpu.sync_copy(rows1, shared_z.at[didx.at[PK - 1]], add=True)

    plsc.subcore_barrier()
    pltpu.sync_copy(
        shared_z.at[pl.ds(sid * RPS, RPS)],
        z_hbm.at[cid, pl.ds(sid * RPS, RPS)],
    )


BR = 1024


def _mm1_body(hist_ref, x_ref, w_ref, y_ref, dinv_ref):
    deg = hist_ref[0][:, 0:1] + hist_ref[1][:, 0:1] + 1.0
    dinv = lax.rsqrt(deg)
    xw = jnp.dot(x_ref[...], w_ref[...], preferred_element_type=jnp.float32)
    y_ref[...] = xw * dinv
    dinv_ref[...] = jnp.broadcast_to(dinv, (BR, D))


def _mm1(hist, xp, W1):
    return pl.pallas_call(
        _mm1_body,
        grid=(NPAD // BR,),
        in_specs=[
            pl.BlockSpec((NC, BR, D), lambda i: (0, i, 0)),
            pl.BlockSpec((BR, D), lambda i: (i, 0)),
            pl.BlockSpec((D, D), lambda i: (0, 0)),
        ],
        out_specs=[
            pl.BlockSpec((BR, D), lambda i: (i, 0)),
            pl.BlockSpec((BR, D), lambda i: (i, 0)),
        ],
        out_shape=[
            jax.ShapeDtypeStruct((NPAD, D), jnp.float32),
            jax.ShapeDtypeStruct((NPAD, D), jnp.float32),
        ],
    )(hist, xp, W1)


def _mm2_body(z_ref, y_ref, dinv_ref, b_ref, w_ref, o_ref):
    h = (z_ref[0] + z_ref[1] + y_ref[...]) * dinv_ref[...] + b_ref[...]
    h = jnp.maximum(h, 0.0)
    o_ref[...] = (
        jnp.dot(h, w_ref[...], preferred_element_type=jnp.float32)
        * dinv_ref[...]
    )


def _mm2(z, y, dinv, b, W2):
    return pl.pallas_call(
        _mm2_body,
        grid=(NPAD // BR,),
        in_specs=[
            pl.BlockSpec((NC, BR, D), lambda i: (0, i, 0)),
            pl.BlockSpec((BR, D), lambda i: (i, 0)),
            pl.BlockSpec((BR, D), lambda i: (i, 0)),
            pl.BlockSpec((1, D), lambda i: (0, 0)),
            pl.BlockSpec((D, D), lambda i: (0, 0)),
        ],
        out_specs=pl.BlockSpec((BR, D), lambda i: (i, 0)),
        out_shape=jax.ShapeDtypeStruct((NPAD, D), jnp.float32),
    )(z, y, dinv, b, W2)


def _fin_body(z_ref, y_ref, dinv_ref, b_ref, o_ref):
    o_ref[...] = (z_ref[0] + z_ref[1] + y_ref[...]) * dinv_ref[...] + b_ref[...]


def _fin(z, y, dinv, b):
    return pl.pallas_call(
        _fin_body,
        grid=(NPAD // BR,),
        in_specs=[
            pl.BlockSpec((NC, BR, D), lambda i: (0, i, 0)),
            pl.BlockSpec((BR, D), lambda i: (i, 0)),
            pl.BlockSpec((BR, D), lambda i: (i, 0)),
            pl.BlockSpec((1, D), lambda i: (0, 0)),
        ],
        out_specs=pl.BlockSpec((BR, D), lambda i: (i, 0)),
        out_shape=jax.ShapeDtypeStruct((NPAD, D), jnp.float32),
    )(z, y, dinv, b)


def kernel(x, edge_index, W1, b1, W2, b2):
    ei = edge_index.astype(jnp.int32)
    pad = jnp.arange(EPAD - E, dtype=jnp.int32)
    src = jnp.concatenate([ei[0], pad % N])
    dst = jnp.concatenate([ei[1], N + pad % (NPAD - N)])
    src2d = src.reshape(NCHUNK, CH)
    dst2d = dst.reshape(NCHUNK, CH)
    xp = jnp.concatenate([x, jnp.zeros((NPAD - N, D), jnp.float32)])

    hist = _deg_kernel(dst2d)
    y1, dinv = _mm1(hist, xp, W1)
    z1 = _edge_kernel(y1, src2d, dst2d)
    y2 = _mm2(z1, y1, dinv, b1.reshape(1, D), W2)
    z2 = _edge_kernel(y2, src2d, dst2d)
    out = _fin(z2, y2, dinv, b2.reshape(1, D))
    return out[:N]

# --- scband reference (transcript-rebuilt; emitter-appended) ---
"""Pipeline reference for scband-supreme-25065429139537 (READ-ONLY COPY).

The authoritative reference and input builder live on the scoring server;
editing this copy changes nothing except your own understanding.
"""

import jax, jax.numpy as jnp
import numpy as np

N_NODES = 10000


def gcn_conv(x, edge_index, W, b, num_nodes):
    # PyG GCNConv: x' = D^{-1/2} (A + I) D^{-1/2} (X W) + b
    xw = x @ W
    src, dst = edge_index[0], edge_index[1]
    # add self loops
    loop = jnp.arange(num_nodes, dtype=edge_index.dtype)
    src = jnp.concatenate([src, loop])
    dst = jnp.concatenate([dst, loop])
    # symmetric normalization
    ones = jnp.ones(src.shape[0], dtype=xw.dtype)
    deg = jax.ops.segment_sum(ones, dst, num_segments=num_nodes)
    deg_inv_sqrt = jnp.where(deg > 0, jax.lax.rsqrt(deg), 0.0)
    norm = deg_inv_sqrt[src] * deg_inv_sqrt[dst]
    msg = xw[src] * norm[:, None]
    out = jax.ops.segment_sum(msg, dst, num_segments=num_nodes)
    return out + b


def setup_inputs(seed: int = 0) -> dict:
    key = jax.random.key(seed)
    k1, k2, k3, k4, k5, k6 = jax.random.split(key, 6)
    in_size, hid_size, out_size = 128, 128, 128
    x = jax.random.normal(k1, (N_NODES, in_size), dtype=jnp.float32)
    edge_index = jax.random.randint(k2, (2, 320000), 0, N_NODES, dtype=jnp.int64)
    s1 = 1.0 / np.sqrt(in_size)
    s2 = 1.0 / np.sqrt(hid_size)
    W1 = jax.random.uniform(k3, (in_size, hid_size), jnp.float32, -s1, s1)
    b1 = jax.random.uniform(k4, (hid_size,), jnp.float32, -s1, s1)
    W2 = jax.random.uniform(k5, (hid_size, out_size), jnp.float32, -s2, s2)
    b2 = jax.random.uniform(k6, (out_size,), jnp.float32, -s2, s2)
    return {"x": x, "edge_index": edge_index, "W1": W1, "b1": b1, "W2": W2, "b2": b2}


def reference(x, edge_index, W1, b1, W2, b2):
    h = gcn_conv(x, edge_index, W1, b1, N_NODES)
    h = jax.nn.relu(h)
    out = gcn_conv(h, edge_index, W2, b2, N_NODES)
    return out

if __name__ == "__main__":
    import jax
    _d = setup_inputs()
    print(jax.jit(kernel)(*tuple(_d.values())))

</pallas_src>

<mosaic_0001>
#map = affine_map<(d0, d1) -> (0, 0)>
#map1 = affine_map<(d0, d1) -> (0, 0, 0)>
module attributes {stable_mosaic.version = 14 : i64} {
  func.func @_edge_kernel(%arg0: i32, %arg1: i32, %arg2: memref<10240x128xf32, #tpu.memory_space<hbm>>, %arg3: memref<2560x128xi32, #tpu.memory_space<hbm>>, %arg4: memref<2560x128xi32, #tpu.memory_space<hbm>>, %arg5: memref<2x10240x128xf32, #tpu.memory_space<hbm>>, %arg6: memref<10240x128xf32, #tpu.memory_space<vmem_shared>>, %arg7: memref<128x128xf32, #tpu.memory_space<vmem>>, %arg8: memref<128x128xf32, #tpu.memory_space<vmem>>, %arg9: memref<40x128xi32, #tpu.memory_space<vmem>>, %arg10: memref<40x128xi32, #tpu.memory_space<vmem>>, %arg11: memref<!tpu.dma_semaphore, #tpu.memory_space<semaphore_mem>>, %arg12: memref<!tpu.dma_semaphore, #tpu.memory_space<semaphore_mem>>) attributes {dimension_semantics = [#tpu.dimension_semantics<core_parallel>, #tpu.dimension_semantics<subcore_parallel>], iteration_bounds = array<i64: 2, 16>, scalar_prefetch = 0 : i64, scratch_operands = 7 : i64, tpu.core_type = #tpu.core_type<sc_vector_subcore>, window_params = [{transform_indices = #map}, {transform_indices = #map}, {transform_indices = #map}, {transform_indices = #map1}]} {
    %scan3A = arith.constant 0 : i32
    %scan3A_0 = arith.constant 0 : i32
    %scan3A_1 = arith.constant 128 : i32
    %scan3A_2 = arith.addi %scan3A_0, %scan3A_1 : i32
    %scan3A_3 = arith.constant 1 : i32
    %scan3A_4 = scf.for %scan3A_113 = %scan3A_0 to %scan3A_2 step %scan3A_3 iter_args(%scan3A_114 = %scan3A) -> (i32)  : i32 {
      %broadcast_in_dim3A = arith.constant 0.000000e+00 : f32
      %broadcast_in_dim3A_115 = vector.broadcast %broadcast_in_dim3A : f32 to vector<16xf32>
      %swap3A = arith.index_cast %scan3A_113 : i32 to index
      %swap3A_116 = arith.constant 0 : index
      %swap3A_117 = tpu.vector_load %arg7[%swap3A, %swap3A_116] {strides = array<i32>} : memref<128x128xf32, #tpu.memory_space<vmem>>, vector<1x16xf32>,
      %swap3A_118 = vector.shape_cast %swap3A_117 : vector<1x16xf32> to vector<16xf32>
      %swap3A_119 = vector.shape_cast %broadcast_in_dim3A_115 : vector<16xf32> to vector<1x16xf32>
      tpu.vector_store %arg7[%swap3A, %swap3A_116], %swap3A_119 {strides = array<i32>} : memref<128x128xf32, #tpu.memory_space<vmem>>, vector<1x16xf32>,
      %broadcast_in_dim3A_120 = arith.constant 0.000000e+00 : f32
      %broadcast_in_dim3A_121 = vector.broadcast %broadcast_in_dim3A_120 : f32 to vector<16xf32>
      %swap3A_122 = arith.index_cast %scan3A_113 : i32 to index
      %swap3A_123 = arith.constant 16 : index
      %swap3A_124 = tpu.vector_load %arg7[%swap3A_122, %swap3A_123] {strides = array<i32>} : memref<128x128xf32, #tpu.memory_space<vmem>>, vector<1x16xf32>,
      %swap3A_125 = vector.shape_cast %swap3A_124 : vector<1x16xf32> to vector<16xf32>
      %swap3A_126 = vector.shape_cast %broadcast_in_dim3A_121 : vector<16xf32> to vector<1x16xf32>
      tpu.vector_store %arg7[%swap3A_122, %swap3A_123], %swap3A_126 {strides = array<i32>} : memref<128x128xf32, #tpu.memory_space<vmem>>, vector<1x16xf32>,
      %broadcast_in_dim3A_127 = arith.constant 0.000000e+00 : f32
      %broadcast_in_dim3A_128 = vector.broadcast %broadcast_in_dim3A_127 : f32 to vector<16xf32>
      %swap3A_129 = arith.index_cast %scan3A_113 : i32 to index
      %swap3A_130 = arith.constant 32 : index
      %swap3A_131 = tpu.vector_load %arg7[%swap3A_129, %swap3A_130] {strides = array<i32>} : memref<128x128xf32, #tpu.memory_space<vmem>>, vector<1x16xf32>,
      %swap3A_132 = vector.shape_cast %swap3A_131 : vector<1x16xf32> to vector<16xf32>
      %swap3A_133 = vector.shape_cast %broadcast_in_dim3A_128 : vector<16xf32> to vector<1x16xf32>
      tpu.vector_store %arg7[%swap3A_129, %swap3A_130], %swap3A_133 {strides = array<i32>} : memref<128x128xf32, #tpu.memory_space<vmem>>, vector<1x16xf32>,
      %broadcast_in_dim3A_134 = arith.constant 0.000000e+00 : f32
      %broadcast_in_dim3A_135 = vector.broadcast %broadcast_in_dim3A_134 : f32 to vector<16xf32>
      %swap3A_136 = arith.index_cast %scan3A_113 : i32 to index
      %swap3A_137 = arith.constant 48 : index
      %swap3A_138 = tpu.vector_load %arg7[%swap3A_136, %swap3A_137] {strides = array<i32>} : memref<128x128xf32, #tpu.memory_space<vmem>>, vector<1x16xf32>,
      %swap3A_139 = vector.shape_cast %swap3A_138 : vector<1x16xf32> to vector<16xf32>
      %swap3A_140 = vector.shape_cast %broadcast_in_dim3A_135 : vector<16xf32> to vector<1x16xf32>
      tpu.vector_store %arg7[%swap3A_136, %swap3A_137], %swap3A_140 {strides = array<i32>} : memref<128x128xf32, #tpu.memory_space<vmem>>, vector<1x16xf32>,
      %broadcast_in_dim3A_141 = arith.constant 0.000000e+00 : f32
      %broadcast_in_dim3A_142 = vector.broadcast %broadcast_in_dim3A_141 : f32 to vector<16xf32>
      %swap3A_143 = arith.index_cast %scan3A_113 : i32 to index
      %swap3A_144 = arith.constant 64 : index
      %swap3A_145 = tpu.vector_load %arg7[%swap3A_143, %swap3A_144] {strides = array<i32>} : memref<128x128xf32, #tpu.memory_space<vmem>>, vector<1x16xf32>,
      %swap3A_146 = vector.shape_cast %swap3A_145 : vector<1x16xf32> to vector<16xf32>
      %swap3A_147 = vector.shape_cast %broadcast_in_dim3A_142 : vector<16xf32> to vector<1x16xf32>
      tpu.vector_store %arg7[%swap3A_143, %swap3A_144], %swap3A_147 {strides = array<i32>} : memref<128x128xf32, #tpu.memory_space<vmem>>, vector<1x16xf32>,
      %broadcast_in_dim3A_148 = arith.constant 0.000000e+00 : f32
      %broadcast_in_dim3A_149 = vector.broadcast %broadcast_in_dim3A_148 : f32 to vector<16xf32>
      %swap3A_150 = arith.index_cast %scan3A_113 : i32 to index
      %swap3A_151 = arith.constant 80 : index
      %swap3A_152 = tpu.vector_load %arg7[%swap3A_150, %swap3A_151] {strides = array<i32>} : memref<128x128xf32, #tpu.memory_space<vmem>>, vector<1x16xf32>,
      %swap3A_153 = vector.shape_cast %swap3A_152 : vector<1x16xf32> to vector<16xf32>
      %swap3A_154 = vector.shape_cast %broadcast_in_dim3A_149 : vector<16xf32> to vector<1x16xf32>
      tpu.vector_store %arg7[%swap3A_150, %swap3A_151], %swap3A_154 {strides = array<i32>} : memref<128x128xf32, #tpu.memory_space<vmem>>, vector<1x16xf32>,
      %broadcast_in_dim3A_155 = arith.constant 0.000000e+00 : f32
      %broadcast_in_dim3A_156 = vector.broadcast %broadcast_in_dim3A_155 : f32 to vector<16xf32>
      %swap3A_157 = arith.index_cast %scan3A_113 : i32 to index
      %swap3A_158 = arith.constant 96 : index
      %swap3A_159 = tpu.vector_load %arg7[%swap3A_157, %swap3A_158] {strides = array<i32>} : memref<128x128xf32, #tpu.memory_space<vmem>>, vector<1x16xf32>,
      %swap3A_160 = vector.shape_cast %swap3A_159 : vector<1x16xf32> to vector<16xf32>
      %swap3A_161 = vector.shape_cast %broadcast_in_dim3A_156 : vector<16xf32> to vector<1x16xf32>
      tpu.vector_store %arg7[%swap3A_157, %swap3A_158], %swap3A_161 {strides = array<i32>} : memref<128x128xf32, #tpu.memory_space<vmem>>, vector<1x16xf32>,
      %broadcast_in_dim3A_162 = arith.constant 0.000000e+00 : f32
      %broadcast_in_dim3A_163 = vector.broadcast %broadcast_in_dim3A_162 : f32 to vector<16xf32>
      %swap3A_164 = arith.index_cast %scan3A_113 : i32 to index
      %swap3A_165 = arith.constant 112 : index
      %swap3A_166 = tpu.vector_load %arg7[%swap3A_164, %swap3A_165] {strides = array<i32>} : memref<128x128xf32, #tpu.memory_space<vmem>>, vector<1x16xf32>,
      %swap3A_167 = vector.shape_cast %swap3A_166 : vector<1x16xf32> to vector<16xf32>
      %swap3A_168 = vector.shape_cast %broadcast_in_dim3A_163 : vector<16xf32> to vector<1x16xf32>
      tpu.vector_store %arg7[%swap3A_164, %swap3A_165], %swap3A_168 {strides = array<i32>} : memref<128x128xf32, #tpu.memory_space<vmem>>, vector<1x16xf32>,
      %scan3A_169 = arith.constant 0 : i32
      scf.yield %scan3A_169 : i32
    }
    %scan3A_5 = arith.constant 128 : i32
    %mul3A = arith.constant 640 : i32
    %mul3A_6 = arith.muli %arg1, %mul3A : i32
    %add3A = arith.constant 0 : i32
    %add3A_7 = arith.addi %mul3A_6, %add3A : i32
    "tpu.region"() ({
      %run_scoped3A_113 = tpu.sem_alloc : memref<!tpu.dma_semaphore, #tpu.memory_space<semaphore_mem>>
      %dma_start3A_114 = arith.constant 0 : i32
      %dma_start3A_115 = tpu.memref_slice %arg6[%add3A_7, %dma_start3A_114] : memref<10240x128xf32, #tpu.memory_space<vmem_shared>> -> memref<128x128xf32, #tpu.memory_space<vmem_shared>>
      %dma_start3A_116 = arith.constant 0 : i32
      %dma_start3A_117 = tpu.memref_slice %arg6[%add3A_7, %dma_start3A_116] : memref<10240x128xf32, #tpu.memory_space<vmem_shared>> -> memref<128x128xf32, #tpu.memory_space<vmem_shared>>
      tpu.enqueue_dma source(%arg7 : memref<128x128xf32, #tpu.memory_space<vmem>>) target(%dma_start3A_117 : memref<128x128xf32, #tpu.memory_space<vmem_shared>>) target_semaphore(%run_scoped3A_113 : memref<!tpu.dma_semaphore, #tpu.memory_space<semaphore_mem>>)
      %dma_wait3A_118 = arith.constant 0 : i32
      %dma_wait3A_119 = tpu.memref_slice %arg6[%add3A_7, %dma_wait3A_118] : memref<10240x128xf32, #tpu.memory_space<vmem_shared>> -> memref<128x128xf32, #tpu.memory_space<vmem_shared>>
      %dma_wait3A_120 = arith.constant 0 : i32
      %dma_wait3A_121 = tpu.memref_slice %arg6[%add3A_7, %dma_wait3A_120] : memref<10240x128xf32, #tpu.memory_space<vmem_shared>> -> memref<128x128xf32, #tpu.memory_space<vmem_shared>>
      tpu.wait_dma2 semaphore(%run_scoped3A_113 : memref<!tpu.dma_semaphore, #tpu.memory_space<semaphore_mem>>) src(%arg7 : memref<128x128xf32, #tpu.memory_space<vmem>>) dst(%dma_wait3A_121 : memref<128x128xf32, #tpu.memory_space<vmem_shared>>)
      tpu.yield
    }) : () -> ()
    %mul3A_8 = arith.constant 640 : i32
    %mul3A_9 = arith.muli %arg1, %mul3A_8 : i32
    %add3A_10 = arith.constant 128 : i32
    %add3A_11 = arith.addi %mul3A_9, %add3A_10 : i32
    "tpu.region"() ({
      %run_scoped3A_113 = tpu.sem_alloc : memref<!tpu.dma_semaphore, #tpu.memory_space<semaphore_mem>>
      %dma_start3A_114 = arith.constant 0 : i32
      %dma_start3A_115 = tpu.memref_slice %arg6[%add3A_11, %dma_start3A_114] : memref<10240x128xf32, #tpu.memory_space<vmem_shared>> -> memref<128x128xf32, #tpu.memory_space<vmem_shared>>
      %dma_start3A_116 = arith.constant 0 : i32
      %dma_start3A_117 = tpu.memref_slice %arg6[%add3A_11, %dma_start3A_116] : memref<10240x128xf32, #tpu.memory_space<vmem_shared>> -> memref<128x128xf32, #tpu.memory_space<vmem_shared>>
      tpu.enqueue_dma source(%arg7 : memref<128x128xf32, #tpu.memory_space<vmem>>) target(%dma_start3A_117 : memref<128x128xf32, #tpu.memory_space<vmem_shared>>) target_semaphore(%run_scoped3A_113 : memref<!tpu.dma_semaphore, #tpu.memory_space<semaphore_mem>>)
      %dma_wait3A_118 = arith.constant 0 : i32
      %dma_wait3A_119 = tpu.memref_slice %arg6[%add3A_11, %dma_wait3A_118] : memref<10240x128xf32, #tpu.memory_space<vmem_shared>> -> memref<128x128xf32, #tpu.memory_space<vmem_shared>>
      %dma_wait3A_120 = arith.constant 0 : i32
      %dma_wait3A_121 = tpu.memref_slice %arg6[%add3A_11, %dma_wait3A_120] : memref<10240x128xf32, #tpu.memory_space<vmem_shared>> -> memref<128x128xf32, #tpu.memory_space<vmem_shared>>
      tpu.wait_dma2 semaphore(%run_scoped3A_113 : memref<!tpu.dma_semaphore, #tpu.memory_space<semaphore_mem>>) src(%arg7 : memref<128x128xf32, #tpu.memory_space<vmem>>) dst(%dma_wait3A_121 : memref<128x128xf32, #tpu.memory_space<vmem_shared>>)
      tpu.yield
    }) : () -> ()
    %mul3A_12 = arith.constant 640 : i32
    %mul3A_13 = arith.muli %arg1, %mul3A_12 : i32
    %add3A_14 = arith.constant 256 : i32
    %add3A_15 = arith.addi %mul3A_13, %add3A_14 : i32
    "tpu.region"() ({
      %run_scoped3A_113 = tpu.sem_alloc : memref<!tpu.dma_semaphore, #tpu.memory_space<semaphore_mem>>
      %dma_start3A_114 = arith.constant 0 : i32
      %dma_start3A_115 = tpu.memref_slice %arg6[%add3A_15, %dma_start3A_114] : memref<10240x128xf32, #tpu.memory_space<vmem_shared>> -> memref<128x128xf32, #tpu.memory_space<vmem_shared>>
      %dma_start3A_116 = arith.constant 0 : i32
      %dma_start3A_117 = tpu.memref_slice %arg6[%add3A_15, %dma_start3A_116] : memref<10240x128xf32, #tpu.memory_space<vmem_shared>> -> memref<128x128xf32, #tpu.memory_space<vmem_shared>>
      tpu.enqueue_dma source(%arg7 : memref<128x128xf32, #tpu.memory_space<vmem>>) target(%dma_start3A_117 : memref<128x128xf32, #tpu.memory_space<vmem_shared>>) target_semaphore(%run_scoped3A_113 : memref<!tpu.dma_semaphore, #tpu.memory_space<semaphore_mem>>)
      %dma_wait3A_118 = arith.constant 0 : i32
      %dma_wait3A_119 = tpu.memref_slice %arg6[%add3A_15, %dma_wait3A_118] : memref<10240x128xf32, #tpu.memory_space<vmem_shared>> -> memref<128x128xf32, #tpu.memory_space<vmem_shared>>
      %dma_wait3A_120 = arith.constant 0 : i32
      %dma_wait3A_121 = tpu.memref_slice %arg6[%add3A_15, %dma_wait3A_120] : memref<10240x128xf32, #tpu.memory_space<vmem_shared>> -> memref<128x128xf32, #tpu.memory_space<vmem_shared>>
      tpu.wait_dma2 semaphore(%run_scoped3A_113 : memref<!tpu.dma_semaphore, #tpu.memory_space<semaphore_mem>>) src(%arg7 : memref<128x128xf32, #tpu.memory_space<vmem>>) dst(%dma_wait3A_121 : memref<128x128xf32, #tpu.memory_space<vmem_shared>>)
      tpu.yield
    }) : () -> ()
    %mul3A_16 = arith.constant 640 : i32
    %mul3A_17 = arith.muli %arg1, %mul3A_16 : i32
    %add3A_18 = arith.constant 384 : i32
    %add3A_19 = arith.addi %mul3A_17, %add3A_18 : i32
    "tpu.region"() ({
      %run_scoped3A_113 = tpu.sem_alloc : memref<!tpu.dma_semaphore, #tpu.memory_space<semaphore_mem>>
      %dma_start3A_114 = arith.constant 0 : i32
      %dma_start3A_115 = tpu.memref_slice %arg6[%add3A_19, %dma_start3A_114] : memref<10240x128xf32, #tpu.memory_space<vmem_shared>> -> memref<128x128xf32, #tpu.memory_space<vmem_shared>>
      %dma_start3A_116 = arith.constant 0 : i32
      %dma_start3A_117 = tpu.memref_slice %arg6[%add3A_19, %dma_start3A_116] : memref<10240x128xf32, #tpu.memory_space<vmem_shared>> -> memref<128x128xf32, #tpu.memory_space<vmem_shared>>
      tpu.enqueue_dma source(%arg7 : memref<128x128xf32, #tpu.memory_space<vmem>>) target(%dma_start3A_117 : memref<128x128xf32, #tpu.memory_space<vmem_shared>>) target_semaphore(%run_scoped3A_113 : memref<!tpu.dma_semaphore, #tpu.memory_space<semaphore_mem>>)
      %dma_wait3A_118 = arith.constant 0 : i32
      %dma_wait3A_119 = tpu.memref_slice %arg6[%add3A_19, %dma_wait3A_118] : memref<10240x128xf32, #tpu.memory_space<vmem_shared>> -> memref<128x128xf32, #tpu.memory_space<vmem_shared>>
      %dma_wait3A_120 = arith.constant 0 : i32
      %dma_wait3A_121 = tpu.memref_slice %arg6[%add3A_19, %dma_wait3A_120] : memref<10240x128xf32, #tpu.memory_space<vmem_shared>> -> memref<128x128xf32, #tpu.memory_space<vmem_shared>>
      tpu.wait_dma2 semaphore(%run_scoped3A_113 : memref<!tpu.dma_semaphore, #tpu.memory_space<semaphore_mem>>) src(%arg7 : memref<128x128xf32, #tpu.memory_space<vmem>>) dst(%dma_wait3A_121 : memref<128x128xf32, #tpu.memory_space<vmem_shared>>)
      tpu.yield
    }) : () -> ()
    %mul3A_20 = arith.constant 640 : i32
    %mul3A_21 = arith.muli %arg1, %mul3A_20 : i32
    %add3A_22 = arith.constant 512 : i32
    %add3A_23 = arith.addi %mul3A_21, %add3A_22 : i32
    "tpu.region"() ({
      %run_scoped3A_113 = tpu.sem_alloc : memref<!tpu.dma_semaphore, #tpu.memory_space<semaphore_mem>>
      %dma_start3A_114 = arith.constant 0 : i32
      %dma_start3A_115 = tpu.memref_slice %arg6[%add3A_23, %dma_start3A_114] : memref<10240x128xf32, #tpu.memory_space<vmem_shared>> -> memref<128x128xf32, #tpu.memory_space<vmem_shared>>
      %dma_start3A_116 = arith.constant 0 : i32
      %dma_start3A_117 = tpu.memref_slice %arg6[%add3A_23, %dma_start3A_116] : memref<10240x128xf32, #tpu.memory_space<vmem_shared>> -> memref<128x128xf32, #tpu.memory_space<vmem_shared>>
      tpu.enqueue_dma source(%arg7 : memref<128x128xf32, #tpu.memory_space<vmem>>) target(%dma_start3A_117 : memref<128x128xf32, #tpu.memory_space<vmem_shared>>) target_semaphore(%run_scoped3A_113 : memref<!tpu.dma_semaphore, #tpu.memory_space<semaphore_mem>>)
      %dma_wait3A_118 = arith.constant 0 : i32
      %dma_wait3A_119 = tpu.memref_slice %arg6[%add3A_23, %dma_wait3A_118] : memref<10240x128xf32, #tpu.memory_space<vmem_shared>> -> memref<128x128xf32, #tpu.memory_space<vmem_shared>>
      %dma_wait3A_120 = arith.constant 0 : i32
      %dma_wait3A_121 = tpu.memref_slice %arg6[%add3A_23, %dma_wait3A_120] : memref<10240x128xf32, #tpu.memory_space<vmem_shared>> -> memref<128x128xf32, #tpu.memory_space<vmem_shared>>
      tpu.wait_dma2 semaphore(%run_scoped3A_113 : memref<!tpu.dma_semaphore, #tpu.memory_space<semaphore_mem>>) src(%arg7 : memref<128x128xf32, #tpu.memory_space<vmem>>) dst(%dma_wait3A_121 : memref<128x128xf32, #tpu.memory_space<vmem_shared>>)
      tpu.yield
    }) : () -> ()
    %barrier3A = arith.constant 0 : index
    tpu.barrier barrier_id(%barrier3A)
    %mul3A_24 = arith.constant 2 : i32
    %mul3A_25 = arith.muli %arg1, %mul3A_24 : i32
    %add3A_26 = arith.addi %mul3A_25, %arg0 : i32
    %mul3A_27 = arith.constant 80 : i32
    %mul3A_28 = arith.muli %add3A_26, %mul3A_27 : i32
    %add3A_29 = arith.constant 0 : i32
    %add3A_30 = arith.addi %mul3A_28, %add3A_29 : i32
    "tpu.region"() ({
      %run_scoped3A_113 = tpu.sem_alloc : memref<!tpu.dma_semaphore, #tpu.memory_space<semaphore_mem>>
      %dma_start3A_114 = arith.constant 0 : i32
      %dma_start3A_115 = tpu.memref_slice %arg3[%add3A_30, %dma_start3A_114] : memref<2560x128xi32, #tpu.memory_space<hbm>> -> memref<40x128xi32, #tpu.memory_space<hbm>>
      %dma_start3A_116 = arith.constant 0 : i32
      %dma_start3A_117 = tpu.memref_slice %arg3[%add3A_30, %dma_start3A_116] : memref<2560x128xi32, #tpu.memory_space<hbm>> -> memref<40x128xi32, #tpu.memory_space<hbm>>
      tpu.enqueue_dma source(%dma_start3A_117 : memref<40x128xi32, #tpu.memory_space<hbm>>) target(%arg9 : memref<40x128xi32, #tpu.memory_space<vmem>>) target_semaphore(%run_scoped3A_113 : memref<!tpu.dma_semaphore, #tpu.memory_space<semaphore_mem>>)
      %dma_wait3A_118 = arith.constant 0 : i32
      %dma_wait3A_119 = tpu.memref_slice %arg3[%add3A_30, %dma_wait3A_118] : memref<2560x128xi32, #tpu.memory_space<hbm>> -> memref<40x128xi32, #tpu.memory_space<hbm>>
      %dma_wait3A_120 = arith.constant 0 : i32
      %dma_wait3A_121 = tpu.memref_slice %arg3[%add3A_30, %dma_wait3A_120] : memref<2560x128xi32, #tpu.memory_space<hbm>> -> memref<40x128xi32, #tpu.memory_space<hbm>>
      tpu.wait_dma2 semaphore(%run_scoped3A_113 : memref<!tpu.dma_semaphore, #tpu.memory_space<semaphore_mem>>) src(%dma_wait3A_121 : memref<40x128xi32, #tpu.memory_space<hbm>>) dst(%arg9 : memref<40x128xi32, #tpu.memory_space<vmem>>)
      tpu.yield
    }) : () -> ()
    %add3A_31 = arith.constant 0 : i32
    %add3A_32 = arith.addi %mul3A_28, %add3A_31 : i32
    "tpu.region"() ({
      %run_scoped3A_113 = tpu.sem_alloc : memref<!tpu.dma_semaphore, #tpu.memory_space<semaphore_mem>>
      %dma_start3A_114 = arith.constant 0 : i32
      %dma_start3A_115 = tpu.memref_slice %arg4[%add3A_32, %dma_start3A_114] : memref<2560x128xi32, #tpu.memory_space<hbm>> -> memref<40x128xi32, #tpu.memory_space<hbm>>
      %dma_start3A_116 = arith.constant 0 : i32
      %dma_start3A_117 = tpu.memref_slice %arg4[%add3A_32, %dma_start3A_116] : memref<2560x128xi32, #tpu.memory_space<hbm>> -> memref<40x128xi32, #tpu.memory_space<hbm>>
      tpu.enqueue_dma source(%dma_start3A_117 : memref<40x128xi32, #tpu.memory_space<hbm>>) target(%arg10 : memref<40x128xi32, #tpu.memory_space<vmem>>) target_semaphore(%run_scoped3A_113 : memref<!tpu.dma_semaphore, #tpu.memory_space<semaphore_mem>>)
      %dma_wait3A_118 = arith.constant 0 : i32
      %dma_wait3A_119 = tpu.memref_slice %arg4[%add3A_32, %dma_wait3A_118] : memref<2560x128xi32, #tpu.memory_space<hbm>> -> memref<40x128xi32, #tpu.memory_space<hbm>>
      %dma_wait3A_120 = arith.constant 0 : i32
      %dma_wait3A_121 = tpu.memref_slice %arg4[%add3A_32, %dma_wait3A_120] : memref<2560x128xi32, #tpu.memory_space<hbm>> -> memref<40x128xi32, #tpu.memory_space<hbm>>
      tpu.wait_dma2 semaphore(%run_scoped3A_113 : memref<!tpu.dma_semaphore, #tpu.memory_space<semaphore_mem>>) src(%dma_wait3A_121 : memref<40x128xi32, #tpu.memory_space<hbm>>) dst(%arg10 : memref<40x128xi32, #tpu.memory_space<vmem>>)
      tpu.yield
    }) : () -> ()
    %dma_start3A = arith.constant 0 : i32
    %dma_start3A_33 = arith.constant 0 : i32
    %dma_start3A_34 = tpu.memref_slice %arg9[%dma_start3A, %dma_start3A_33] : memref<40x128xi32, #tpu.memory_space<vmem>> -> memref<1x128xi32, #tpu.memory_space<vmem>>
    %dma_start3A_35 = tpu.memref_squeeze %dma_start3A_34 : memref<1x128xi32, #tpu.memory_space<vmem>> -> memref<128xi32, #tpu.memory_space<vmem>>
    %dma_start3A_36 = arith.constant 0 : i32
    %dma_start3A_37 = arith.constant 0 : i32
    %dma_start3A_38 = tpu.memref_slice %arg2[%dma_start3A_36, %dma_start3A_37] : memref<10240x128xf32, #tpu.memory_space<hbm>> -> memref<10240x128xf32, #tpu.memory_space<hbm>>
    tpu.enqueue_indirect_dma source(%dma_start3A_38 : memref<10240x128xf32, #tpu.memory_space<hbm>>) target(%arg7 : memref<128x128xf32, #tpu.memory_space<vmem>>) offsets(%dma_start3A_35 : memref<128xi32, #tpu.memory_space<vmem>>) semaphore(%arg11 : memref<!tpu.dma_semaphore, #tpu.memory_space<semaphore_mem>>)
    %dma_start3A_39 = arith.constant 1 : i32
    %dma_start3A_40 = arith.constant 0 : i32
    %dma_start3A_41 = tpu.memref_slice %arg9[%dma_start3A_39, %dma_start3A_40] : memref<40x128xi32, #tpu.memory_space<vmem>> -> memref<1x128xi32, #tpu.memory_space<vmem>>
    %dma_start3A_42 = tpu.memref_squeeze %dma_start3A_41 : memref<1x128xi32, #tpu.memory_space<vmem>> -> memref<128xi32, #tpu.memory_space<vmem>>
    %dma_start3A_43 = arith.constant 0 : i32
    %dma_start3A_44 = arith.constant 0 : i32
    %dma_start3A_45 = tpu.memref_slice %arg2[%dma_start3A_43, %dma_start3A_44] : memref<10240x128xf32, #tpu.memory_space<hbm>> -> memref<10240x128xf32, #tpu.memory_space<hbm>>
    tpu.enqueue_indirect_dma source(%dma_start3A_45 : memref<10240x128xf32, #tpu.memory_space<hbm>>) target(%arg8 : memref<128x128xf32, #tpu.memory_space<vmem>>) offsets(%dma_start3A_42 : memref<128xi32, #tpu.memory_space<vmem>>) semaphore(%arg12 : memref<!tpu.dma_semaphore, #tpu.memory_space<semaphore_mem>>)
    %scan3A_46 = arith.constant 0 : i32
    %scan3A_47 = arith.constant 0 : i32
    %scan3A_48 = arith.constant 19 : i32
    %scan3A_49 = arith.addi %scan3A_47, %scan3A_48 : i32
    %scan3A_50 = arith.constant 1 : i32
    %scan3A_51 = scf.for %scan3A_113 = %scan3A_47 to %scan3A_49 step %scan3A_50 iter_args(%scan3A_114 = %scan3A_46) -> (i32)  : i32 {
      %mul3A_115 = arith.constant 2 : i32
      %mul3A_116 = arith.muli %scan3A_113, %mul3A_115 : i32
      %dma_wait3A_117 = arith.constant 0 : i32
      %dma_wait3A_118 = tpu.memref_slice %arg9[%mul3A_116, %dma_wait3A_117] : memref<40x128xi32, #tpu.memory_space<vmem>> -> memref<1x128xi32, #tpu.memory_space<vmem>>
      %dma_wait3A_119 = tpu.memref_squeeze %dma_wait3A_118 : memref<1x128xi32, #tpu.memory_space<vmem>> -> memref<128xi32, #tpu.memory_space<vmem>>
      %dma_wait3A_120 = arith.constant 0 : i32
      %dma_wait3A_121 = arith.constant 0 : i32
      %dma_wait3A_122 = tpu.memref_slice %arg2[%dma_wait3A_120, %dma_wait3A_121] : memref<10240x128xf32, #tpu.memory_space<hbm>> -> memref<10240x128xf32, #tpu.memory_space<hbm>>
      tpu.wait_indirect_dma semaphore(%arg11 : memref<!tpu.dma_semaphore, #tpu.memory_space<semaphore_mem>>) src(%dma_wait3A_122 : memref<10240x128xf32, #tpu.memory_space<hbm>>) dst(%arg7 : memref<128x128xf32, #tpu.memory_space<vmem>>)
      "tpu.region"() ({
        %run_scoped3A_150 = tpu.sem_alloc : memref<!tpu.dma_semaphore, #tpu.memory_space<semaphore_mem>>
        %dma_start3A_151 = arith.constant 0 : i32
        %dma_start3A_152 = tpu.memref_slice %arg10[%mul3A_116, %dma_start3A_151] : memref<40x128xi32, #tpu.memory_space<vmem>> -> memref<1x128xi32, #tpu.memory_space<vmem>>
        %dma_start3A_153 = tpu.memref_squeeze %dma_start3A_152 : memref<1x128xi32, #tpu.memory_space<vmem>> -> memref<128xi32, #tpu.memory_space<vmem>>
        %dma_start3A_154 = arith.constant 0 : i32
        %dma_start3A_155 = arith.constant 0 : i32
        %dma_start3A_156 = tpu.memref_slice %arg6[%dma_start3A_154, %dma_start3A_155] : memref<10240x128xf32, #tpu.memory_space<vmem_shared>> -> memref<10240x128xf32, #tpu.memory_space<vmem_shared>>
        tpu.enqueue_indirect_dma source(%arg7 : memref<128x128xf32, #tpu.memory_space<vmem>>) target(%dma_start3A_156 : memref<10240x128xf32, #tpu.memory_space<vmem_shared>>) offsets(%dma_start3A_153 : memref<128xi32, #tpu.memory_space<vmem>>) semaphore(%run_scoped3A_150 : memref<!tpu.dma_semaphore, #tpu.memory_space<semaphore_mem>>) {add = true}
        %dma_wait3A_157 = arith.constant 0 : i32
        %dma_wait3A_158 = tpu.memref_slice %arg10[%mul3A_116, %dma_wait3A_157] : memref<40x128xi32, #tpu.memory_space<vmem>> -> memref<1x128xi32, #tpu.memory_space<vmem>>
        %dma_wait3A_159 = tpu.memref_squeeze %dma_wait3A_158 : memref<1x128xi32, #tpu.memory_space<vmem>> -> memref<128xi32, #tpu.memory_space<vmem>>
        %dma_wait3A_160 = arith.constant 0 : i32
        %dma_wait3A_161 = arith.constant 0 : i32
        %dma_wait3A_162 = tpu.memref_slice %arg6[%dma_wait3A_160, %dma_wait3A_161] : memref<10240x128xf32, #tpu.memory_space<vmem_shared>> -> memref<10240x128xf32, #tpu.memory_space<vmem_shared>>
        tpu.wait_indirect_dma semaphore(%run_scoped3A_150 : memref<!tpu.dma_semaphore, #tpu.memory_space<semaphore_mem>>) src(%arg7 : memref<128x128xf32, #tpu.memory_space<vmem>>) dst(%dma_wait3A_162 : memref<10240x128xf32, #tpu.memory_space<vmem_shared>>)
        tpu.yield
      }) : () -> ()
      %add3A_123 = arith.constant 2 : i32
      %add3A_124 = arith.addi %mul3A_116, %add3A_123 : i32
      %dma_start3A_125 = arith.constant 0 : i32
      %dma_start3A_126 = tpu.memref_slice %arg9[%add3A_124, %dma_start3A_125] : memref<40x128xi32, #tpu.memory_space<vmem>> -> memref<1x128xi32, #tpu.memory_space<vmem>>
      %dma_start3A_127 = tpu.memref_squeeze %dma_start3A_126 : memref<1x128xi32, #tpu.memory_space<vmem>> -> memref<128xi32, #tpu.memory_space<vmem>>
      %dma_start3A_128 = arith.constant 0 : i32
      %dma_start3A_129 = arith.constant 0 : i32
      %dma_start3A_130 = tpu.memref_slice %arg2[%dma_start3A_128, %dma_start3A_129] : memref<10240x128xf32, #tpu.memory_space<hbm>> -> memref<10240x128xf32, #tpu.memory_space<hbm>>
      tpu.enqueue_indirect_dma source(%dma_start3A_130 : memref<10240x128xf32, #tpu.memory_space<hbm>>) target(%arg7 : memref<128x128xf32, #tpu.memory_space<vmem>>) offsets(%dma_start3A_127 : memref<128xi32, #tpu.memory_space<vmem>>) semaphore(%arg11 : memref<!tpu.dma_semaphore, #tpu.memory_space<semaphore_mem>>)
      %add3A_131 = arith.constant 1 : i32
      %add3A_132 = arith.addi %mul3A_116, %add3A_131 : i32
      %dma_wait3A_133 = arith.constant 0 : i32
      %dma_wait3A_134 = tpu.memref_slice %arg9[%add3A_132, %dma_wait3A_133] : memref<40x128xi32, #tpu.memory_space<vmem>> -> memref<1x128xi32, #tpu.memory_space<vmem>>
      %dma_wait3A_135 = tpu.memref_squeeze %dma_wait3A_134 : memref<1x128xi32, #tpu.memory_space<vmem>> -> memref<128xi32, #tpu.memory_space<vmem>>
      %dma_wait3A_136 = arith.constant 0 : i32
      %dma_wait3A_137 = arith.constant 0 : i32
      %dma_wait3A_138 = tpu.memref_slice %arg2[%dma_wait3A_136, %dma_wait3A_137] : memref<10240x128xf32, #tpu.memory_space<hbm>> -> memref<10240x128xf32, #tpu.memory_space<hbm>>
      tpu.wait_indirect_dma semaphore(%arg12 : memref<!tpu.dma_semaphore, #tpu.memory_space<semaphore_mem>>) src(%dma_wait3A_138 : memref<10240x128xf32, #tpu.memory_space<hbm>>) dst(%arg8 : memref<128x128xf32, #tpu.memory_space<vmem>>)
      %add3A_139 = arith.constant 1 : i32
      %add3A_140 = arith.addi %mul3A_116, %add3A_139 : i32
      "tpu.region"() ({
        %run_scoped3A_150 = tpu.sem_alloc : memref<!tpu.dma_semaphore, #tpu.memory_space<semaphore_mem>>
        %dma_start3A_151 = arith.constant 0 : i32
        %dma_start3A_152 = tpu.memref_slice %arg10[%add3A_140, %dma_start3A_151] : memref<40x128xi32, #tpu.memory_space<vmem>> -> memref<1x128xi32, #tpu.memory_space<vmem>>
        %dma_start3A_153 = tpu.memref_squeeze %dma_start3A_152 : memref<1x128xi32, #tpu.memory_space<vmem>> -> memref<128xi32, #tpu.memory_space<vmem>>
        %dma_start3A_154 = arith.constant 0 : i32
        %dma_start3A_155 = arith.constant 0 : i32
        %dma_start3A_156 = tpu.memref_slice %arg6[%dma_start3A_154, %dma_start3A_155] : memref<10240x128xf32, #tpu.memory_space<vmem_shared>> -> memref<10240x128xf32, #tpu.memory_space<vmem_shared>>
        tpu.enqueue_indirect_dma source(%arg8 : memref<128x128xf32, #tpu.memory_space<vmem>>) target(%dma_start3A_156 : memref<10240x128xf32, #tpu.memory_space<vmem_shared>>) offsets(%dma_start3A_153 : memref<128xi32, #tpu.memory_space<vmem>>) semaphore(%run_scoped3A_150 : memref<!tpu.dma_semaphore, #tpu.memory_space<semaphore_mem>>) {add = true}
        %dma_wait3A_157 = arith.constant 0 : i32
        %dma_wait3A_158 = tpu.memref_slice %arg10[%add3A_140, %dma_wait3A_157] : memref<40x128xi32, #tpu.memory_space<vmem>> -> memref<1x128xi32, #tpu.memory_space<vmem>>
        %dma_wait3A_159 = tpu.memref_squeeze %dma_wait3A_158 : memref<1x128xi32, #tpu.memory_space<vmem>> -> memref<128xi32, #tpu.memory_space<vmem>>
        %dma_wait3A_160 = arith.constant 0 : i32
        %dma_wait3A_161 = arith.constant 0 : i32
        %dma_wait3A_162 = tpu.memref_slice %arg6[%dma_wait3A_160, %dma_wait3A_161] : memref<10240x128xf32, #tpu.memory_space<vmem_shared>> -> memref<10240x128xf32, #tpu.memory_space<vmem_shared>>
        tpu.wait_indirect_dma semaphore(%run_scoped3A_150 : memref<!tpu.dma_semaphore, #tpu.memory_space<semaphore_mem>>) src(%arg8 : memref<128x128xf32, #tpu.memory_space<vmem>>) dst(%dma_wait3A_162 : memref<10240x128xf32, #tpu.memory_space<vmem_shared>>)
        tpu.yield
      }) : () -> ()
      %add3A_141 = arith.constant 3 : i32
      %add3A_142 = arith.addi %mul3A_116, %add3A_141 : i32
      %dma_start3A_143 = arith.constant 0 : i32
      %dma_start3A_144 = tpu.memref_slice %arg9[%add3A_142, %dma_start3A_143] : memref<40x128xi32, #tpu.memory_space<vmem>> -> memref<1x128xi32, #tpu.memory_space<vmem>>
      %dma_start3A_145 = tpu.memref_squeeze %dma_start3A_144 : memref<1x128xi32, #tpu.memory_space<vmem>> -> memref<128xi32, #tpu.memory_space<vmem>>
      %dma_start3A_146 = arith.constant 0 : i32
      %dma_start3A_147 = arith.constant 0 : i32
      %dma_start3A_148 = tpu.memref_slice %arg2[%dma_start3A_146, %dma_start3A_147] : memref<10240x128xf32, #tpu.memory_space<hbm>> -> memref<10240x128xf32, #tpu.memory_space<hbm>>
      tpu.enqueue_indirect_dma source(%dma_start3A_148 : memref<10240x128xf32, #tpu.memory_space<hbm>>) target(%arg8 : memref<128x128xf32, #tpu.memory_space<vmem>>) offsets(%dma_start3A_145 : memref<128xi32, #tpu.memory_space<vmem>>) semaphore(%arg12 : memref<!tpu.dma_semaphore, #tpu.memory_space<semaphore_mem>>)
      %scan3A_149 = arith.constant 0 : i32
      scf.yield %scan3A_149 : i32
    }
    %scan3A_52 = arith.constant 19 : i32
    %dma_wait3A = arith.constant 38 : i32
    %dma_wait3A_53 = arith.constant 0 : i32
    %dma_wait3A_54 = tpu.memref_slice %arg9[%dma_wait3A, %dma_wait3A_53] : memref<40x128xi32, #tpu.memory_space<vmem>> -> memref<1x128xi32, #tpu.memory_space<vmem>>
    %dma_wait3A_55 = tpu.memref_squeeze %dma_wait3A_54 : memref<1x128xi32, #tpu.memory_space<vmem>> -> memref<128xi32, #tpu.memory_space<vmem>>
    %dma_wait3A_56 = arith.constant 0 : i32
    %dma_wait3A_57 = arith.constant 0 : i32
    %dma_wait3A_58 = tpu.memref_slice %arg2[%dma_wait3A_56, %dma_wait3A_57] : memref<10240x128xf32, #tpu.memory_space<hbm>> -> memref<10240x128xf32, #tpu.memory_space<hbm>>
    tpu.wait_indirect_dma semaphore(%arg11 : memref<!tpu.dma_semaphore, #tpu.memory_space<semaphore_mem>>) src(%dma_wait3A_58 : memref<10240x128xf32, #tpu.memory_space<hbm>>) dst(%arg7 : memref<128x128xf32, #tpu.memory_space<vmem>>)
    %run_scoped3A = arith.constant 38 : i32
    "tpu.region"() ({
      %run_scoped3A_113 = tpu.sem_alloc : memref<!tpu.dma_semaphore, #tpu.memory_space<semaphore_mem>>
      %dma_start3A_114 = arith.constant 0 : i32
      %dma_start3A_115 = tpu.memref_slice %arg10[%run_scoped3A, %dma_start3A_114] : memref<40x128xi32, #tpu.memory_space<vmem>> -> memref<1x128xi32, #tpu.memory_space<vmem>>
      %dma_start3A_116 = tpu.memref_squeeze %dma_start3A_115 : memref<1x128xi32, #tpu.memory_space<vmem>> -> memref<128xi32, #tpu.memory_space<vmem>>
      %dma_start3A_117 = arith.constant 0 : i32
      %dma_start3A_118 = arith.constant 0 : i32
      %dma_start3A_119 = tpu.memref_slice %arg6[%dma_start3A_117, %dma_start3A_118] : memref<10240x128xf32, #tpu.memory_space<vmem_shared>> -> memref<10240x128xf32, #tpu.memory_space<vmem_shared>>
      tpu.enqueue_indirect_dma source(%arg7 : memref<128x128xf32, #tpu.memory_space<vmem>>) target(%dma_start3A_119 : memref<10240x128xf32, #tpu.memory_space<vmem_shared>>) offsets(%dma_start3A_116 : memref<128xi32, #tpu.memory_space<vmem>>) semaphore(%run_scoped3A_113 : memref<!tpu.dma_semaphore, #tpu.memory_space<semaphore_mem>>) {add = true}
      %dma_wait3A_120 = arith.constant 0 : i32
      %dma_wait3A_121 = tpu.memref_slice %arg10[%run_scoped3A, %dma_wait3A_120] : memref<40x128xi32, #tpu.memory_space<vmem>> -> memref<1x128xi32, #tpu.memory_space<vmem>>
      %dma_wait3A_122 = tpu.memref_squeeze %dma_wait3A_121 : memref<1x128xi32, #tpu.memory_space<vmem>> -> memref<128xi32, #tpu.memory_space<vmem>>
      %dma_wait3A_123 = arith.constant 0 : i32
      %dma_wait3A_124 = arith.constant 0 : i32
      %dma_wait3A_125 = tpu.memref_slice %arg6[%dma_wait3A_123, %dma_wait3A_124] : memref<10240x128xf32, #tpu.memory_space<vmem_shared>> -> memref<10240x128xf32, #tpu.memory_space<vmem_shared>>
      tpu.wait_indirect_dma semaphore(%run_scoped3A_113 : memref<!tpu.dma_semaphore, #tpu.memory_space<semaphore_mem>>) src(%arg7 : memref<128x128xf32, #tpu.memory_space<vmem>>) dst(%dma_wait3A_125 : memref<10240x128xf32, #tpu.memory_space<vmem_shared>>)
      tpu.yield
    }) : () -> ()
    %dma_wait3A_59 = arith.constant 39 : i32
    %dma_wait3A_60 = arith.constant 0 : i32
    %dma_wait3A_61 = tpu.memref_slice %arg9[%dma_wait3A_59, %dma_wait3A_60] : memref<40x128xi32, #tpu.memory_space<vmem>> -> memref<1x128xi32, #tpu.memory_space<vmem>>
    %dma_wait3A_62 = tpu.memref_squeeze %dma_wait3A_61 : memref<1x128xi32, #tpu.memory_space<vmem>> -> memref<128xi32, #tpu.memory_space<vmem>>
    %dma_wait3A_63 = arith.constant 0 : i32
    %dma_wait3A_64 = arith.constant 0 : i32
    %dma_wait3A_65 = tpu.memref_slice %arg2[%dma_wait3A_63, %dma_wait3A_64] : memref<10240x128xf32, #tpu.memory_space<hbm>> -> memref<10240x128xf32, #tpu.memory_space<hbm>>
    tpu.wait_indirect_dma semaphore(%arg12 : memref<!tpu.dma_semaphore, #tpu.memory_space<semaphore_mem>>) src(%dma_wait3A_65 : memref<10240x128xf32, #tpu.memory_space<hbm>>) dst(%arg8 : memref<128x128xf32, #tpu.memory_space<vmem>>)
    %run_scoped3A_66 = arith.constant 39 : i32
    "tpu.region"() ({
      %run_scoped3A_113 = tpu.sem_alloc : memref<!tpu.dma_semaphore, #tpu.memory_space<semaphore_mem>>
      %dma_start3A_114 = arith.constant 0 : i32
      %dma_start3A_115 = tpu.memref_slice %arg10[%run_scoped3A_66, %dma_start3A_114] : memref<40x128xi32, #tpu.memory_space<vmem>> -> memref<1x128xi32, #tpu.memory_space<vmem>>
      %dma_start3A_116 = tpu.memref_squeeze %dma_start3A_115 : memref<1x128xi32, #tpu.memory_space<vmem>> -> memref<128xi32, #tpu.memory_space<vmem>>
      %dma_start3A_117 = arith.constant 0 : i32
      %dma_start3A_118 = arith.constant 0 : i32
      %dma_start3A_119 = tpu.memref_slice %arg6[%dma_start3A_117, %dma_start3A_118] : memref<10240x128xf32, #tpu.memory_space<vmem_shared>> -> memref<10240x128xf32, #tpu.memory_space<vmem_shared>>
      tpu.enqueue_indirect_dma source(%arg8 : memref<128x128xf32, #tpu.memory_space<vmem>>) target(%dma_start3A_119 : memref<10240x128xf32, #tpu.memory_space<vmem_shared>>) offsets(%dma_start3A_116 : memref<128xi32, #tpu.memory_space<vmem>>) semaphore(%run_scoped3A_113 : memref<!tpu.dma_semaphore, #tpu.memory_space<semaphore_mem>>) {add = true}
      %dma_wait3A_120 = arith.constant 0 : i32
      %dma_wait3A_121 = tpu.memref_slice %arg10[%run_scoped3A_66, %dma_wait3A_120] : memref<40x128xi32, #tpu.memory_space<vmem>> -> memref<1x128xi32, #tpu.memory_space<vmem>>
      %dma_wait3A_122 = tpu.memref_squeeze %dma_wait3A_121 : memref<1x128xi32, #tpu.memory_space<vmem>> -> memref<128xi32, #tpu.memory_space<vmem>>
      %dma_wait3A_123 = arith.constant 0 : i32
      %dma_wait3A_124 = arith.constant 0 : i32
      %dma_wait3A_125 = tpu.memref_slice %arg6[%dma_wait3A_123, %dma_wait3A_124] : memref<10240x128xf32, #tpu.memory_space<vmem_shared>> -> memref<10240x128xf32, #tpu.memory_space<vmem_shared>>
      tpu.wait_indirect_dma semaphore(%run_scoped3A_113 : memref<!tpu.dma_semaphore, #tpu.memory_space<semaphore_mem>>) src(%arg8 : memref<128x128xf32, #tpu.memory_space<vmem>>) dst(%dma_wait3A_125 : memref<10240x128xf32, #tpu.memory_space<vmem_shared>>)
      tpu.yield
    }) : () -> ()
    %add3A_67 = arith.constant 40 : i32
    %add3A_68 = arith.addi %mul3A_28, %add3A_67 : i32
    "tpu.region"() ({
      %run_scoped3A_113 = tpu.sem_alloc : memref<!tpu.dma_semaphore, #tpu.memory_space<semaphore_mem>>
      %dma_start3A_114 = arith.constant 0 : i32
      %dma_start3A_115 = tpu.memref_slice %arg3[%add3A_68, %dma_start3A_114] : memref<2560x128xi32, #tpu.memory_space<hbm>> -> memref<40x128xi32, #tpu.memory_space<hbm>>
      %dma_start3A_116 = arith.constant 0 : i32
      %dma_start3A_117 = tpu.memref_slice %arg3[%add3A_68, %dma_start3A_116] : memref<2560x128xi32, #tpu.memory_space<hbm>> -> memref<40x128xi32, #tpu.memory_space<hbm>>
      tpu.enqueue_dma source(%dma_start3A_117 : memref<40x128xi32, #tpu.memory_space<hbm>>) target(%arg9 : memref<40x128xi32, #tpu.memory_space<vmem>>) target_semaphore(%run_scoped3A_113 : memref<!tpu.dma_semaphore, #tpu.memory_space<semaphore_mem>>)
      %dma_wait3A_118 = arith.constant 0 : i32
      %dma_wait3A_119 = tpu.memref_slice %arg3[%add3A_68, %dma_wait3A_118] : memref<2560x128xi32, #tpu.memory_space<hbm>> -> memref<40x128xi32, #tpu.memory_space<hbm>>
      %dma_wait3A_120 = arith.constant 0 : i32
      %dma_wait3A_121 = tpu.memref_slice %arg3[%add3A_68, %dma_wait3A_120] : memref<2560x128xi32, #tpu.memory_space<hbm>> -> memref<40x128xi32, #tpu.memory_space<hbm>>
      tpu.wait_dma2 semaphore(%run_scoped3A_113 : memref<!tpu.dma_semaphore, #tpu.memory_space<semaphore_mem>>) src(%dma_wait3A_121 : memref<40x128xi32, #tpu.memory_space<hbm>>) dst(%arg9 : memref<40x128xi32, #tpu.memory_space<vmem>>)
      tpu.yield
    }) : () -> ()
    %add3A_69 = arith.constant 40 : i32
    %add3A_70 = arith.addi %mul3A_28, %add3A_69 : i32
    "tpu.region"() ({
      %run_scoped3A_113 = tpu.sem_alloc : memref<!tpu.dma_semaphore, #tpu.memory_space<semaphore_mem>>
      %dma_start3A_114 = arith.constant 0 : i32
      %dma_start3A_115 = tpu.memref_slice %arg4[%add3A_70, %dma_start3A_114] : memref<2560x128xi32, #tpu.memory_space<hbm>> -> memref<40x128xi32, #tpu.memory_space<hbm>>
      %dma_start3A_116 = arith.constant 0 : i32
      %dma_start3A_117 = tpu.memref_slice %arg4[%add3A_70, %dma_start3A_116] : memref<2560x128xi32, #tpu.memory_space<hbm>> -> memref<40x128xi32, #tpu.memory_space<hbm>>
      tpu.enqueue_dma source(%dma_start3A_117 : memref<40x128xi32, #tpu.memory_space<hbm>>) target(%arg10 : memref<40x128xi32, #tpu.memory_space<vmem>>) target_semaphore(%run_scoped3A_113 : memref<!tpu.dma_semaphore, #tpu.memory_space<semaphore_mem>>)
      %dma_wait3A_118 = arith.constant 0 : i32
      %dma_wait3A_119 = tpu.memref_slice %arg4[%add3A_70, %dma_wait3A_118] : memref<2560x128xi32, #tpu.memory_space<hbm>> -> memref<40x128xi32, #tpu.memory_space<hbm>>
      %dma_wait3A_120 = arith.constant 0 : i32
      %dma_wait3A_121 = tpu.memref_slice %arg4[%add3A_70, %dma_wait3A_120] : memref<2560x128xi32, #tpu.memory_space<hbm>> -> memref<40x128xi32, #tpu.memory_space<hbm>>
      tpu.wait_dma2 semaphore(%run_scoped3A_113 : memref<!tpu.dma_semaphore, #tpu.memory_space<semaphore_mem>>) src(%dma_wait3A_121 : memref<40x128xi32, #tpu.memory_space<hbm>>) dst(%arg10 : memref<40x128xi32, #tpu.memory_space<vmem>>)
      tpu.yield
    }) : () -> ()
    %dma_start3A_71 = arith.constant 0 : i32
    %dma_start3A_72 = arith.constant 0 : i32
    %dma_start3A_73 = tpu.memref_slice %arg9[%dma_start3A_71, %dma_start3A_72] : memref<40x128xi32, #tpu.memory_space<vmem>> -> memref<1x128xi32, #tpu.memory_space<vmem>>
    %dma_start3A_74 = tpu.memref_squeeze %dma_start3A_73 : memref<1x128xi32, #tpu.memory_space<vmem>> -> memref<128xi32, #tpu.memory_space<vmem>>
    %dma_start3A_75 = arith.constant 0 : i32
    %dma_start3A_76 = arith.constant 0 : i32
    %dma_start3A_77 = tpu.memref_slice %arg2[%dma_start3A_75, %dma_start3A_76] : memref<10240x128xf32, #tpu.memory_space<hbm>> -> memref<10240x128xf32, #tpu.memory_space<hbm>>
    tpu.enqueue_indirect_dma source(%dma_start3A_77 : memref<10240x128xf32, #tpu.memory_space<hbm>>) target(%arg7 : memref<128x128xf32, #tpu.memory_space<vmem>>) offsets(%dma_start3A_74 : memref<128xi32, #tpu.memory_space<vmem>>) semaphore(%arg11 : memref<!tpu.dma_semaphore, #tpu.memory_space<semaphore_mem>>)
    %dma_start3A_78 = arith.constant 1 : i32
    %dma_start3A_79 = arith.constant 0 : i32
    %dma_start3A_80 = tpu.memref_slice %arg9[%dma_start3A_78, %dma_start3A_79] : memref<40x128xi32, #tpu.memory_space<vmem>> -> memref<1x128xi32, #tpu.memory_space<vmem>>
    %dma_start3A_81 = tpu.memref_squeeze %dma_start3A_80 : memref<1x128xi32, #tpu.memory_space<vmem>> -> memref<128xi32, #tpu.memory_space<vmem>>
    %dma_start3A_82 = arith.constant 0 : i32
    %dma_start3A_83 = arith.constant 0 : i32
    %dma_start3A_84 = tpu.memref_slice %arg2[%dma_start3A_82, %dma_start3A_83] : memref<10240x128xf32, #tpu.memory_space<hbm>> -> memref<10240x128xf32, #tpu.memory_space<hbm>>
    tpu.enqueue_indirect_dma source(%dma_start3A_84 : memref<10240x128xf32, #tpu.memory_space<hbm>>) target(%arg8 : memref<128x128xf32, #tpu.memory_space<vmem>>) offsets(%dma_start3A_81 : memref<128xi32, #tpu.memory_space<vmem>>) semaphore(%arg12 : memref<!tpu.dma_semaphore, #tpu.memory_space<semaphore_mem>>)
    %scan3A_85 = arith.constant 0 : i32
    %scan3A_86 = arith.constant 0 : i32
    %scan3A_87 = arith.constant 19 : i32
    %scan3A_88 = arith.addi %scan3A_86, %scan3A_87 : i32
    %scan3A_89 = arith.constant 1 : i32
    %scan3A_90 = scf.for %scan3A_113 = %scan3A_86 to %scan3A_88 step %scan3A_89 iter_args(%scan3A_114 = %scan3A_85) -> (i32)  : i32 {
      %mul3A_115 = arith.constant 2 : i32
      %mul3A_116 = arith.muli %scan3A_113, %mul3A_115 : i32
      %dma_wait3A_117 = arith.constant 0 : i32
      %dma_wait3A_118 = tpu.memref_slice %arg9[%mul3A_116, %dma_wait3A_117] : memref<40x128xi32, #tpu.memory_space<vmem>> -> memref<1x128xi32, #tpu.memory_space<vmem>>
      %dma_wait3A_119 = tpu.memref_squeeze %dma_wait3A_118 : memref<1x128xi32, #tpu.memory_space<vmem>> -> memref<128xi32, #tpu.memory_space<vmem>>
      %dma_wait3A_120 = arith.constant 0 : i32
      %dma_wait3A_121 = arith.constant 0 : i32
      %dma_wait3A_122 = tpu.memref_slice %arg2[%dma_wait3A_120, %dma_wait3A_121] : memref<10240x128xf32, #tpu.memory_space<hbm>> -> memref<10240x128xf32, #tpu.memory_space<hbm>>
      tpu.wait_indirect_dma semaphore(%arg11 : memref<!tpu.dma_semaphore, #tpu.memory_space<semaphore_mem>>) src(%dma_wait3A_122 : memref<10240x128xf32, #tpu.memory_space<hbm>>) dst(%arg7 : memref<128x128xf32, #tpu.memory_space<vmem>>)
      "tpu.region"() ({
        %run_scoped3A_150 = tpu.sem_alloc : memref<!tpu.dma_semaphore, #tpu.memory_space<semaphore_mem>>
        %dma_start3A_151 = arith.constant 0 : i32
        %dma_start3A_152 = tpu.memref_slice %arg10[%mul3A_116, %dma_start3A_151] : memref<40x128xi32, #tpu.memory_space<vmem>> -> memref<1x128xi32, #tpu.memory_space<vmem>>
        %dma_start3A_153 = tpu.memref_squeeze %dma_start3A_152 : memref<1x128xi32, #tpu.memory_space<vmem>> -> memref<128xi32, #tpu.memory_space<vmem>>
        %dma_start3A_154 = arith.constant 0 : i32
        %dma_start3A_155 = arith.constant 0 : i32
        %dma_start3A_156 = tpu.memref_slice %arg6[%dma_start3A_154, %dma_start3A_155] : memref<10240x128xf32, #tpu.memory_space<vmem_shared>> -> memref<10240x128xf32, #tpu.memory_space<vmem_shared>>
        tpu.enqueue_indirect_dma source(%arg7 : memref<128x128xf32, #tpu.memory_space<vmem>>) target(%dma_start3A_156 : memref<10240x128xf32, #tpu.memory_space<vmem_shared>>) offsets(%dma_start3A_153 : memref<128xi32, #tpu.memory_space<vmem>>) semaphore(%run_scoped3A_150 : memref<!tpu.dma_semaphore, #tpu.memory_space<semaphore_mem>>) {add = true}
        %dma_wait3A_157 = arith.constant 0 : i32
        %dma_wait3A_158 = tpu.memref_slice %arg10[%mul3A_116, %dma_wait3A_157] : memref<40x128xi32, #tpu.memory_space<vmem>> -> memref<1x128xi32, #tpu.memory_space<vmem>>
        %dma_wait3A_159 = tpu.memref_squeeze %dma_wait3A_158 : memref<1x128xi32, #tpu.memory_space<vmem>> -> memref<128xi32, #tpu.memory_space<vmem>>
        %dma_wait3A_160 = arith.constant 0 : i32
        %dma_wait3A_161 = arith.constant 0 : i32
        %dma_wait3A_162 = tpu.memref_slice %arg6[%dma_wait3A_160, %dma_wait3A_161] : memref<10240x128xf32, #tpu.memory_space<vmem_shared>> -> memref<10240x128xf32, #tpu.memory_space<vmem_shared>>
        tpu.wait_indirect_dma semaphore(%run_scoped3A_150 : memref<!tpu.dma_semaphore, #tpu.memory_space<semaphore_mem>>) src(%arg7 : memref<128x128xf32, #tpu.memory_space<vmem>>) dst(%dma_wait3A_162 : memref<10240x128xf32, #tpu.memory_space<vmem_shared>>)
        tpu.yield
      }) : () -> ()
      %add3A_123 = arith.constant 2 : i32
      %add3A_124 = arith.addi %mul3A_116, %add3A_123 : i32
      %dma_start3A_125 = arith.constant 0 : i32
      %dma_start3A_126 = tpu.memref_slice %arg9[%add3A_124, %dma_start3A_125] : memref<40x128xi32, #tpu.memory_space<vmem>> -> memref<1x128xi32, #tpu.memory_space<vmem>>
      %dma_start3A_127 = tpu.memref_squeeze %dma_start3A_126 : memref<1x128xi32, #tpu.memory_space<vmem>> -> memref<128xi32, #tpu.memory_space<vmem>>
      %dma_start3A_128 = arith.constant 0 : i32
      %dma_start3A_129 = arith.constant 0 : i32
      %dma_start3A_130 = tpu.memref_slice %arg2[%dma_start3A_128, %dma_start3A_129] : memref<10240x128xf32, #tpu.memory_space<hbm>> -> memref<10240x128xf32, #tpu.memory_space<hbm>>
      tpu.enqueue_indirect_dma source(%dma_start3A_130 : memref<10240x128xf32, #tpu.memory_space<hbm>>) target(%arg7 : memref<128x128xf32, #tpu.memory_space<vmem>>) offsets(%dma_start3A_127 : memref<128xi32, #tpu.memory_space<vmem>>) semaphore(%arg11 : memref<!tpu.dma_semaphore, #tpu.memory_space<semaphore_mem>>)
      %add3A_131 = arith.constant 1 : i32
      %add3A_132 = arith.addi %mul3A_116, %add3A_131 : i32
      %dma_wait3A_133 = arith.constant 0 : i32
      %dma_wait3A_134 = tpu.memref_slice %arg9[%add3A_132, %dma_wait3A_133] : memref<40x128xi32, #tpu.memory_space<vmem>> -> memref<1x128xi32, #tpu.memory_space<vmem>>
      %dma_wait3A_135 = tpu.memref_squeeze %dma_wait3A_134 : memref<1x128xi32, #tpu.memory_space<vmem>> -> memref<128xi32, #tpu.memory_space<vmem>>
      %dma_wait3A_136 = arith.constant 0 : i32
      %dma_wait3A_137 = arith.constant 0 : i32
      %dma_wait3A_138 = tpu.memref_slice %arg2[%dma_wait3A_136, %dma_wait3A_137] : memref<10240x128xf32, #tpu.memory_space<hbm>> -> memref<10240x128xf32, #tpu.memory_space<hbm>>
      tpu.wait_indirect_dma semaphore(%arg12 : memref<!tpu.dma_semaphore, #tpu.memory_space<semaphore_mem>>) src(%dma_wait3A_138 : memref<10240x128xf32, #tpu.memory_space<hbm>>) dst(%arg8 : memref<128x128xf32, #tpu.memory_space<vmem>>)
      %add3A_139 = arith.constant 1 : i32
      %add3A_140 = arith.addi %mul3A_116, %add3A_139 : i32
      "tpu.region"() ({
        %run_scoped3A_150 = tpu.sem_alloc : memref<!tpu.dma_semaphore, #tpu.memory_space<semaphore_mem>>
        %dma_start3A_151 = arith.constant 0 : i32
        %dma_start3A_152 = tpu.memref_slice %arg10[%add3A_140, %dma_start3A_151] : memref<40x128xi32, #tpu.memory_space<vmem>> -> memref<1x128xi32, #tpu.memory_space<vmem>>
        %dma_start3A_153 = tpu.memref_squeeze %dma_start3A_152 : memref<1x128xi32, #tpu.memory_space<vmem>> -> memref<128xi32, #tpu.memory_space<vmem>>
        %dma_start3A_154 = arith.constant 0 : i32
        %dma_start3A_155 = arith.constant 0 : i32
        %dma_start3A_156 = tpu.memref_slice %arg6[%dma_start3A_154, %dma_start3A_155] : memref<10240x128xf32, #tpu.memory_space<vmem_shared>> -> memref<10240x128xf32, #tpu.memory_space<vmem_shared>>
        tpu.enqueue_indirect_dma source(%arg8 : memref<128x128xf32, #tpu.memory_space<vmem>>) target(%dma_start3A_156 : memref<10240x128xf32, #tpu.memory_space<vmem_shared>>) offsets(%dma_start3A_153 : memref<128xi32, #tpu.memory_space<vmem>>) semaphore(%run_scoped3A_150 : memref<!tpu.dma_semaphore, #tpu.memory_space<semaphore_mem>>) {add = true}
        %dma_wait3A_157 = arith.constant 0 : i32
        %dma_wait3A_158 = tpu.memref_slice %arg10[%add3A_140, %dma_wait3A_157] : memref<40x128xi32, #tpu.memory_space<vmem>> -> memref<1x128xi32, #tpu.memory_space<vmem>>
        %dma_wait3A_159 = tpu.memref_squeeze %dma_wait3A_158 : memref<1x128xi32, #tpu.memory_space<vmem>> -> memref<128xi32, #tpu.memory_space<vmem>>
        %dma_wait3A_160 = arith.constant 0 : i32
        %dma_wait3A_161 = arith.constant 0 : i32
        %dma_wait3A_162 = tpu.memref_slice %arg6[%dma_wait3A_160, %dma_wait3A_161] : memref<10240x128xf32, #tpu.memory_space<vmem_shared>> -> memref<10240x128xf32, #tpu.memory_space<vmem_shared>>
        tpu.wait_indirect_dma semaphore(%run_scoped3A_150 : memref<!tpu.dma_semaphore, #tpu.memory_space<semaphore_mem>>) src(%arg8 : memref<128x128xf32, #tpu.memory_space<vmem>>) dst(%dma_wait3A_162 : memref<10240x128xf32, #tpu.memory_space<vmem_shared>>)
        tpu.yield
      }) : () -> ()
      %add3A_141 = arith.constant 3 : i32
      %add3A_142 = arith.addi %mul3A_116, %add3A_141 : i32
      %dma_start3A_143 = arith.constant 0 : i32
      %dma_start3A_144 = tpu.memref_slice %arg9[%add3A_142, %dma_start3A_143] : memref<40x128xi32, #tpu.memory_space<vmem>> -> memref<1x128xi32, #tpu.memory_space<vmem>>
      %dma_start3A_145 = tpu.memref_squeeze %dma_start3A_144 : memref<1x128xi32, #tpu.memory_space<vmem>> -> memref<128xi32, #tpu.memory_space<vmem>>
      %dma_start3A_146 = arith.constant 0 : i32
      %dma_start3A_147 = arith.constant 0 : i32
      %dma_start3A_148 = tpu.memref_slice %arg2[%dma_start3A_146, %dma_start3A_147] : memref<10240x128xf32, #tpu.memory_space<hbm>> -> memref<10240x128xf32, #tpu.memory_space<hbm>>
      tpu.enqueue_indirect_dma source(%dma_start3A_148 : memref<10240x128xf32, #tpu.memory_space<hbm>>) target(%arg8 : memref<128x128xf32, #tpu.memory_space<vmem>>) offsets(%dma_start3A_145 : memref<128xi32, #tpu.memory_space<vmem>>) semaphore(%arg12 : memref<!tpu.dma_semaphore, #tpu.memory_space<semaphore_mem>>)
      %scan3A_149 = arith.constant 0 : i32
      scf.yield %scan3A_149 : i32
    }
    %scan3A_91 = arith.constant 19 : i32
    %dma_wait3A_92 = arith.constant 38 : i32
    %dma_wait3A_93 = arith.constant 0 : i32
    %dma_wait3A_94 = tpu.memref_slice %arg9[%dma_wait3A_92, %dma_wait3A_93] : memref<40x128xi32, #tpu.memory_space<vmem>> -> memref<1x128xi32, #tpu.memory_space<vmem>>
    %dma_wait3A_95 = tpu.memref_squeeze %dma_wait3A_94 : memref<1x128xi32, #tpu.memory_space<vmem>> -> memref<128xi32, #tpu.memory_space<vmem>>
    %dma_wait3A_96 = arith.constant 0 : i32
    %dma_wait3A_97 = arith.constant 0 : i32
    %dma_wait3A_98 = tpu.memref_slice %arg2[%dma_wait3A_96, %dma_wait3A_97] : memref<10240x128xf32, #tpu.memory_space<hbm>> -> memref<10240x128xf32, #tpu.memory_space<hbm>>
    tpu.wait_indirect_dma semaphore(%arg11 : memref<!tpu.dma_semaphore, #tpu.memory_space<semaphore_mem>>) src(%dma_wait3A_98 : memref<10240x128xf32, #tpu.memory_space<hbm>>) dst(%arg7 : memref<128x128xf32, #tpu.memory_space<vmem>>)
    %run_scoped3A_99 = arith.constant 38 : i32
    "tpu.region"() ({
      %run_scoped3A_113 = tpu.sem_alloc : memref<!tpu.dma_semaphore, #tpu.memory_space<semaphore_mem>>
      %dma_start3A_114 = arith.constant 0 : i32
      %dma_start3A_115 = tpu.memref_slice %arg10[%run_scoped3A_99, %dma_start3A_114] : memref<40x128xi32, #tpu.memory_space<vmem>> -> memref<1x128xi32, #tpu.memory_space<vmem>>
      %dma_start3A_116 = tpu.memref_squeeze %dma_start3A_115 : memref<1x128xi32, #tpu.memory_space<vmem>> -> memref<128xi32, #tpu.memory_space<vmem>>
      %dma_start3A_117 = arith.constant 0 : i32
      %dma_start3A_118 = arith.constant 0 : i32
      %dma_start3A_119 = tpu.memref_slice %arg6[%dma_start3A_117, %dma_start3A_118] : memref<10240x128xf32, #tpu.memory_space<vmem_shared>> -> memref<10240x128xf32, #tpu.memory_space<vmem_shared>>
      tpu.enqueue_indirect_dma source(%arg7 : memref<128x128xf32, #tpu.memory_space<vmem>>) target(%dma_start3A_119 : memref<10240x128xf32, #tpu.memory_space<vmem_shared>>) offsets(%dma_start3A_116 : memref<128xi32, #tpu.memory_space<vmem>>) semaphore(%run_scoped3A_113 : memref<!tpu.dma_semaphore, #tpu.memory_space<semaphore_mem>>) {add = true}
      %dma_wait3A_120 = arith.constant 0 : i32
      %dma_wait3A_121 = tpu.memref_slice %arg10[%run_scoped3A_99, %dma_wait3A_120] : memref<40x128xi32, #tpu.memory_space<vmem>> -> memref<1x128xi32, #tpu.memory_space<vmem>>
      %dma_wait3A_122 = tpu.memref_squeeze %dma_wait3A_121 : memref<1x128xi32, #tpu.memory_space<vmem>> -> memref<128xi32, #tpu.memory_space<vmem>>
      %dma_wait3A_123 = arith.constant 0 : i32
      %dma_wait3A_124 = arith.constant 0 : i32
      %dma_wait3A_125 = tpu.memref_slice %arg6[%dma_wait3A_123, %dma_wait3A_124] : memref<10240x128xf32, #tpu.memory_space<vmem_shared>> -> memref<10240x128xf32, #tpu.memory_space<vmem_shared>>
      tpu.wait_indirect_dma semaphore(%run_scoped3A_113 : memref<!tpu.dma_semaphore, #tpu.memory_space<semaphore_mem>>) src(%arg7 : memref<128x128xf32, #tpu.memory_space<vmem>>) dst(%dma_wait3A_125 : memref<10240x128xf32, #tpu.memory_space<vmem_shared>>)
      tpu.yield
    }) : () -> ()
    %dma_wait3A_100 = arith.constant 39 : i32
    %dma_wait3A_101 = arith.constant 0 : i32
    %dma_wait3A_102 = tpu.memref_slice %arg9[%dma_wait3A_100, %dma_wait3A_101] : memref<40x128xi32, #tpu.memory_space<vmem>> -> memref<1x128xi32, #tpu.memory_space<vmem>>
    %dma_wait3A_103 = tpu.memref_squeeze %dma_wait3A_102 : memref<1x128xi32, #tpu.memory_space<vmem>> -> memref<128xi32, #tpu.memory_space<vmem>>
    %dma_wait3A_104 = arith.constant 0 : i32
    %dma_wait3A_105 = arith.constant 0 : i32
    %dma_wait3A_106 = tpu.memref_slice %arg2[%dma_wait3A_104, %dma_wait3A_105] : memref<10240x128xf32, #tpu.memory_space<hbm>> -> memref<10240x128xf32, #tpu.memory_space<hbm>>
    tpu.wait_indirect_dma semaphore(%arg12 : memref<!tpu.dma_semaphore, #tpu.memory_space<semaphore_mem>>) src(%dma_wait3A_106 : memref<10240x128xf32, #tpu.memory_space<hbm>>) dst(%arg8 : memref<128x128xf32, #tpu.memory_space<vmem>>)
    %run_scoped3A_107 = arith.constant 39 : i32
    "tpu.region"() ({
      %run_scoped3A_113 = tpu.sem_alloc : memref<!tpu.dma_semaphore, #tpu.memory_space<semaphore_mem>>
      %dma_start3A_114 = arith.constant 0 : i32
      %dma_start3A_115 = tpu.memref_slice %arg10[%run_scoped3A_107, %dma_start3A_114] : memref<40x128xi32, #tpu.memory_space<vmem>> -> memref<1x128xi32, #tpu.memory_space<vmem>>
      %dma_start3A_116 = tpu.memref_squeeze %dma_start3A_115 : memref<1x128xi32, #tpu.memory_space<vmem>> -> memref<128xi32, #tpu.memory_space<vmem>>
      %dma_start3A_117 = arith.constant 0 : i32
      %dma_start3A_118 = arith.constant 0 : i32
      %dma_start3A_119 = tpu.memref_slice %arg6[%dma_start3A_117, %dma_start3A_118] : memref<10240x128xf32, #tpu.memory_space<vmem_shared>> -> memref<10240x128xf32, #tpu.memory_space<vmem_shared>>
      tpu.enqueue_indirect_dma source(%arg8 : memref<128x128xf32, #tpu.memory_space<vmem>>) target(%dma_start3A_119 : memref<10240x128xf32, #tpu.memory_space<vmem_shared>>) offsets(%dma_start3A_116 : memref<128xi32, #tpu.memory_space<vmem>>) semaphore(%run_scoped3A_113 : memref<!tpu.dma_semaphore, #tpu.memory_space<semaphore_mem>>) {add = true}
      %dma_wait3A_120 = arith.constant 0 : i32
      %dma_wait3A_121 = tpu.memref_slice %arg10[%run_scoped3A_107, %dma_wait3A_120] : memref<40x128xi32, #tpu.memory_space<vmem>> -> memref<1x128xi32, #tpu.memory_space<vmem>>
      %dma_wait3A_122 = tpu.memref_squeeze %dma_wait3A_121 : memref<1x128xi32, #tpu.memory_space<vmem>> -> memref<128xi32, #tpu.memory_space<vmem>>
      %dma_wait3A_123 = arith.constant 0 : i32
      %dma_wait3A_124 = arith.constant 0 : i32
      %dma_wait3A_125 = tpu.memref_slice %arg6[%dma_wait3A_123, %dma_wait3A_124] : memref<10240x128xf32, #tpu.memory_space<vmem_shared>> -> memref<10240x128xf32, #tpu.memory_space<vmem_shared>>
      tpu.wait_indirect_dma semaphore(%run_scoped3A_113 : memref<!tpu.dma_semaphore, #tpu.memory_space<semaphore_mem>>) src(%arg8 : memref<128x128xf32, #tpu.memory_space<vmem>>) dst(%dma_wait3A_125 : memref<10240x128xf32, #tpu.memory_space<vmem_shared>>)
      tpu.yield
    }) : () -> ()
    %barrier3A_108 = arith.constant 0 : index
    tpu.barrier barrier_id(%barrier3A_108)
    %mul3A_109 = arith.constant 640 : i32
    %mul3A_110 = arith.muli %arg1, %mul3A_109 : i32
    %mul3A_111 = arith.constant 640 : i32
    %mul3A_112 = arith.muli %arg1, %mul3A_111 : i32
    "tpu.region"() ({
      %run_scoped3A_113 = tpu.sem_alloc : memref<!tpu.dma_semaphore, #tpu.memory_space<semaphore_mem>>
      %dma_start3A_114 = arith.constant 0 : i32
      %dma_start3A_115 = tpu.memref_slice %arg5[%arg0, %mul3A_112, %dma_start3A_114] : memref<2x10240x128xf32, #tpu.memory_space<hbm>> -> memref<1x640x128xf32, #tpu.memory_space<hbm>>
      %dma_start3A_116 = tpu.memref_squeeze %dma_start3A_115 : memref<1x640x128xf32, #tpu.memory_space<hbm>> -> memref<640x128xf32, #tpu.memory_space<hbm>>
      %dma_start3A_117 = arith.constant 0 : i32
      %dma_start3A_118 = tpu.memref_slice %arg6[%mul3A_110, %dma_start3A_117] : memref<10240x128xf32, #tpu.memory_space<vmem_shared>> -> memref<640x128xf32, #tpu.memory_space<vmem_shared>>
      tpu.enqueue_dma source(%dma_start3A_118 : memref<640x128xf32, #tpu.memory_space<vmem_shared>>) target(%dma_start3A_116 : memref<640x128xf32, #tpu.memory_space<hbm>>) target_semaphore(%run_scoped3A_113 : memref<!tpu.dma_semaphore, #tpu.memory_space<semaphore_mem>>)
      %dma_wait3A_119 = arith.constant 0 : i32
      %dma_wait3A_120 = tpu.memref_slice %arg5[%arg0, %mul3A_112, %dma_wait3A_119] : memref<2x10240x128xf32, #tpu.memory_space<hbm>> -> memref<1x640x128xf32, #tpu.memory_space<hbm>>
      %dma_wait3A_121 = tpu.memref_squeeze %dma_wait3A_120 : memref<1x640x128xf32, #tpu.memory_space<hbm>> -> memref<640x128xf32, #tpu.memory_space<hbm>>
      %dma_wait3A_122 = arith.constant 0 : i32
      %dma_wait3A_123 = tpu.memref_slice %arg6[%mul3A_110, %dma_wait3A_122] : memref<10240x128xf32, #tpu.memory_space<vmem_shared>> -> memref<640x128xf32, #tpu.memory_space<vmem_shared>>
      tpu.wait_dma2 semaphore(%run_scoped3A_113 : memref<!tpu.dma_semaphore, #tpu.memory_space<semaphore_mem>>) src(%dma_wait3A_123 : memref<640x128xf32, #tpu.memory_space<vmem_shared>>) dst(%dma_wait3A_121 : memref<640x128xf32, #tpu.memory_space<hbm>>)
      tpu.yield
    }) : () -> ()
    return
  }
}

#map = affine_map<(d0, d1) -> (0, 0)>
#map1 = affine_map<(d0, d1) -> (0, 0, 0)>
module attributes {stable_mosaic.version = 14 : i64} {
  func.func @_deg_kernel(%arg0: i32, %arg1: i32, %arg2: memref<2560x128xi32, #tpu.memory_space<hbm>>, %arg3: memref<2x10240x128xf32, #tpu.memory_space<hbm>>, %arg4: memref<10240x128xf32, #tpu.memory_space<vmem_shared>>, %arg5: memref<128x128xf32, #tpu.memory_space<vmem>>, %arg6: memref<80x128xi32, #tpu.memory_space<vmem>>, %arg7: memref<64x128xf32, #tpu.memory_space<vmem>>, %arg8: memref<!tpu.dma_semaphore, #tpu.memory_space<semaphore_mem>>) attributes {dimension_semantics = [#tpu.dimension_semantics<core_parallel>, #tpu.dimension_semantics<subcore_parallel>], iteration_bounds = array<i64: 2, 16>, scalar_prefetch = 0 : i64, scratch_operands = 5 : i64, tpu.core_type = #tpu.core_type<sc_vector_subcore>, window_params = [{transform_indices = #map}, {transform_indices = #map1}]} {
    %mul3A = arith.constant 2 : i32
    %mul3A_0 = arith.muli %arg1, %mul3A : i32
    %add3A = arith.addi %mul3A_0, %arg0 : i32
    %scan3A = arith.constant 0 : i32
    %scan3A_1 = arith.constant 0 : i32
    %scan3A_2 = arith.constant 64 : i32
    %scan3A_3 = arith.addi %scan3A_1, %scan3A_2 : i32
    %scan3A_4 = arith.constant 1 : i32
    %scan3A_5 = scf.for %scan3A_68 = %scan3A_1 to %scan3A_3 step %scan3A_4 iter_args(%scan3A_69 = %scan3A) -> (i32)  : i32 {
      %broadcast_in_dim3A = arith.constant 0.000000e+00 : f32
      %broadcast_in_dim3A_70 = vector.broadcast %broadcast_in_dim3A : f32 to vector<16xf32>
      %swap3A = arith.index_cast %scan3A_68 : i32 to index
      %swap3A_71 = arith.constant 0 : index
      %swap3A_72 = tpu.vector_load %arg7[%swap3A, %swap3A_71] {strides = array<i32>} : memref<64x128xf32, #tpu.memory_space<vmem>>, vector<1x16xf32>,
      %swap3A_73 = vector.shape_cast %swap3A_72 : vector<1x16xf32> to vector<16xf32>
      %swap3A_74 = vector.shape_cast %broadcast_in_dim3A_70 : vector<16xf32> to vector<1x16xf32>
      tpu.vector_store %arg7[%swap3A, %swap3A_71], %swap3A_74 {strides = array<i32>} : memref<64x128xf32, #tpu.memory_space<vmem>>, vector<1x16xf32>,
      %broadcast_in_dim3A_75 = arith.constant 0.000000e+00 : f32
      %broadcast_in_dim3A_76 = vector.broadcast %broadcast_in_dim3A_75 : f32 to vector<16xf32>
      %swap3A_77 = arith.index_cast %scan3A_68 : i32 to index
      %swap3A_78 = arith.constant 16 : index
      %swap3A_79 = tpu.vector_load %arg7[%swap3A_77, %swap3A_78] {strides = array<i32>} : memref<64x128xf32, #tpu.memory_space<vmem>>, vector<1x16xf32>,
      %swap3A_80 = vector.shape_cast %swap3A_79 : vector<1x16xf32> to vector<16xf32>
      %swap3A_81 = vector.shape_cast %broadcast_in_dim3A_76 : vector<16xf32> to vector<1x16xf32>
      tpu.vector_store %arg7[%swap3A_77, %swap3A_78], %swap3A_81 {strides = array<i32>} : memref<64x128xf32, #tpu.memory_space<vmem>>, vector<1x16xf32>,
      %broadcast_in_dim3A_82 = arith.constant 0.000000e+00 : f32
      %broadcast_in_dim3A_83 = vector.broadcast %broadcast_in_dim3A_82 : f32 to vector<16xf32>
      %swap3A_84 = arith.index_cast %scan3A_68 : i32 to index
      %swap3A_85 = arith.constant 32 : index
      %swap3A_86 = tpu.vector_load %arg7[%swap3A_84, %swap3A_85] {strides = array<i32>} : memref<64x128xf32, #tpu.memory_space<vmem>>, vector<1x16xf32>,
      %swap3A_87 = vector.shape_cast %swap3A_86 : vector<1x16xf32> to vector<16xf32>
      %swap3A_88 = vector.shape_cast %broadcast_in_dim3A_83 : vector<16xf32> to vector<1x16xf32>
      tpu.vector_store %arg7[%swap3A_84, %swap3A_85], %swap3A_88 {strides = array<i32>} : memref<64x128xf32, #tpu.memory_space<vmem>>, vector<1x16xf32>,
      %broadcast_in_dim3A_89 = arith.constant 0.000000e+00 : f32
      %broadcast_in_dim3A_90 = vector.broadcast %broadcast_in_dim3A_89 : f32 to vector<16xf32>
      %swap3A_91 = arith.index_cast %scan3A_68 : i32 to index
      %swap3A_92 = arith.constant 48 : index
      %swap3A_93 = tpu.vector_load %arg7[%swap3A_91, %swap3A_92] {strides = array<i32>} : memref<64x128xf32, #tpu.memory_space<vmem>>, vector<1x16xf32>,
      %swap3A_94 = vector.shape_cast %swap3A_93 : vector<1x16xf32> to vector<16xf32>
      %swap3A_95 = vector.shape_cast %broadcast_in_dim3A_90 : vector<16xf32> to vector<1x16xf32>
      tpu.vector_store %arg7[%swap3A_91, %swap3A_92], %swap3A_95 {strides = array<i32>} : memref<64x128xf32, #tpu.memory_space<vmem>>, vector<1x16xf32>,
      %broadcast_in_dim3A_96 = arith.constant 0.000000e+00 : f32
      %broadcast_in_dim3A_97 = vector.broadcast %broadcast_in_dim3A_96 : f32 to vector<16xf32>
      %swap3A_98 = arith.index_cast %scan3A_68 : i32 to index
      %swap3A_99 = arith.constant 64 : index
      %swap3A_100 = tpu.vector_load %arg7[%swap3A_98, %swap3A_99] {strides = array<i32>} : memref<64x128xf32, #tpu.memory_space<vmem>>, vector<1x16xf32>,
      %swap3A_101 = vector.shape_cast %swap3A_100 : vector<1x16xf32> to vector<16xf32>
      %swap3A_102 = vector.shape_cast %broadcast_in_dim3A_97 : vector<16xf32> to vector<1x16xf32>
      tpu.vector_store %arg7[%swap3A_98, %swap3A_99], %swap3A_102 {strides = array<i32>} : memref<64x128xf32, #tpu.memory_space<vmem>>, vector<1x16xf32>,
      %broadcast_in_dim3A_103 = arith.constant 0.000000e+00 : f32
      %broadcast_in_dim3A_104 = vector.broadcast %broadcast_in_dim3A_103 : f32 to vector<16xf32>
      %swap3A_105 = arith.index_cast %scan3A_68 : i32 to index
      %swap3A_106 = arith.constant 80 : index
      %swap3A_107 = tpu.vector_load %arg7[%swap3A_105, %swap3A_106] {strides = array<i32>} : memref<64x128xf32, #tpu.memory_space<vmem>>, vector<1x16xf32>,
      %swap3A_108 = vector.shape_cast %swap3A_107 : vector<1x16xf32> to vector<16xf32>
      %swap3A_109 = vector.shape_cast %broadcast_in_dim3A_104 : vector<16xf32> to vector<1x16xf32>
      tpu.vector_store %arg7[%swap3A_105, %swap3A_106], %swap3A_109 {strides = array<i32>} : memref<64x128xf32, #tpu.memory_space<vmem>>, vector<1x16xf32>,
      %broadcast_in_dim3A_110 = arith.constant 0.000000e+00 : f32
      %broadcast_in_dim3A_111 = vector.broadcast %broadcast_in_dim3A_110 : f32 to vector<16xf32>
      %swap3A_112 = arith.index_cast %scan3A_68 : i32 to index
      %swap3A_113 = arith.constant 96 : index
      %swap3A_114 = tpu.vector_load %arg7[%swap3A_112, %swap3A_113] {strides = array<i32>} : memref<64x128xf32, #tpu.memory_space<vmem>>, vector<1x16xf32>,
      %swap3A_115 = vector.shape_cast %swap3A_114 : vector<1x16xf32> to vector<16xf32>
      %swap3A_116 = vector.shape_cast %broadcast_in_dim3A_111 : vector<16xf32> to vector<1x16xf32>
      tpu.vector_store %arg7[%swap3A_112, %swap3A_113], %swap3A_116 {strides = array<i32>} : memref<64x128xf32, #tpu.memory_space<vmem>>, vector<1x16xf32>,
      %broadcast_in_dim3A_117 = arith.constant 0.000000e+00 : f32
      %broadcast_in_dim3A_118 = vector.broadcast %broadcast_in_dim3A_117 : f32 to vector<16xf32>
      %swap3A_119 = arith.index_cast %scan3A_68 : i32 to index
      %swap3A_120 = arith.constant 112 : index
      %swap3A_121 = tpu.vector_load %arg7[%swap3A_119, %swap3A_120] {strides = array<i32>} : memref<64x128xf32, #tpu.memory_space<vmem>>, vector<1x16xf32>,
      %swap3A_122 = vector.shape_cast %swap3A_121 : vector<1x16xf32> to vector<16xf32>
      %swap3A_123 = vector.shape_cast %broadcast_in_dim3A_118 : vector<16xf32> to vector<1x16xf32>
      tpu.vector_store %arg7[%swap3A_119, %swap3A_120], %swap3A_123 {strides = array<i32>} : memref<64x128xf32, #tpu.memory_space<vmem>>, vector<1x16xf32>,
      %scan3A_124 = arith.constant 0 : i32
      scf.yield %scan3A_124 : i32
    }
    %scan3A_6 = arith.constant 64 : i32
    %scan3A_7 = arith.constant 0 : i32
    %scan3A_8 = arith.constant 0 : i32
    %scan3A_9 = arith.constant 128 : i32
    %scan3A_10 = arith.addi %scan3A_8, %scan3A_9 : i32
    %scan3A_11 = arith.constant 1 : i32
    %scan3A_12 = scf.for %scan3A_68 = %scan3A_8 to %scan3A_10 step %scan3A_11 iter_args(%scan3A_69 = %scan3A_7) -> (i32)  : i32 {
      %broadcast_in_dim3A = arith.constant 1.000000e+00 : f32
      %broadcast_in_dim3A_70 = vector.broadcast %broadcast_in_dim3A : f32 to vector<16xf32>
      %swap3A = arith.index_cast %scan3A_68 : i32 to index
      %swap3A_71 = arith.constant 0 : index
      %swap3A_72 = tpu.vector_load %arg5[%swap3A, %swap3A_71] {strides = array<i32>} : memref<128x128xf32, #tpu.memory_space<vmem>>, vector<1x16xf32>,
      %swap3A_73 = vector.shape_cast %swap3A_72 : vector<1x16xf32> to vector<16xf32>
      %swap3A_74 = vector.shape_cast %broadcast_in_dim3A_70 : vector<16xf32> to vector<1x16xf32>
      tpu.vector_store %arg5[%swap3A, %swap3A_71], %swap3A_74 {strides = array<i32>} : memref<128x128xf32, #tpu.memory_space<vmem>>, vector<1x16xf32>,
      %broadcast_in_dim3A_75 = arith.constant 1.000000e+00 : f32
      %broadcast_in_dim3A_76 = vector.broadcast %broadcast_in_dim3A_75 : f32 to vector<16xf32>
      %swap3A_77 = arith.index_cast %scan3A_68 : i32 to index
      %swap3A_78 = arith.constant 16 : index
      %swap3A_79 = tpu.vector_load %arg5[%swap3A_77, %swap3A_78] {strides = array<i32>} : memref<128x128xf32, #tpu.memory_space<vmem>>, vector<1x16xf32>,
      %swap3A_80 = vector.shape_cast %swap3A_79 : vector<1x16xf32> to vector<16xf32>
      %swap3A_81 = vector.shape_cast %broadcast_in_dim3A_76 : vector<16xf32> to vector<1x16xf32>
      tpu.vector_store %arg5[%swap3A_77, %swap3A_78], %swap3A_81 {strides = array<i32>} : memref<128x128xf32, #tpu.memory_space<vmem>>, vector<1x16xf32>,
      %broadcast_in_dim3A_82 = arith.constant 1.000000e+00 : f32
      %broadcast_in_dim3A_83 = vector.broadcast %broadcast_in_dim3A_82 : f32 to vector<16xf32>
      %swap3A_84 = arith.index_cast %scan3A_68 : i32 to index
      %swap3A_85 = arith.constant 32 : index
      %swap3A_86 = tpu.vector_load %arg5[%swap3A_84, %swap3A_85] {strides = array<i32>} : memref<128x128xf32, #tpu.memory_space<vmem>>, vector<1x16xf32>,
      %swap3A_87 = vector.shape_cast %swap3A_86 : vector<1x16xf32> to vector<16xf32>
      %swap3A_88 = vector.shape_cast %broadcast_in_dim3A_83 : vector<16xf32> to vector<1x16xf32>
      tpu.vector_store %arg5[%swap3A_84, %swap3A_85], %swap3A_88 {strides = array<i32>} : memref<128x128xf32, #tpu.memory_space<vmem>>, vector<1x16xf32>,
      %broadcast_in_dim3A_89 = arith.constant 1.000000e+00 : f32
      %broadcast_in_dim3A_90 = vector.broadcast %broadcast_in_dim3A_89 : f32 to vector<16xf32>
      %swap3A_91 = arith.index_cast %scan3A_68 : i32 to index
      %swap3A_92 = arith.constant 48 : index
      %swap3A_93 = tpu.vector_load %arg5[%swap3A_91, %swap3A_92] {strides = array<i32>} : memref<128x128xf32, #tpu.memory_space<vmem>>, vector<1x16xf32>,
      %swap3A_94 = vector.shape_cast %swap3A_93 : vector<1x16xf32> to vector<16xf32>
      %swap3A_95 = vector.shape_cast %broadcast_in_dim3A_90 : vector<16xf32> to vector<1x16xf32>
      tpu.vector_store %arg5[%swap3A_91, %swap3A_92], %swap3A_95 {strides = array<i32>} : memref<128x128xf32, #tpu.memory_space<vmem>>, vector<1x16xf32>,
      %broadcast_in_dim3A_96 = arith.constant 1.000000e+00 : f32
      %broadcast_in_dim3A_97 = vector.broadcast %broadcast_in_dim3A_96 : f32 to vector<16xf32>
      %swap3A_98 = arith.index_cast %scan3A_68 : i32 to index
      %swap3A_99 = arith.constant 64 : index
      %swap3A_100 = tpu.vector_load %arg5[%swap3A_98, %swap3A_99] {strides = array<i32>} : memref<128x128xf32, #tpu.memory_space<vmem>>, vector<1x16xf32>,
      %swap3A_101 = vector.shape_cast %swap3A_100 : vector<1x16xf32> to vector<16xf32>
      %swap3A_102 = vector.shape_cast %broadcast_in_dim3A_97 : vector<16xf32> to vector<1x16xf32>
      tpu.vector_store %arg5[%swap3A_98, %swap3A_99], %swap3A_102 {strides = array<i32>} : memref<128x128xf32, #tpu.memory_space<vmem>>, vector<1x16xf32>,
      %broadcast_in_dim3A_103 = arith.constant 1.000000e+00 : f32
      %broadcast_in_dim3A_104 = vector.broadcast %broadcast_in_dim3A_103 : f32 to vector<16xf32>
      %swap3A_105 = arith.index_cast %scan3A_68 : i32 to index
      %swap3A_106 = arith.constant 80 : index
      %swap3A_107 = tpu.vector_load %arg5[%swap3A_105, %swap3A_106] {strides = array<i32>} : memref<128x128xf32, #tpu.memory_space<vmem>>, vector<1x16xf32>,
      %swap3A_108 = vector.shape_cast %swap3A_107 : vector<1x16xf32> to vector<16xf32>
      %swap3A_109 = vector.shape_cast %broadcast_in_dim3A_104 : vector<16xf32> to vector<1x16xf32>
      tpu.vector_store %arg5[%swap3A_105, %swap3A_106], %swap3A_109 {strides = array<i32>} : memref<128x128xf32, #tpu.memory_space<vmem>>, vector<1x16xf32>,
      %broadcast_in_dim3A_110 = arith.constant 1.000000e+00 : f32
      %broadcast_in_dim3A_111 = vector.broadcast %broadcast_in_dim3A_110 : f32 to vector<16xf32>
      %swap3A_112 = arith.index_cast %scan3A_68 : i32 to index
      %swap3A_113 = arith.constant 96 : index
      %swap3A_114 = tpu.vector_load %arg5[%swap3A_112, %swap3A_113] {strides = array<i32>} : memref<128x128xf32, #tpu.memory_space<vmem>>, vector<1x16xf32>,
      %swap3A_115 = vector.shape_cast %swap3A_114 : vector<1x16xf32> to vector<16xf32>
      %swap3A_116 = vector.shape_cast %broadcast_in_dim3A_111 : vector<16xf32> to vector<1x16xf32>
      tpu.vector_store %arg5[%swap3A_112, %swap3A_113], %swap3A_116 {strides = array<i32>} : memref<128x128xf32, #tpu.memory_space<vmem>>, vector<1x16xf32>,
      %broadcast_in_dim3A_117 = arith.constant 1.000000e+00 : f32
      %broadcast_in_dim3A_118 = vector.broadcast %broadcast_in_dim3A_117 : f32 to vector<16xf32>
      %swap3A_119 = arith.index_cast %scan3A_68 : i32 to index
      %swap3A_120 = arith.constant 112 : index
      %swap3A_121 = tpu.vector_load %arg5[%swap3A_119, %swap3A_120] {strides = array<i32>} : memref<128x128xf32, #tpu.memory_space<vmem>>, vector<1x16xf32>,
      %swap3A_122 = vector.shape_cast %swap3A_121 : vector<1x16xf32> to vector<16xf32>
      %swap3A_123 = vector.shape_cast %broadcast_in_dim3A_118 : vector<16xf32> to vector<1x16xf32>
      tpu.vector_store %arg5[%swap3A_119, %swap3A_120], %swap3A_123 {strides = array<i32>} : memref<128x128xf32, #tpu.memory_space<vmem>>, vector<1x16xf32>,
      %scan3A_124 = arith.constant 0 : i32
      scf.yield %scan3A_124 : i32
    }
    %scan3A_13 = arith.constant 128 : i32
    %mul3A_14 = arith.constant 640 : i32
    %mul3A_15 = arith.muli %arg1, %mul3A_14 : i32
    %add3A_16 = arith.constant 0 : i32
    %add3A_17 = arith.addi %mul3A_15, %add3A_16 : i32
    "tpu.region"() ({
      %run_scoped3A = tpu.sem_alloc : memref<!tpu.dma_semaphore, #tpu.memory_space<semaphore_mem>>
      %dma_start3A = arith.constant 0 : i32
      %dma_start3A_68 = tpu.memref_slice %arg4[%add3A_17, %dma_start3A] : memref<10240x128xf32, #tpu.memory_space<vmem_shared>> -> memref<64x128xf32, #tpu.memory_space<vmem_shared>>
      %dma_start3A_69 = arith.constant 0 : i32
      %dma_start3A_70 = tpu.memref_slice %arg4[%add3A_17, %dma_start3A_69] : memref<10240x128xf32, #tpu.memory_space<vmem_shared>> -> memref<64x128xf32, #tpu.memory_space<vmem_shared>>
      tpu.enqueue_dma source(%arg7 : memref<64x128xf32, #tpu.memory_space<vmem>>) target(%dma_start3A_70 : memref<64x128xf32, #tpu.memory_space<vmem_shared>>) target_semaphore(%run_scoped3A : memref<!tpu.dma_semaphore, #tpu.memory_space<semaphore_mem>>)
      %dma_wait3A = arith.constant 0 : i32
      %dma_wait3A_71 = tpu.memref_slice %arg4[%add3A_17, %dma_wait3A] : memref<10240x128xf32, #tpu.memory_space<vmem_shared>> -> memref<64x128xf32, #tpu.memory_space<vmem_shared>>
      %dma_wait3A_72 = arith.constant 0 : i32
      %dma_wait3A_73 = tpu.memref_slice %arg4[%add3A_17, %dma_wait3A_72] : memref<10240x128xf32, #tpu.memory_space<vmem_shared>> -> memref<64x128xf32, #tpu.memory_space<vmem_shared>>
      tpu.wait_dma2 semaphore(%run_scoped3A : memref<!tpu.dma_semaphore, #tpu.memory_space<semaphore_mem>>) src(%arg7 : memref<64x128xf32, #tpu.memory_space<vmem>>) dst(%dma_wait3A_73 : memref<64x128xf32, #tpu.memory_space<vmem_shared>>)
      tpu.yield
    }) : () -> ()
    %mul3A_18 = arith.constant 640 : i32
    %mul3A_19 = arith.muli %arg1, %mul3A_18 : i32
    %add3A_20 = arith.constant 64 : i32
    %add3A_21 = arith.addi %mul3A_19, %add3A_20 : i32
    "tpu.region"() ({
      %run_scoped3A = tpu.sem_alloc : memref<!tpu.dma_semaphore, #tpu.memory_space<semaphore_mem>>
      %dma_start3A = arith.constant 0 : i32
      %dma_start3A_68 = tpu.memref_slice %arg4[%add3A_21, %dma_start3A] : memref<10240x128xf32, #tpu.memory_space<vmem_shared>> -> memref<64x128xf32, #tpu.memory_space<vmem_shared>>
      %dma_start3A_69 = arith.constant 0 : i32
      %dma_start3A_70 = tpu.memref_slice %arg4[%add3A_21, %dma_start3A_69] : memref<10240x128xf32, #tpu.memory_space<vmem_shared>> -> memref<64x128xf32, #tpu.memory_space<vmem_shared>>
      tpu.enqueue_dma source(%arg7 : memref<64x128xf32, #tpu.memory_space<vmem>>) target(%dma_start3A_70 : memref<64x128xf32, #tpu.memory_space<vmem_shared>>) target_semaphore(%run_scoped3A : memref<!tpu.dma_semaphore, #tpu.memory_space<semaphore_mem>>)
      %dma_wait3A = arith.constant 0 : i32
      %dma_wait3A_71 = tpu.memref_slice %arg4[%add3A_21, %dma_wait3A] : memref<10240x128xf32, #tpu.memory_space<vmem_shared>> -> memref<64x128xf32, #tpu.memory_space<vmem_shared>>
      %dma_wait3A_72 = arith.constant 0 : i32
      %dma_wait3A_73 = tpu.memref_slice %arg4[%add3A_21, %dma_wait3A_72] : memref<10240x128xf32, #tpu.memory_space<vmem_shared>> -> memref<64x128xf32, #tpu.memory_space<vmem_shared>>
      tpu.wait_dma2 semaphore(%run_scoped3A : memref<!tpu.dma_semaphore, #tpu.memory_space<semaphore_mem>>) src(%arg7 : memref<64x128xf32, #tpu.memory_space<vmem>>) dst(%dma_wait3A_73 : memref<64x128xf32, #tpu.memory_space<vmem_shared>>)
      tpu.yield
    }) : () -> ()
    %mul3A_22 = arith.constant 640 : i32
    %mul3A_23 = arith.muli %arg1, %mul3A_22 : i32
    %add3A_24 = arith.constant 128 : i32
    %add3A_25 = arith.addi %mul3A_23, %add3A_24 : i32
    "tpu.region"() ({
      %run_scoped3A = tpu.sem_alloc : memref<!tpu.dma_semaphore, #tpu.memory_space<semaphore_mem>>
      %dma_start3A = arith.constant 0 : i32
      %dma_start3A_68 = tpu.memref_slice %arg4[%add3A_25, %dma_start3A] : memref<10240x128xf32, #tpu.memory_space<vmem_shared>> -> memref<64x128xf32, #tpu.memory_space<vmem_shared>>
      %dma_start3A_69 = arith.constant 0 : i32
      %dma_start3A_70 = tpu.memref_slice %arg4[%add3A_25, %dma_start3A_69] : memref<10240x128xf32, #tpu.memory_space<vmem_shared>> -> memref<64x128xf32, #tpu.memory_space<vmem_shared>>
      tpu.enqueue_dma source(%arg7 : memref<64x128xf32, #tpu.memory_space<vmem>>) target(%dma_start3A_70 : memref<64x128xf32, #tpu.memory_space<vmem_shared>>) target_semaphore(%run_scoped3A : memref<!tpu.dma_semaphore, #tpu.memory_space<semaphore_mem>>)
      %dma_wait3A = arith.constant 0 : i32
      %dma_wait3A_71 = tpu.memref_slice %arg4[%add3A_25, %dma_wait3A] : memref<10240x128xf32, #tpu.memory_space<vmem_shared>> -> memref<64x128xf32, #tpu.memory_space<vmem_shared>>
      %dma_wait3A_72 = arith.constant 0 : i32
      %dma_wait3A_73 = tpu.memref_slice %arg4[%add3A_25, %dma_wait3A_72] : memref<10240x128xf32, #tpu.memory_space<vmem_shared>> -> memref<64x128xf32, #tpu.memory_space<vmem_shared>>
      tpu.wait_dma2 semaphore(%run_scoped3A : memref<!tpu.dma_semaphore, #tpu.memory_space<semaphore_mem>>) src(%arg7 : memref<64x128xf32, #tpu.memory_space<vmem>>) dst(%dma_wait3A_73 : memref<64x128xf32, #tpu.memory_space<vmem_shared>>)
      tpu.yield
    }) : () -> ()
    %mul3A_26 = arith.constant 640 : i32
    %mul3A_27 = arith.muli %arg1, %mul3A_26 : i32
    %add3A_28 = arith.constant 192 : i32
    %add3A_29 = arith.addi %mul3A_27, %add3A_28 : i32
    "tpu.region"() ({
      %run_scoped3A = tpu.sem_alloc : memref<!tpu.dma_semaphore, #tpu.memory_space<semaphore_mem>>
      %dma_start3A = arith.constant 0 : i32
      %dma_start3A_68 = tpu.memref_slice %arg4[%add3A_29, %dma_start3A] : memref<10240x128xf32, #tpu.memory_space<vmem_shared>> -> memref<64x128xf32, #tpu.memory_space<vmem_shared>>
      %dma_start3A_69 = arith.constant 0 : i32
      %dma_start3A_70 = tpu.memref_slice %arg4[%add3A_29, %dma_start3A_69] : memref<10240x128xf32, #tpu.memory_space<vmem_shared>> -> memref<64x128xf32, #tpu.memory_space<vmem_shared>>
      tpu.enqueue_dma source(%arg7 : memref<64x128xf32, #tpu.memory_space<vmem>>) target(%dma_start3A_70 : memref<64x128xf32, #tpu.memory_space<vmem_shared>>) target_semaphore(%run_scoped3A : memref<!tpu.dma_semaphore, #tpu.memory_space<semaphore_mem>>)
      %dma_wait3A = arith.constant 0 : i32
      %dma_wait3A_71 = tpu.memref_slice %arg4[%add3A_29, %dma_wait3A] : memref<10240x128xf32, #tpu.memory_space<vmem_shared>> -> memref<64x128xf32, #tpu.memory_space<vmem_shared>>
      %dma_wait3A_72 = arith.constant 0 : i32
      %dma_wait3A_73 = tpu.memref_slice %arg4[%add3A_29, %dma_wait3A_72] : memref<10240x128xf32, #tpu.memory_space<vmem_shared>> -> memref<64x128xf32, #tpu.memory_space<vmem_shared>>
      tpu.wait_dma2 semaphore(%run_scoped3A : memref<!tpu.dma_semaphore, #tpu.memory_space<semaphore_mem>>) src(%arg7 : memref<64x128xf32, #tpu.memory_space<vmem>>) dst(%dma_wait3A_73 : memref<64x128xf32, #tpu.memory_space<vmem_shared>>)
      tpu.yield
    }) : () -> ()
    %mul3A_30 = arith.constant 640 : i32
    %mul3A_31 = arith.muli %arg1, %mul3A_30 : i32
    %add3A_32 = arith.constant 256 : i32
    %add3A_33 = arith.addi %mul3A_31, %add3A_32 : i32
    "tpu.region"() ({
      %run_scoped3A = tpu.sem_alloc : memref<!tpu.dma_semaphore, #tpu.memory_space<semaphore_mem>>
      %dma_start3A = arith.constant 0 : i32
      %dma_start3A_68 = tpu.memref_slice %arg4[%add3A_33, %dma_start3A] : memref<10240x128xf32, #tpu.memory_space<vmem_shared>> -> memref<64x128xf32, #tpu.memory_space<vmem_shared>>
      %dma_start3A_69 = arith.constant 0 : i32
      %dma_start3A_70 = tpu.memref_slice %arg4[%add3A_33, %dma_start3A_69] : memref<10240x128xf32, #tpu.memory_space<vmem_shared>> -> memref<64x128xf32, #tpu.memory_space<vmem_shared>>
      tpu.enqueue_dma source(%arg7 : memref<64x128xf32, #tpu.memory_space<vmem>>) target(%dma_start3A_70 : memref<64x128xf32, #tpu.memory_space<vmem_shared>>) target_semaphore(%run_scoped3A : memref<!tpu.dma_semaphore, #tpu.memory_space<semaphore_mem>>)
      %dma_wait3A = arith.constant 0 : i32
      %dma_wait3A_71 = tpu.memref_slice %arg4[%add3A_33, %dma_wait3A] : memref<10240x128xf32, #tpu.memory_space<vmem_shared>> -> memref<64x128xf32, #tpu.memory_space<vmem_shared>>
      %dma_wait3A_72 = arith.constant 0 : i32
      %dma_wait3A_73 = tpu.memref_slice %arg4[%add3A_33, %dma_wait3A_72] : memref<10240x128xf32, #tpu.memory_space<vmem_shared>> -> memref<64x128xf32, #tpu.memory_space<vmem_shared>>
      tpu.wait_dma2 semaphore(%run_scoped3A : memref<!tpu.dma_semaphore, #tpu.memory_space<semaphore_mem>>) src(%arg7 : memref<64x128xf32, #tpu.memory_space<vmem>>) dst(%dma_wait3A_73 : memref<64x128xf32, #tpu.memory_space<vmem_shared>>)
      tpu.yield
    }) : () -> ()
    %mul3A_34 = arith.constant 640 : i32
    %mul3A_35 = arith.muli %arg1, %mul3A_34 : i32
    %add3A_36 = arith.constant 320 : i32
    %add3A_37 = arith.addi %mul3A_35, %add3A_36 : i32
    "tpu.region"() ({
      %run_scoped3A = tpu.sem_alloc : memref<!tpu.dma_semaphore, #tpu.memory_space<semaphore_mem>>
      %dma_start3A = arith.constant 0 : i32
      %dma_start3A_68 = tpu.memref_slice %arg4[%add3A_37, %dma_start3A] : memref<10240x128xf32, #tpu.memory_space<vmem_shared>> -> memref<64x128xf32, #tpu.memory_space<vmem_shared>>
      %dma_start3A_69 = arith.constant 0 : i32
      %dma_start3A_70 = tpu.memref_slice %arg4[%add3A_37, %dma_start3A_69] : memref<10240x128xf32, #tpu.memory_space<vmem_shared>> -> memref<64x128xf32, #tpu.memory_space<vmem_shared>>
      tpu.enqueue_dma source(%arg7 : memref<64x128xf32, #tpu.memory_space<vmem>>) target(%dma_start3A_70 : memref<64x128xf32, #tpu.memory_space<vmem_shared>>) target_semaphore(%run_scoped3A : memref<!tpu.dma_semaphore, #tpu.memory_space<semaphore_mem>>)
      %dma_wait3A = arith.constant 0 : i32
      %dma_wait3A_71 = tpu.memref_slice %arg4[%add3A_37, %dma_wait3A] : memref<10240x128xf32, #tpu.memory_space<vmem_shared>> -> memref<64x128xf32, #tpu.memory_space<vmem_shared>>
      %dma_wait3A_72 = arith.constant 0 : i32
      %dma_wait3A_73 = tpu.memref_slice %arg4[%add3A_37, %dma_wait3A_72] : memref<10240x128xf32, #tpu.memory_space<vmem_shared>> -> memref<64x128xf32, #tpu.memory_space<vmem_shared>>
      tpu.wait_dma2 semaphore(%run_scoped3A : memref<!tpu.dma_semaphore, #tpu.memory_space<semaphore_mem>>) src(%arg7 : memref<64x128xf32, #tpu.memory_space<vmem>>) dst(%dma_wait3A_73 : memref<64x128xf32, #tpu.memory_space<vmem_shared>>)
      tpu.yield
    }) : () -> ()
    %mul3A_38 = arith.constant 640 : i32
    %mul3A_39 = arith.muli %arg1, %mul3A_38 : i32
    %add3A_40 = arith.constant 384 : i32
    %add3A_41 = arith.addi %mul3A_39, %add3A_40 : i32
    "tpu.region"() ({
      %run_scoped3A = tpu.sem_alloc : memref<!tpu.dma_semaphore, #tpu.memory_space<semaphore_mem>>
      %dma_start3A = arith.constant 0 : i32
      %dma_start3A_68 = tpu.memref_slice %arg4[%add3A_41, %dma_start3A] : memref<10240x128xf32, #tpu.memory_space<vmem_shared>> -> memref<64x128xf32, #tpu.memory_space<vmem_shared>>
      %dma_start3A_69 = arith.constant 0 : i32
      %dma_start3A_70 = tpu.memref_slice %arg4[%add3A_41, %dma_start3A_69] : memref<10240x128xf32, #tpu.memory_space<vmem_shared>> -> memref<64x128xf32, #tpu.memory_space<vmem_shared>>
      tpu.enqueue_dma source(%arg7 : memref<64x128xf32, #tpu.memory_space<vmem>>) target(%dma_start3A_70 : memref<64x128xf32, #tpu.memory_space<vmem_shared>>) target_semaphore(%run_scoped3A : memref<!tpu.dma_semaphore, #tpu.memory_space<semaphore_mem>>)
      %dma_wait3A = arith.constant 0 : i32
      %dma_wait3A_71 = tpu.memref_slice %arg4[%add3A_41, %dma_wait3A] : memref<10240x128xf32, #tpu.memory_space<vmem_shared>> -> memref<64x128xf32, #tpu.memory_space<vmem_shared>>
      %dma_wait3A_72 = arith.constant 0 : i32
      %dma_wait3A_73 = tpu.memref_slice %arg4[%add3A_41, %dma_wait3A_72] : memref<10240x128xf32, #tpu.memory_space<vmem_shared>> -> memref<64x128xf32, #tpu.memory_space<vmem_shared>>
      tpu.wait_dma2 semaphore(%run_scoped3A : memref<!tpu.dma_semaphore, #tpu.memory_space<semaphore_mem>>) src(%arg7 : memref<64x128xf32, #tpu.memory_space<vmem>>) dst(%dma_wait3A_73 : memref<64x128xf32, #tpu.memory_space<vmem_shared>>)
      tpu.yield
    }) : () -> ()
    %mul3A_42 = arith.constant 640 : i32
    %mul3A_43 = arith.muli %arg1, %mul3A_42 : i32
    %add3A_44 = arith.constant 448 : i32
    %add3A_45 = arith.addi %mul3A_43, %add3A_44 : i32
    "tpu.region"() ({
      %run_scoped3A = tpu.sem_alloc : memref<!tpu.dma_semaphore, #tpu.memory_space<semaphore_mem>>
      %dma_start3A = arith.constant 0 : i32
      %dma_start3A_68 = tpu.memref_slice %arg4[%add3A_45, %dma_start3A] : memref<10240x128xf32, #tpu.memory_space<vmem_shared>> -> memref<64x128xf32, #tpu.memory_space<vmem_shared>>
      %dma_start3A_69 = arith.constant 0 : i32
      %dma_start3A_70 = tpu.memref_slice %arg4[%add3A_45, %dma_start3A_69] : memref<10240x128xf32, #tpu.memory_space<vmem_shared>> -> memref<64x128xf32, #tpu.memory_space<vmem_shared>>
      tpu.enqueue_dma source(%arg7 : memref<64x128xf32, #tpu.memory_space<vmem>>) target(%dma_start3A_70 : memref<64x128xf32, #tpu.memory_space<vmem_shared>>) target_semaphore(%run_scoped3A : memref<!tpu.dma_semaphore, #tpu.memory_space<semaphore_mem>>)
      %dma_wait3A = arith.constant 0 : i32
      %dma_wait3A_71 = tpu.memref_slice %arg4[%add3A_45, %dma_wait3A] : memref<10240x128xf32, #tpu.memory_space<vmem_shared>> -> memref<64x128xf32, #tpu.memory_space<vmem_shared>>
      %dma_wait3A_72 = arith.constant 0 : i32
      %dma_wait3A_73 = tpu.memref_slice %arg4[%add3A_45, %dma_wait3A_72] : memref<10240x128xf32, #tpu.memory_space<vmem_shared>> -> memref<64x128xf32, #tpu.memory_space<vmem_shared>>
      tpu.wait_dma2 semaphore(%run_scoped3A : memref<!tpu.dma_semaphore, #tpu.memory_space<semaphore_mem>>) src(%arg7 : memref<64x128xf32, #tpu.memory_space<vmem>>) dst(%dma_wait3A_73 : memref<64x128xf32, #tpu.memory_space<vmem_shared>>)
      tpu.yield
    }) : () -> ()
    %mul3A_46 = arith.constant 640 : i32
    %mul3A_47 = arith.muli %arg1, %mul3A_46 : i32
    %add3A_48 = arith.constant 512 : i32
    %add3A_49 = arith.addi %mul3A_47, %add3A_48 : i32
    "tpu.region"() ({
      %run_scoped3A = tpu.sem_alloc : memref<!tpu.dma_semaphore, #tpu.memory_space<semaphore_mem>>
      %dma_start3A = arith.constant 0 : i32
      %dma_start3A_68 = tpu.memref_slice %arg4[%add3A_49, %dma_start3A] : memref<10240x128xf32, #tpu.memory_space<vmem_shared>> -> memref<64x128xf32, #tpu.memory_space<vmem_shared>>
      %dma_start3A_69 = arith.constant 0 : i32
      %dma_start3A_70 = tpu.memref_slice %arg4[%add3A_49, %dma_start3A_69] : memref<10240x128xf32, #tpu.memory_space<vmem_shared>> -> memref<64x128xf32, #tpu.memory_space<vmem_shared>>
      tpu.enqueue_dma source(%arg7 : memref<64x128xf32, #tpu.memory_space<vmem>>) target(%dma_start3A_70 : memref<64x128xf32, #tpu.memory_space<vmem_shared>>) target_semaphore(%run_scoped3A : memref<!tpu.dma_semaphore, #tpu.memory_space<semaphore_mem>>)
      %dma_wait3A = arith.constant 0 : i32
      %dma_wait3A_71 = tpu.memref_slice %arg4[%add3A_49, %dma_wait3A] : memref<10240x128xf32, #tpu.memory_space<vmem_shared>> -> memref<64x128xf32, #tpu.memory_space<vmem_shared>>
      %dma_wait3A_72 = arith.constant 0 : i32
      %dma_wait3A_73 = tpu.memref_slice %arg4[%add3A_49, %dma_wait3A_72] : memref<10240x128xf32, #tpu.memory_space<vmem_shared>> -> memref<64x128xf32, #tpu.memory_space<vmem_shared>>
      tpu.wait_dma2 semaphore(%run_scoped3A : memref<!tpu.dma_semaphore, #tpu.memory_space<semaphore_mem>>) src(%arg7 : memref<64x128xf32, #tpu.memory_space<vmem>>) dst(%dma_wait3A_73 : memref<64x128xf32, #tpu.memory_space<vmem_shared>>)
      tpu.yield
    }) : () -> ()
    %mul3A_50 = arith.constant 640 : i32
    %mul3A_51 = arith.muli %arg1, %mul3A_50 : i32
    %add3A_52 = arith.constant 576 : i32
    %add3A_53 = arith.addi %mul3A_51, %add3A_52 : i32
    "tpu.region"() ({
      %run_scoped3A = tpu.sem_alloc : memref<!tpu.dma_semaphore, #tpu.memory_space<semaphore_mem>>
      %dma_start3A = arith.constant 0 : i32
      %dma_start3A_68 = tpu.memref_slice %arg4[%add3A_53, %dma_start3A] : memref<10240x128xf32, #tpu.memory_space<vmem_shared>> -> memref<64x128xf32, #tpu.memory_space<vmem_shared>>
      %dma_start3A_69 = arith.constant 0 : i32
      %dma_start3A_70 = tpu.memref_slice %arg4[%add3A_53, %dma_start3A_69] : memref<10240x128xf32, #tpu.memory_space<vmem_shared>> -> memref<64x128xf32, #tpu.memory_space<vmem_shared>>
      tpu.enqueue_dma source(%arg7 : memref<64x128xf32, #tpu.memory_space<vmem>>) target(%dma_start3A_70 : memref<64x128xf32, #tpu.memory_space<vmem_shared>>) target_semaphore(%run_scoped3A : memref<!tpu.dma_semaphore, #tpu.memory_space<semaphore_mem>>)
      %dma_wait3A = arith.constant 0 : i32
      %dma_wait3A_71 = tpu.memref_slice %arg4[%add3A_53, %dma_wait3A] : memref<10240x128xf32, #tpu.memory_space<vmem_shared>> -> memref<64x128xf32, #tpu.memory_space<vmem_shared>>
      %dma_wait3A_72 = arith.constant 0 : i32
      %dma_wait3A_73 = tpu.memref_slice %arg4[%add3A_53, %dma_wait3A_72] : memref<10240x128xf32, #tpu.memory_space<vmem_shared>> -> memref<64x128xf32, #tpu.memory_space<vmem_shared>>
      tpu.wait_dma2 semaphore(%run_scoped3A : memref<!tpu.dma_semaphore, #tpu.memory_space<semaphore_mem>>) src(%arg7 : memref<64x128xf32, #tpu.memory_space<vmem>>) dst(%dma_wait3A_73 : memref<64x128xf32, #tpu.memory_space<vmem_shared>>)
      tpu.yield
    }) : () -> ()
    %mul3A_54 = arith.constant 80 : i32
    %mul3A_55 = arith.muli %add3A, %mul3A_54 : i32
    "tpu.region"() ({
      %run_scoped3A = tpu.sem_alloc : memref<!tpu.dma_semaphore, #tpu.memory_space<semaphore_mem>>
      %dma_start3A = arith.constant 0 : i32
      %dma_start3A_68 = tpu.memref_slice %arg2[%mul3A_55, %dma_start3A] : memref<2560x128xi32, #tpu.memory_space<hbm>> -> memref<80x128xi32, #tpu.memory_space<hbm>>
      %dma_start3A_69 = arith.constant 0 : i32
      %dma_start3A_70 = tpu.memref_slice %arg2[%mul3A_55, %dma_start3A_69] : memref<2560x128xi32, #tpu.memory_space<hbm>> -> memref<80x128xi32, #tpu.memory_space<hbm>>
      tpu.enqueue_dma source(%dma_start3A_70 : memref<80x128xi32, #tpu.memory_space<hbm>>) target(%arg6 : memref<80x128xi32, #tpu.memory_space<vmem>>) target_semaphore(%run_scoped3A : memref<!tpu.dma_semaphore, #tpu.memory_space<semaphore_mem>>)
      %dma_wait3A = arith.constant 0 : i32
      %dma_wait3A_71 = tpu.memref_slice %arg2[%mul3A_55, %dma_wait3A] : memref<2560x128xi32, #tpu.memory_space<hbm>> -> memref<80x128xi32, #tpu.memory_space<hbm>>
      %dma_wait3A_72 = arith.constant 0 : i32
      %dma_wait3A_73 = tpu.memref_slice %arg2[%mul3A_55, %dma_wait3A_72] : memref<2560x128xi32, #tpu.memory_space<hbm>> -> memref<80x128xi32, #tpu.memory_space<hbm>>
      tpu.wait_dma2 semaphore(%run_scoped3A : memref<!tpu.dma_semaphore, #tpu.memory_space<semaphore_mem>>) src(%dma_wait3A_73 : memref<80x128xi32, #tpu.memory_space<hbm>>) dst(%arg6 : memref<80x128xi32, #tpu.memory_space<vmem>>)
      tpu.yield
    }) : () -> ()
    %barrier3A = arith.constant 0 : index
    tpu.barrier barrier_id(%barrier3A)
    %scan3A_56 = arith.constant 0 : i32
    %scan3A_57 = arith.constant 0 : i32
    %scan3A_58 = arith.constant 10 : i32
    %scan3A_59 = arith.addi %scan3A_57, %scan3A_58 : i32
    %scan3A_60 = arith.constant 1 : i32
    %scan3A_61 = scf.for %scan3A_68 = %scan3A_57 to %scan3A_59 step %scan3A_60 iter_args(%scan3A_69 = %scan3A_56) -> (i32)  : i32 {
      %mul3A_70 = arith.constant 8 : i32
      %mul3A_71 = arith.muli %scan3A_68, %mul3A_70 : i32
      %add3A_72 = arith.constant 0 : i32
      %add3A_73 = arith.addi %mul3A_71, %add3A_72 : i32
      %dma_start3A = arith.constant 0 : i32
      %dma_start3A_74 = tpu.memref_slice %arg6[%add3A_73, %dma_start3A] : memref<80x128xi32, #tpu.memory_space<vmem>> -> memref<1x128xi32, #tpu.memory_space<vmem>>
      %dma_start3A_75 = tpu.memref_squeeze %dma_start3A_74 : memref<1x128xi32, #tpu.memory_space<vmem>> -> memref<128xi32, #tpu.memory_space<vmem>>
      %dma_start3A_76 = arith.constant 0 : i32
      %dma_start3A_77 = arith.constant 0 : i32
      %dma_start3A_78 = tpu.memref_slice %arg4[%dma_start3A_76, %dma_start3A_77] : memref<10240x128xf32, #tpu.memory_space<vmem_shared>> -> memref<10240x128xf32, #tpu.memory_space<vmem_shared>>
      tpu.enqueue_indirect_dma source(%arg5 : memref<128x128xf32, #tpu.memory_space<vmem>>) target(%dma_start3A_78 : memref<10240x128xf32, #tpu.memory_space<vmem_shared>>) offsets(%dma_start3A_75 : memref<128xi32, #tpu.memory_space<vmem>>) semaphore(%arg8 : memref<!tpu.dma_semaphore, #tpu.memory_space<semaphore_mem>>) {add = true}
      %add3A_79 = arith.constant 1 : i32
      %add3A_80 = arith.addi %mul3A_71, %add3A_79 : i32
      %dma_start3A_81 = arith.constant 0 : i32
      %dma_start3A_82 = tpu.memref_slice %arg6[%add3A_80, %dma_start3A_81] : memref<80x128xi32, #tpu.memory_space<vmem>> -> memref<1x128xi32, #tpu.memory_space<vmem>>
      %dma_start3A_83 = tpu.memref_squeeze %dma_start3A_82 : memref<1x128xi32, #tpu.memory_space<vmem>> -> memref<128xi32, #tpu.memory_space<vmem>>
      %dma_start3A_84 = arith.constant 0 : i32
      %dma_start3A_85 = arith.constant 0 : i32
      %dma_start3A_86 = tpu.memref_slice %arg4[%dma_start3A_84, %dma_start3A_85] : memref<10240x128xf32, #tpu.memory_space<vmem_shared>> -> memref<10240x128xf32, #tpu.memory_space<vmem_shared>>
      tpu.enqueue_indirect_dma source(%arg5 : memref<128x128xf32, #tpu.memory_space<vmem>>) target(%dma_start3A_86 : memref<10240x128xf32, #tpu.memory_space<vmem_shared>>) offsets(%dma_start3A_83 : memref<128xi32, #tpu.memory_space<vmem>>) semaphore(%arg8 : memref<!tpu.dma_semaphore, #tpu.memory_space<semaphore_mem>>) {add = true}
      %add3A_87 = arith.constant 2 : i32
      %add3A_88 = arith.addi %mul3A_71, %add3A_87 : i32
      %dma_start3A_89 = arith.constant 0 : i32
      %dma_start3A_90 = tpu.memref_slice %arg6[%add3A_88, %dma_start3A_89] : memref<80x128xi32, #tpu.memory_space<vmem>> -> memref<1x128xi32, #tpu.memory_space<vmem>>
      %dma_start3A_91 = tpu.memref_squeeze %dma_start3A_90 : memref<1x128xi32, #tpu.memory_space<vmem>> -> memref<128xi32, #tpu.memory_space<vmem>>
      %dma_start3A_92 = arith.constant 0 : i32
      %dma_start3A_93 = arith.constant 0 : i32
      %dma_start3A_94 = tpu.memref_slice %arg4[%dma_start3A_92, %dma_start3A_93] : memref<10240x128xf32, #tpu.memory_space<vmem_shared>> -> memref<10240x128xf32, #tpu.memory_space<vmem_shared>>
      tpu.enqueue_indirect_dma source(%arg5 : memref<128x128xf32, #tpu.memory_space<vmem>>) target(%dma_start3A_94 : memref<10240x128xf32, #tpu.memory_space<vmem_shared>>) offsets(%dma_start3A_91 : memref<128xi32, #tpu.memory_space<vmem>>) semaphore(%arg8 : memref<!tpu.dma_semaphore, #tpu.memory_space<semaphore_mem>>) {add = true}
      %add3A_95 = arith.constant 3 : i32
      %add3A_96 = arith.addi %mul3A_71, %add3A_95 : i32
      %dma_start3A_97 = arith.constant 0 : i32
      %dma_start3A_98 = tpu.memref_slice %arg6[%add3A_96, %dma_start3A_97] : memref<80x128xi32, #tpu.memory_space<vmem>> -> memref<1x128xi32, #tpu.memory_space<vmem>>
      %dma_start3A_99 = tpu.memref_squeeze %dma_start3A_98 : memref<1x128xi32, #tpu.memory_space<vmem>> -> memref<128xi32, #tpu.memory_space<vmem>>
      %dma_start3A_100 = arith.constant 0 : i32
      %dma_start3A_101 = arith.constant 0 : i32
      %dma_start3A_102 = tpu.memref_slice %arg4[%dma_start3A_100, %dma_start3A_101] : memref<10240x128xf32, #tpu.memory_space<vmem_shared>> -> memref<10240x128xf32, #tpu.memory_space<vmem_shared>>
      tpu.enqueue_indirect_dma source(%arg5 : memref<128x128xf32, #tpu.memory_space<vmem>>) target(%dma_start3A_102 : memref<10240x128xf32, #tpu.memory_space<vmem_shared>>) offsets(%dma_start3A_99 : memref<128xi32, #tpu.memory_space<vmem>>) semaphore(%arg8 : memref<!tpu.dma_semaphore, #tpu.memory_space<semaphore_mem>>) {add = true}
      %add3A_103 = arith.constant 4 : i32
      %add3A_104 = arith.addi %mul3A_71, %add3A_103 : i32
      %dma_start3A_105 = arith.constant 0 : i32
      %dma_start3A_106 = tpu.memref_slice %arg6[%add3A_104, %dma_start3A_105] : memref<80x128xi32, #tpu.memory_space<vmem>> -> memref<1x128xi32, #tpu.memory_space<vmem>>
      %dma_start3A_107 = tpu.memref_squeeze %dma_start3A_106 : memref<1x128xi32, #tpu.memory_space<vmem>> -> memref<128xi32, #tpu.memory_space<vmem>>
      %dma_start3A_108 = arith.constant 0 : i32
      %dma_start3A_109 = arith.constant 0 : i32
      %dma_start3A_110 = tpu.memref_slice %arg4[%dma_start3A_108, %dma_start3A_109] : memref<10240x128xf32, #tpu.memory_space<vmem_shared>> -> memref<10240x128xf32, #tpu.memory_space<vmem_shared>>
      tpu.enqueue_indirect_dma source(%arg5 : memref<128x128xf32, #tpu.memory_space<vmem>>) target(%dma_start3A_110 : memref<10240x128xf32, #tpu.memory_space<vmem_shared>>) offsets(%dma_start3A_107 : memref<128xi32, #tpu.memory_space<vmem>>) semaphore(%arg8 : memref<!tpu.dma_semaphore, #tpu.memory_space<semaphore_mem>>) {add = true}
      %add3A_111 = arith.constant 5 : i32
      %add3A_112 = arith.addi %mul3A_71, %add3A_111 : i32
      %dma_start3A_113 = arith.constant 0 : i32
      %dma_start3A_114 = tpu.memref_slice %arg6[%add3A_112, %dma_start3A_113] : memref<80x128xi32, #tpu.memory_space<vmem>> -> memref<1x128xi32, #tpu.memory_space<vmem>>
      %dma_start3A_115 = tpu.memref_squeeze %dma_start3A_114 : memref<1x128xi32, #tpu.memory_space<vmem>> -> memref<128xi32, #tpu.memory_space<vmem>>
      %dma_start3A_116 = arith.constant 0 : i32
      %dma_start3A_117 = arith.constant 0 : i32
      %dma_start3A_118 = tpu.memref_slice %arg4[%dma_start3A_116, %dma_start3A_117] : memref<10240x128xf32, #tpu.memory_space<vmem_shared>> -> memref<10240x128xf32, #tpu.memory_space<vmem_shared>>
      tpu.enqueue_indirect_dma source(%arg5 : memref<128x128xf32, #tpu.memory_space<vmem>>) target(%dma_start3A_118 : memref<10240x128xf32, #tpu.memory_space<vmem_shared>>) offsets(%dma_start3A_115 : memref<128xi32, #tpu.memory_space<vmem>>) semaphore(%arg8 : memref<!tpu.dma_semaphore, #tpu.memory_space<semaphore_mem>>) {add = true}
      %add3A_119 = arith.constant 6 : i32
      %add3A_120 = arith.addi %mul3A_71, %add3A_119 : i32
      %dma_start3A_121 = arith.constant 0 : i32
      %dma_start3A_122 = tpu.memref_slice %arg6[%add3A_120, %dma_start3A_121] : memref<80x128xi32, #tpu.memory_space<vmem>> -> memref<1x128xi32, #tpu.memory_space<vmem>>
      %dma_start3A_123 = tpu.memref_squeeze %dma_start3A_122 : memref<1x128xi32, #tpu.memory_space<vmem>> -> memref<128xi32, #tpu.memory_space<vmem>>
      %dma_start3A_124 = arith.constant 0 : i32
      %dma_start3A_125 = arith.constant 0 : i32
      %dma_start3A_126 = tpu.memref_slice %arg4[%dma_start3A_124, %dma_start3A_125] : memref<10240x128xf32, #tpu.memory_space<vmem_shared>> -> memref<10240x128xf32, #tpu.memory_space<vmem_shared>>
      tpu.enqueue_indirect_dma source(%arg5 : memref<128x128xf32, #tpu.memory_space<vmem>>) target(%dma_start3A_126 : memref<10240x128xf32, #tpu.memory_space<vmem_shared>>) offsets(%dma_start3A_123 : memref<128xi32, #tpu.memory_space<vmem>>) semaphore(%arg8 : memref<!tpu.dma_semaphore, #tpu.memory_space<semaphore_mem>>) {add = true}
      %add3A_127 = arith.constant 7 : i32
      %add3A_128 = arith.addi %mul3A_71, %add3A_127 : i32
      %dma_start3A_129 = arith.constant 0 : i32
      %dma_start3A_130 = tpu.memref_slice %arg6[%add3A_128, %dma_start3A_129] : memref<80x128xi32, #tpu.memory_space<vmem>> -> memref<1x128xi32, #tpu.memory_space<vmem>>
      %dma_start3A_131 = tpu.memref_squeeze %dma_start3A_130 : memref<1x128xi32, #tpu.memory_space<vmem>> -> memref<128xi32, #tpu.memory_space<vmem>>
      %dma_start3A_132 = arith.constant 0 : i32
      %dma_start3A_133 = arith.constant 0 : i32
      %dma_start3A_134 = tpu.memref_slice %arg4[%dma_start3A_132, %dma_start3A_133] : memref<10240x128xf32, #tpu.memory_space<vmem_shared>> -> memref<10240x128xf32, #tpu.memory_space<vmem_shared>>
      tpu.enqueue_indirect_dma source(%arg5 : memref<128x128xf32, #tpu.memory_space<vmem>>) target(%dma_start3A_134 : memref<10240x128xf32, #tpu.memory_space<vmem_shared>>) offsets(%dma_start3A_131 : memref<128xi32, #tpu.memory_space<vmem>>) semaphore(%arg8 : memref<!tpu.dma_semaphore, #tpu.memory_space<semaphore_mem>>) {add = true}
      %add3A_135 = arith.constant 0 : i32
      %add3A_136 = arith.addi %mul3A_71, %add3A_135 : i32
      %dma_wait3A = arith.constant 0 : i32
      %dma_wait3A_137 = tpu.memref_slice %arg6[%add3A_136, %dma_wait3A] : memref<80x128xi32, #tpu.memory_space<vmem>> -> memref<1x128xi32, #tpu.memory_space<vmem>>
      %dma_wait3A_138 = tpu.memref_squeeze %dma_wait3A_137 : memref<1x128xi32, #tpu.memory_space<vmem>> -> memref<128xi32, #tpu.memory_space<vmem>>
      %dma_wait3A_139 = arith.constant 0 : i32
      %dma_wait3A_140 = arith.constant 0 : i32
      %dma_wait3A_141 = tpu.memref_slice %arg4[%dma_wait3A_139, %dma_wait3A_140] : memref<10240x128xf32, #tpu.memory_space<vmem_shared>> -> memref<10240x128xf32, #tpu.memory_space<vmem_shared>>
      tpu.wait_indirect_dma semaphore(%arg8 : memref<!tpu.dma_semaphore, #tpu.memory_space<semaphore_mem>>) src(%arg5 : memref<128x128xf32, #tpu.memory_space<vmem>>) dst(%dma_wait3A_141 : memref<10240x128xf32, #tpu.memory_space<vmem_shared>>)
      %add3A_142 = arith.constant 1 : i32
      %add3A_143 = arith.addi %mul3A_71, %add3A_142 : i32
      %dma_wait3A_144 = arith.constant 0 : i32
      %dma_wait3A_145 = tpu.memref_slice %arg6[%add3A_143, %dma_wait3A_144] : memref<80x128xi32, #tpu.memory_space<vmem>> -> memref<1x128xi32, #tpu.memory_space<vmem>>
      %dma_wait3A_146 = tpu.memref_squeeze %dma_wait3A_145 : memref<1x128xi32, #tpu.memory_space<vmem>> -> memref<128xi32, #tpu.memory_space<vmem>>
      %dma_wait3A_147 = arith.constant 0 : i32
      %dma_wait3A_148 = arith.constant 0 : i32
      %dma_wait3A_149 = tpu.memref_slice %arg4[%dma_wait3A_147, %dma_wait3A_148] : memref<10240x128xf32, #tpu.memory_space<vmem_shared>> -> memref<10240x128xf32, #tpu.memory_space<vmem_shared>>
      tpu.wait_indirect_dma semaphore(%arg8 : memref<!tpu.dma_semaphore, #tpu.memory_space<semaphore_mem>>) src(%arg5 : memref<128x128xf32, #tpu.memory_space<vmem>>) dst(%dma_wait3A_149 : memref<10240x128xf32, #tpu.memory_space<vmem_shared>>)
      %add3A_150 = arith.constant 2 : i32
      %add3A_151 = arith.addi %mul3A_71, %add3A_150 : i32
      %dma_wait3A_152 = arith.constant 0 : i32
      %dma_wait3A_153 = tpu.memref_slice %arg6[%add3A_151, %dma_wait3A_152] : memref<80x128xi32, #tpu.memory_space<vmem>> -> memref<1x128xi32, #tpu.memory_space<vmem>>
      %dma_wait3A_154 = tpu.memref_squeeze %dma_wait3A_153 : memref<1x128xi32, #tpu.memory_space<vmem>> -> memref<128xi32, #tpu.memory_space<vmem>>
      %dma_wait3A_155 = arith.constant 0 : i32
      %dma_wait3A_156 = arith.constant 0 : i32
      %dma_wait3A_157 = tpu.memref_slice %arg4[%dma_wait3A_155, %dma_wait3A_156] : memref<10240x128xf32, #tpu.memory_space<vmem_shared>> -> memref<10240x128xf32, #tpu.memory_space<vmem_shared>>
      tpu.wait_indirect_dma semaphore(%arg8 : memref<!tpu.dma_semaphore, #tpu.memory_space<semaphore_mem>>) src(%arg5 : memref<128x128xf32, #tpu.memory_space<vmem>>) dst(%dma_wait3A_157 : memref<10240x128xf32, #tpu.memory_space<vmem_shared>>)
      %add3A_158 = arith.constant 3 : i32
      %add3A_159 = arith.addi %mul3A_71, %add3A_158 : i32
      %dma_wait3A_160 = arith.constant 0 : i32
      %dma_wait3A_161 = tpu.memref_slice %arg6[%add3A_159, %dma_wait3A_160] : memref<80x128xi32, #tpu.memory_space<vmem>> -> memref<1x128xi32, #tpu.memory_space<vmem>>
      %dma_wait3A_162 = tpu.memref_squeeze %dma_wait3A_161 : memref<1x128xi32, #tpu.memory_space<vmem>> -> memref<128xi32, #tpu.memory_space<vmem>>
      %dma_wait3A_163 = arith.constant 0 : i32
      %dma_wait3A_164 = arith.constant 0 : i32
      %dma_wait3A_165 = tpu.memref_slice %arg4[%dma_wait3A_163, %dma_wait3A_164] : memref<10240x128xf32, #tpu.memory_space<vmem_shared>> -> memref<10240x128xf32, #tpu.memory_space<vmem_shared>>
      tpu.wait_indirect_dma semaphore(%arg8 : memref<!tpu.dma_semaphore, #tpu.memory_space<semaphore_mem>>) src(%arg5 : memref<128x128xf32, #tpu.memory_space<vmem>>) dst(%dma_wait3A_165 : memref<10240x128xf32, #tpu.memory_space<vmem_shared>>)
      %add3A_166 = arith.constant 4 : i32
      %add3A_167 = arith.addi %mul3A_71, %add3A_166 : i32
      %dma_wait3A_168 = arith.constant 0 : i32
      %dma_wait3A_169 = tpu.memref_slice %arg6[%add3A_167, %dma_wait3A_168] : memref<80x128xi32, #tpu.memory_space<vmem>> -> memref<1x128xi32, #tpu.memory_space<vmem>>
      %dma_wait3A_170 = tpu.memref_squeeze %dma_wait3A_169 : memref<1x128xi32, #tpu.memory_space<vmem>> -> memref<128xi32, #tpu.memory_space<vmem>>
      %dma_wait3A_171 = arith.constant 0 : i32
      %dma_wait3A_172 = arith.constant 0 : i32
      %dma_wait3A_173 = tpu.memref_slice %arg4[%dma_wait3A_171, %dma_wait3A_172] : memref<10240x128xf32, #tpu.memory_space<vmem_shared>> -> memref<10240x128xf32, #tpu.memory_space<vmem_shared>>
      tpu.wait_indirect_dma semaphore(%arg8 : memref<!tpu.dma_semaphore, #tpu.memory_space<semaphore_mem>>) src(%arg5 : memref<128x128xf32, #tpu.memory_space<vmem>>) dst(%dma_wait3A_173 : memref<10240x128xf32, #tpu.memory_space<vmem_shared>>)
      %add3A_174 = arith.constant 5 : i32
      %add3A_175 = arith.addi %mul3A_71, %add3A_174 : i32
      %dma_wait3A_176 = arith.constant 0 : i32
      %dma_wait3A_177 = tpu.memref_slice %arg6[%add3A_175, %dma_wait3A_176] : memref<80x128xi32, #tpu.memory_space<vmem>> -> memref<1x128xi32, #tpu.memory_space<vmem>>
      %dma_wait3A_178 = tpu.memref_squeeze %dma_wait3A_177 : memref<1x128xi32, #tpu.memory_space<vmem>> -> memref<128xi32, #tpu.memory_space<vmem>>
      %dma_wait3A_179 = arith.constant 0 : i32
      %dma_wait3A_180 = arith.constant 0 : i32
      %dma_wait3A_181 = tpu.memref_slice %arg4[%dma_wait3A_179, %dma_wait3A_180] : memref<10240x128xf32, #tpu.memory_space<vmem_shared>> -> memref<10240x128xf32, #tpu.memory_space<vmem_shared>>
      tpu.wait_indirect_dma semaphore(%arg8 : memref<!tpu.dma_semaphore, #tpu.memory_space<semaphore_mem>>) src(%arg5 : memref<128x128xf32, #tpu.memory_space<vmem>>) dst(%dma_wait3A_181 : memref<10240x128xf32, #tpu.memory_space<vmem_shared>>)
      %add3A_182 = arith.constant 6 : i32
      %add3A_183 = arith.addi %mul3A_71, %add3A_182 : i32
      %dma_wait3A_184 = arith.constant 0 : i32
      %dma_wait3A_185 = tpu.memref_slice %arg6[%add3A_183, %dma_wait3A_184] : memref<80x128xi32, #tpu.memory_space<vmem>> -> memref<1x128xi32, #tpu.memory_space<vmem>>
      %dma_wait3A_186 = tpu.memref_squeeze %dma_wait3A_185 : memref<1x128xi32, #tpu.memory_space<vmem>> -> memref<128xi32, #tpu.memory_space<vmem>>
      %dma_wait3A_187 = arith.constant 0 : i32
      %dma_wait3A_188 = arith.constant 0 : i32
      %dma_wait3A_189 = tpu.memref_slice %arg4[%dma_wait3A_187, %dma_wait3A_188] : memref<10240x128xf32, #tpu.memory_space<vmem_shared>> -> memref<10240x128xf32, #tpu.memory_space<vmem_shared>>
      tpu.wait_indirect_dma semaphore(%arg8 : memref<!tpu.dma_semaphore, #tpu.memory_space<semaphore_mem>>) src(%arg5 : memref<128x128xf32, #tpu.memory_space<vmem>>) dst(%dma_wait3A_189 : memref<10240x128xf32, #tpu.memory_space<vmem_shared>>)
      %add3A_190 = arith.constant 7 : i32
      %add3A_191 = arith.addi %mul3A_71, %add3A_190 : i32
      %dma_wait3A_192 = arith.constant 0 : i32
      %dma_wait3A_193 = tpu.memref_slice %arg6[%add3A_191, %dma_wait3A_192] : memref<80x128xi32, #tpu.memory_space<vmem>> -> memref<1x128xi32, #tpu.memory_space<vmem>>
      %dma_wait3A_194 = tpu.memref_squeeze %dma_wait3A_193 : memref<1x128xi32, #tpu.memory_space<vmem>> -> memref<128xi32, #tpu.memory_space<vmem>>
      %dma_wait3A_195 = arith.constant 0 : i32
      %dma_wait3A_196 = arith.constant 0 : i32
      %dma_wait3A_197 = tpu.memref_slice %arg4[%dma_wait3A_195, %dma_wait3A_196] : memref<10240x128xf32, #tpu.memory_space<vmem_shared>> -> memref<10240x128xf32, #tpu.memory_space<vmem_shared>>
      tpu.wait_indirect_dma semaphore(%arg8 : memref<!tpu.dma_semaphore, #tpu.memory_space<semaphore_mem>>) src(%arg5 : memref<128x128xf32, #tpu.memory_space<vmem>>) dst(%dma_wait3A_197 : memref<10240x128xf32, #tpu.memory_space<vmem_shared>>)
      %scan3A_198 = arith.constant 0 : i32
      scf.yield %scan3A_198 : i32
    }
    %scan3A_62 = arith.constant 10 : i32
    %barrier3A_63 = arith.constant 0 : index
    tpu.barrier barrier_id(%barrier3A_63)
    %mul3A_64 = arith.constant 640 : i32
    %mul3A_65 = arith.muli %arg1, %mul3A_64 : i32
    %mul3A_66 = arith.constant 640 : i32
    %mul3A_67 = arith.muli %arg1, %mul3A_66 : i32
    "tpu.region"() ({
      %run_scoped3A = tpu.sem_alloc : memref<!tpu.dma_semaphore, #tpu.memory_space<semaphore_mem>>
      %dma_start3A = arith.constant 0 : i32
      %dma_start3A_68 = tpu.memref_slice %arg3[%arg0, %mul3A_67, %dma_start3A] : memref<2x10240x128xf32, #tpu.memory_space<hbm>> -> memref<1x640x128xf32, #tpu.memory_space<hbm>>
      %dma_start3A_69 = tpu.memref_squeeze %dma_start3A_68 : memref<1x640x128xf32, #tpu.memory_space<hbm>> -> memref<640x128xf32, #tpu.memory_space<hbm>>
      %dma_start3A_70 = arith.constant 0 : i32
      %dma_start3A_71 = tpu.memref_slice %arg4[%mul3A_65, %dma_start3A_70] : memref<10240x128xf32, #tpu.memory_space<vmem_shared>> -> memref<640x128xf32, #tpu.memory_space<vmem_shared>>
      tpu.enqueue_dma source(%dma_start3A_71 : memref<640x128xf32, #tpu.memory_space<vmem_shared>>) target(%dma_start3A_69 : memref<640x128xf32, #tpu.memory_space<hbm>>) target_semaphore(%run_scoped3A : memref<!tpu.dma_semaphore, #tpu.memory_space<semaphore_mem>>)
      %dma_wait3A = arith.constant 0 : i32
      %dma_wait3A_72 = tpu.memref_slice %arg3[%arg0, %mul3A_67, %dma_wait3A] : memref<2x10240x128xf32, #tpu.memory_space<hbm>> -> memref<1x640x128xf32, #tpu.memory_space<hbm>>
      %dma_wait3A_73 = tpu.memref_squeeze %dma_wait3A_72 : memref<1x640x128xf32, #tpu.memory_space<hbm>> -> memref<640x128xf32, #tpu.memory_space<hbm>>
      %dma_wait3A_74 = arith.constant 0 : i32
      %dma_wait3A_75 = tpu.memref_slice %arg4[%mul3A_65, %dma_wait3A_74] : memref<10240x128xf32, #tpu.memory_space<vmem_shared>> -> memref<640x128xf32, #tpu.memory_space<vmem_shared>>
      tpu.wait_dma2 semaphore(%run_scoped3A : memref<!tpu.dma_semaphore, #tpu.memory_space<semaphore_mem>>) src(%dma_wait3A_75 : memref<640x128xf32, #tpu.memory_space<vmem_shared>>) dst(%dma_wait3A_73 : memref<640x128xf32, #tpu.memory_space<hbm>>)
      tpu.yield
    }) : () -> ()
    return
  }
}

#map = affine_map<(d0, d1) -> (0, 0)>
#map1 = affine_map<(d0, d1) -> (0, 0, 0)>
module attributes {stable_mosaic.version = 14 : i64} {
  func.func @_edge_kernel(%arg0: i32, %arg1: i32, %arg2: memref<10240x128xf32, #tpu.memory_space<hbm>>, %arg3: memref<2560x128xi32, #tpu.memory_space<hbm>>, %arg4: memref<2560x128xi32, #tpu.memory_space<hbm>>, %arg5: memref<2x10240x128xf32, #tpu.memory_space<hbm>>, %arg6: memref<10240x128xf32, #tpu.memory_space<vmem_shared>>, %arg7: memref<128x128xf32, #tpu.memory_space<vmem>>, %arg8: memref<128x128xf32, #tpu.memory_space<vmem>>, %arg9: memref<40x128xi32, #tpu.memory_space<vmem>>, %arg10: memref<40x128xi32, #tpu.memory_space<vmem>>, %arg11: memref<!tpu.dma_semaphore, #tpu.memory_space<semaphore_mem>>, %arg12: memref<!tpu.dma_semaphore, #tpu.memory_space<semaphore_mem>>) attributes {dimension_semantics = [#tpu.dimension_semantics<core_parallel>, #tpu.dimension_semantics<subcore_parallel>], iteration_bounds = array<i64: 2, 16>, scalar_prefetch = 0 : i64, scratch_operands = 7 : i64, tpu.core_type = #tpu.core_type<sc_vector_subcore>, window_params = [{transform_indices = #map}, {transform_indices = #map}, {transform_indices = #map}, {transform_indices = #map1}]} {
    %scan3A = arith.constant 0 : i32
    %scan3A_0 = arith.constant 0 : i32
    %scan3A_1 = arith.constant 128 : i32
    %scan3A_2 = arith.addi %scan3A_0, %scan3A_1 : i32
    %scan3A_3 = arith.constant 1 : i32
    %scan3A_4 = scf.for %scan3A_113 = %scan3A_0 to %scan3A_2 step %scan3A_3 iter_args(%scan3A_114 = %scan3A) -> (i32)  : i32 {
      %broadcast_in_dim3A = arith.constant 0.000000e+00 : f32
      %broadcast_in_dim3A_115 = vector.broadcast %broadcast_in_dim3A : f32 to vector<16xf32>
      %swap3A = arith.index_cast %scan3A_113 : i32 to index
      %swap3A_116 = arith.constant 0 : index
      %swap3A_117 = tpu.vector_load %arg7[%swap3A, %swap3A_116] {strides = array<i32>} : memref<128x128xf32, #tpu.memory_space<vmem>>, vector<1x16xf32>,
      %swap3A_118 = vector.shape_cast %swap3A_117 : vector<1x16xf32> to vector<16xf32>
      %swap3A_119 = vector.shape_cast %broadcast_in_dim3A_115 : vector<16xf32> to vector<1x16xf32>
      tpu.vector_store %arg7[%swap3A, %swap3A_116], %swap3A_119 {strides = array<i32>} : memref<128x128xf32, #tpu.memory_space<vmem>>, vector<1x16xf32>,
      %broadcast_in_dim3A_120 = arith.constant 0.000000e+00 : f32
      %broadcast_in_dim3A_121 = vector.broadcast %broadcast_in_dim3A_120 : f32 to vector<16xf32>
      %swap3A_122 = arith.index_cast %scan3A_113 : i32 to index
      %swap3A_123 = arith.constant 16 : index
      %swap3A_124 = tpu.vector_load %arg7[%swap3A_122, %swap3A_123] {strides = array<i32>} : memref<128x128xf32, #tpu.memory_space<vmem>>, vector<1x16xf32>,
      %swap3A_125 = vector.shape_cast %swap3A_124 : vector<1x16xf32> to vector<16xf32>
      %swap3A_126 = vector.shape_cast %broadcast_in_dim3A_121 : vector<16xf32> to vector<1x16xf32>
      tpu.vector_store %arg7[%swap3A_122, %swap3A_123], %swap3A_126 {strides = array<i32>} : memref<128x128xf32, #tpu.memory_space<vmem>>, vector<1x16xf32>,
      %broadcast_in_dim3A_127 = arith.constant 0.000000e+00 : f32
      %broadcast_in_dim3A_128 = vector.broadcast %broadcast_in_dim3A_127 : f32 to vector<16xf32>
      %swap3A_129 = arith.index_cast %scan3A_113 : i32 to index
      %swap3A_130 = arith.constant 32 : index
      %swap3A_131 = tpu.vector_load %arg7[%swap3A_129, %swap3A_130] {strides = array<i32>} : memref<128x128xf32, #tpu.memory_space<vmem>>, vector<1x16xf32>,
      %swap3A_132 = vector.shape_cast %swap3A_131 : vector<1x16xf32> to vector<16xf32>
      %swap3A_133 = vector.shape_cast %broadcast_in_dim3A_128 : vector<16xf32> to vector<1x16xf32>
      tpu.vector_store %arg7[%swap3A_129, %swap3A_130], %swap3A_133 {strides = array<i32>} : memref<128x128xf32, #tpu.memory_space<vmem>>, vector<1x16xf32>,
      %broadcast_in_dim3A_134 = arith.constant 0.000000e+00 : f32
      %broadcast_in_dim3A_135 = vector.broadcast %broadcast_in_dim3A_134 : f32 to vector<16xf32>
      %swap3A_136 = arith.index_cast %scan3A_113 : i32 to index
      %swap3A_137 = arith.constant 48 : index
      %swap3A_138 = tpu.vector_load %arg7[%swap3A_136, %swap3A_137] {strides = array<i32>} : memref<128x128xf32, #tpu.memory_space<vmem>>, vector<1x16xf32>,
      %swap3A_139 = vector.shape_cast %swap3A_138 : vector<1x16xf32> to vector<16xf32>
      %swap3A_140 = vector.shape_cast %broadcast_in_dim3A_135 : vector<16xf32> to vector<1x16xf32>
      tpu.vector_store %arg7[%swap3A_136, %swap3A_137], %swap3A_140 {strides = array<i32>} : memref<128x128xf32, #tpu.memory_space<vmem>>, vector<1x16xf32>,
      %broadcast_in_dim3A_141 = arith.constant 0.000000e+00 : f32
      %broadcast_in_dim3A_142 = vector.broadcast %broadcast_in_dim3A_141 : f32 to vector<16xf32>
      %swap3A_143 = arith.index_cast %scan3A_113 : i32 to index
      %swap3A_144 = arith.constant 64 : index
      %swap3A_145 = tpu.vector_load %arg7[%swap3A_143, %swap3A_144] {strides = array<i32>} : memref<128x128xf32, #tpu.memory_space<vmem>>, vector<1x16xf32>,
      %swap3A_146 = vector.shape_cast %swap3A_145 : vector<1x16xf32> to vector<16xf32>
      %swap3A_147 = vector.shape_cast %broadcast_in_dim3A_142 : vector<16xf32> to vector<1x16xf32>
      tpu.vector_store %arg7[%swap3A_143, %swap3A_144], %swap3A_147 {strides = array<i32>} : memref<128x128xf32, #tpu.memory_space<vmem>>, vector<1x16xf32>,
      %broadcast_in_dim3A_148 = arith.constant 0.000000e+00 : f32
      %broadcast_in_dim3A_149 = vector.broadcast %broadcast_in_dim3A_148 : f32 to vector<16xf32>
      %swap3A_150 = arith.index_cast %scan3A_113 : i32 to index
      %swap3A_151 = arith.constant 80 : index
      %swap3A_152 = tpu.vector_load %arg7[%swap3A_150, %swap3A_151] {strides = array<i32>} : memref<128x128xf32, #tpu.memory_space<vmem>>, vector<1x16xf32>,
      %swap3A_153 = vector.shape_cast %swap3A_152 : vector<1x16xf32> to vector<16xf32>
      %swap3A_154 = vector.shape_cast %broadcast_in_dim3A_149 : vector<16xf32> to vector<1x16xf32>
      tpu.vector_store %arg7[%swap3A_150, %swap3A_151], %swap3A_154 {strides = array<i32>} : memref<128x128xf32, #tpu.memory_space<vmem>>, vector<1x16xf32>,
      %broadcast_in_dim3A_155 = arith.constant 0.000000e+00 : f32
      %broadcast_in_dim3A_156 = vector.broadcast %broadcast_in_dim3A_155 : f32 to vector<16xf32>
      %swap3A_157 = arith.index_cast %scan3A_113 : i32 to index
      %swap3A_158 = arith.constant 96 : index
      %swap3A_159 = tpu.vector_load %arg7[%swap3A_157, %swap3A_158] {strides = array<i32>} : memref<128x128xf32, #tpu.memory_space<vmem>>, vector<1x16xf32>,
      %swap3A_160 = vector.shape_cast %swap3A_159 : vector<1x16xf32> to vector<16xf32>
      %swap3A_161 = vector.shape_cast %broadcast_in_dim3A_156 : vector<16xf32> to vector<1x16xf32>
      tpu.vector_store %arg7[%swap3A_157, %swap3A_158], %swap3A_161 {strides = array<i32>} : memref<128x128xf32, #tpu.memory_space<vmem>>, vector<1x16xf32>,
      %broadcast_in_dim3A_162 = arith.constant 0.000000e+00 : f32
      %broadcast_in_dim3A_163 = vector.broadcast %broadcast_in_dim3A_162 : f32 to vector<16xf32>
      %swap3A_164 = arith.index_cast %scan3A_113 : i32 to index
      %swap3A_165 = arith.constant 112 : index
      %swap3A_166 = tpu.vector_load %arg7[%swap3A_164, %swap3A_165] {strides = array<i32>} : memref<128x128xf32, #tpu.memory_space<vmem>>, vector<1x16xf32>,
      %swap3A_167 = vector.shape_cast %swap3A_166 : vector<1x16xf32> to vector<16xf32>
      %swap3A_168 = vector.shape_cast %broadcast_in_dim3A_163 : vector<16xf32> to vector<1x16xf32>
      tpu.vector_store %arg7[%swap3A_164, %swap3A_165], %swap3A_168 {strides = array<i32>} : memref<128x128xf32, #tpu.memory_space<vmem>>, vector<1x16xf32>,
      %scan3A_169 = arith.constant 0 : i32
      scf.yield %scan3A_169 : i32
    }
    %scan3A_5 = arith.constant 128 : i32
    %mul3A = arith.constant 640 : i32
    %mul3A_6 = arith.muli %arg1, %mul3A : i32
    %add3A = arith.constant 0 : i32
    %add3A_7 = arith.addi %mul3A_6, %add3A : i32
    "tpu.region"() ({
      %run_scoped3A_113 = tpu.sem_alloc : memref<!tpu.dma_semaphore, #tpu.memory_space<semaphore_mem>>
      %dma_start3A_114 = arith.constant 0 : i32
      %dma_start3A_115 = tpu.memref_slice %arg6[%add3A_7, %dma_start3A_114] : memref<10240x128xf32, #tpu.memory_space<vmem_shared>> -> memref<128x128xf32, #tpu.memory_space<vmem_shared>>
      %dma_start3A_116 = arith.constant 0 : i32
      %dma_start3A_117 = tpu.memref_slice %arg6[%add3A_7, %dma_start3A_116] : memref<10240x128xf32, #tpu.memory_space<vmem_shared>> -> memref<128x128xf32, #tpu.memory_space<vmem_shared>>
      tpu.enqueue_dma source(%arg7 : memref<128x128xf32, #tpu.memory_space<vmem>>) target(%dma_start3A_117 : memref<128x128xf32, #tpu.memory_space<vmem_shared>>) target_semaphore(%run_scoped3A_113 : memref<!tpu.dma_semaphore, #tpu.memory_space<semaphore_mem>>)
      %dma_wait3A_118 = arith.constant 0 : i32
      %dma_wait3A_119 = tpu.memref_slice %arg6[%add3A_7, %dma_wait3A_118] : memref<10240x128xf32, #tpu.memory_space<vmem_shared>> -> memref<128x128xf32, #tpu.memory_space<vmem_shared>>
      %dma_wait3A_120 = arith.constant 0 : i32
      %dma_wait3A_121 = tpu.memref_slice %arg6[%add3A_7, %dma_wait3A_120] : memref<10240x128xf32, #tpu.memory_space<vmem_shared>> -> memref<128x128xf32, #tpu.memory_space<vmem_shared>>
      tpu.wait_dma2 semaphore(%run_scoped3A_113 : memref<!tpu.dma_semaphore, #tpu.memory_space<semaphore_mem>>) src(%arg7 : memref<128x128xf32, #tpu.memory_space<vmem>>) dst(%dma_wait3A_121 : memref<128x128xf32, #tpu.memory_space<vmem_shared>>)
      tpu.yield
    }) : () -> ()
    %mul3A_8 = arith.constant 640 : i32
    %mul3A_9 = arith.muli %arg1, %mul3A_8 : i32
    %add3A_10 = arith.constant 128 : i32
    %add3A_11 = arith.addi %mul3A_9, %add3A_10 : i32
    "tpu.region"() ({
      %run_scoped3A_113 = tpu.sem_alloc : memref<!tpu.dma_semaphore, #tpu.memory_space<semaphore_mem>>
      %dma_start3A_114 = arith.constant 0 : i32
      %dma_start3A_115 = tpu.memref_slice %arg6[%add3A_11, %dma_start3A_114] : memref<10240x128xf32, #tpu.memory_space<vmem_shared>> -> memref<128x128xf32, #tpu.memory_space<vmem_shared>>
      %dma_start3A_116 = arith.constant 0 : i32
      %dma_start3A_117 = tpu.memref_slice %arg6[%add3A_11, %dma_start3A_116] : memref<10240x128xf32, #tpu.memory_space<vmem_shared>> -> memref<128x128xf32, #tpu.memory_space<vmem_shared>>
      tpu.enqueue_dma source(%arg7 : memref<128x128xf32, #tpu.memory_space<vmem>>) target(%dma_start3A_117 : memref<128x128xf32, #tpu.memory_space<vmem_shared>>) target_semaphore(%run_scoped3A_113 : memref<!tpu.dma_semaphore, #tpu.memory_space<semaphore_mem>>)
      %dma_wait3A_118 = arith.constant 0 : i32
      %dma_wait3A_119 = tpu.memref_slice %arg6[%add3A_11, %dma_wait3A_118] : memref<10240x128xf32, #tpu.memory_space<vmem_shared>> -> memref<128x128xf32, #tpu.memory_space<vmem_shared>>
      %dma_wait3A_120 = arith.constant 0 : i32
      %dma_wait3A_121 = tpu.memref_slice %arg6[%add3A_11, %dma_wait3A_120] : memref<10240x128xf32, #tpu.memory_space<vmem_shared>> -> memref<128x128xf32, #tpu.memory_space<vmem_shared>>
      tpu.wait_dma2 semaphore(%run_scoped3A_113 : memref<!tpu.dma_semaphore, #tpu.memory_space<semaphore_mem>>) src(%arg7 : memref<128x128xf32, #tpu.memory_space<vmem>>) dst(%dma_wait3A_121 : memref<128x128xf32, #tpu.memory_space<vmem_shared>>)
      tpu.yield
    }) : () -> ()
    %mul3A_12 = arith.constant 640 : i32
    %mul3A_13 = arith.muli %arg1, %mul3A_12 : i32
    %add3A_14 = arith.constant 256 : i32
    %add3A_15 = arith.addi %mul3A_13, %add3A_14 : i32
    "tpu.region"() ({
      %run_scoped3A_113 = tpu.sem_alloc : memref<!tpu.dma_semaphore, #tpu.memory_space<semaphore_mem>>
      %dma_start3A_114 = arith.constant 0 : i32
      %dma_start3A_115 = tpu.memref_slice %arg6[%add3A_15, %dma_start3A_114] : memref<10240x128xf32, #tpu.memory_space<vmem_shared>> -> memref<128x128xf32, #tpu.memory_space<vmem_shared>>
      %dma_start3A_116 = arith.constant 0 : i32
      %dma_start3A_117 = tpu.memref_slice %arg6[%add3A_15, %dma_start3A_116] : memref<10240x128xf32, #tpu.memory_space<vmem_shared>> -> memref<128x128xf32, #tpu.memory_space<vmem_shared>>
      tpu.enqueue_dma source(%arg7 : memref<128x128xf32, #tpu.memory_space<vmem>>) target(%dma_start3A_117 : memref<128x128xf32, #tpu.memory_space<vmem_shared>>) target_semaphore(%run_scoped3A_113 : memref<!tpu.dma_semaphore, #tpu.memory_space<semaphore_mem>>)
      %dma_wait3A_118 = arith.constant 0 : i32
      %dma_wait3A_119 = tpu.memref_slice %arg6[%add3A_15, %dma_wait3A_118] : memref<10240x128xf32, #tpu.memory_space<vmem_shared>> -> memref<128x128xf32, #tpu.memory_space<vmem_shared>>
      %dma_wait3A_120 = arith.constant 0 : i32
      %dma_wait3A_121 = tpu.memref_slice %arg6[%add3A_15, %dma_wait3A_120] : memref<10240x128xf32, #tpu.memory_space<vmem_shared>> -> memref<128x128xf32, #tpu.memory_space<vmem_shared>>
      tpu.wait_dma2 semaphore(%run_scoped3A_113 : memref<!tpu.dma_semaphore, #tpu.memory_space<semaphore_mem>>) src(%arg7 : memref<128x128xf32, #tpu.memory_space<vmem>>) dst(%dma_wait3A_121 : memref<128x128xf32, #tpu.memory_space<vmem_shared>>)
      tpu.yield
    }) : () -> ()
    %mul3A_16 = arith.constant 640 : i32
    %mul3A_17 = arith.muli %arg1, %mul3A_16 : i32
    %add3A_18 = arith.constant 384 : i32
    %add3A_19 = arith.addi %mul3A_17, %add3A_18 : i32
    "tpu.region"() ({
      %run_scoped3A_113 = tpu.sem_alloc : memref<!tpu.dma_semaphore, #tpu.memory_space<semaphore_mem>>
      %dma_start3A_114 = arith.constant 0 : i32
      %dma_start3A_115 = tpu.memref_slice %arg6[%add3A_19, %dma_start3A_114] : memref<10240x128xf32, #tpu.memory_space<vmem_shared>> -> memref<128x128xf32, #tpu.memory_space<vmem_shared>>
      %dma_start3A_116 = arith.constant 0 : i32
      %dma_start3A_117 = tpu.memref_slice %arg6[%add3A_19, %dma_start3A_116] : memref<10240x128xf32, #tpu.memory_space<vmem_shared>> -> memref<128x128xf32, #tpu.memory_space<vmem_shared>>
      tpu.enqueue_dma source(%arg7 : memref<128x128xf32, #tpu.memory_space<vmem>>) target(%dma_start3A_117 : memref<128x128xf32, #tpu.memory_space<vmem_shared>>) target_semaphore(%run_scoped3A_113 : memref<!tpu.dma_semaphore, #tpu.memory_space<semaphore_mem>>)
      %dma_wait3A_118 = arith.constant 0 : i32
      %dma_wait3A_119 = tpu.memref_slice %arg6[%add3A_19, %dma_wait3A_118] : memref<10240x128xf32, #tpu.memory_space<vmem_shared>> -> memref<128x128xf32, #tpu.memory_space<vmem_shared>>
      %dma_wait3A_120 = arith.constant 0 : i32
      %dma_wait3A_121 = tpu.memref_slice %arg6[%add3A_19, %dma_wait3A_120] : memref<10240x128xf32, #tpu.memory_space<vmem_shared>> -> memref<128x128xf32, #tpu.memory_space<vmem_shared>>
      tpu.wait_dma2 semaphore(%run_scoped3A_113 : memref<!tpu.dma_semaphore, #tpu.memory_space<semaphore_mem>>) src(%arg7 : memref<128x128xf32, #tpu.memory_space<vmem>>) dst(%dma_wait3A_121 : memref<128x128xf32, #tpu.memory_space<vmem_shared>>)
      tpu.yield
    }) : () -> ()
    %mul3A_20 = arith.constant 640 : i32
    %mul3A_21 = arith.muli %arg1, %mul3A_20 : i32
    %add3A_22 = arith.constant 512 : i32
    %add3A_23 = arith.addi %mul3A_21, %add3A_22 : i32
    "tpu.region"() ({
      %run_scoped3A_113 = tpu.sem_alloc : memref<!tpu.dma_semaphore, #tpu.memory_space<semaphore_mem>>
      %dma_start3A_114 = arith.constant 0 : i32
      %dma_start3A_115 = tpu.memref_slice %arg6[%add3A_23, %dma_start3A_114] : memref<10240x128xf32, #tpu.memory_space<vmem_shared>> -> memref<128x128xf32, #tpu.memory_space<vmem_shared>>
      %dma_start3A_116 = arith.constant 0 : i32
      %dma_start3A_117 = tpu.memref_slice %arg6[%add3A_23, %dma_start3A_116] : memref<10240x128xf32, #tpu.memory_space<vmem_shared>> -> memref<128x128xf32, #tpu.memory_space<vmem_shared>>
      tpu.enqueue_dma source(%arg7 : memref<128x128xf32, #tpu.memory_space<vmem>>) target(%dma_start3A_117 : memref<128x128xf32, #tpu.memory_space<vmem_shared>>) target_semaphore(%run_scoped3A_113 : memref<!tpu.dma_semaphore, #tpu.memory_space<semaphore_mem>>)
      %dma_wait3A_118 = arith.constant 0 : i32
      %dma_wait3A_119 = tpu.memref_slice %arg6[%add3A_23, %dma_wait3A_118] : memref<10240x128xf32, #tpu.memory_space<vmem_shared>> -> memref<128x128xf32, #tpu.memory_space<vmem_shared>>
      %dma_wait3A_120 = arith.constant 0 : i32
      %dma_wait3A_121 = tpu.memref_slice %arg6[%add3A_23, %dma_wait3A_120] : memref<10240x128xf32, #tpu.memory_space<vmem_shared>> -> memref<128x128xf32, #tpu.memory_space<vmem_shared>>
      tpu.wait_dma2 semaphore(%run_scoped3A_113 : memref<!tpu.dma_semaphore, #tpu.memory_space<semaphore_mem>>) src(%arg7 : memref<128x128xf32, #tpu.memory_space<vmem>>) dst(%dma_wait3A_121 : memref<128x128xf32, #tpu.memory_space<vmem_shared>>)
      tpu.yield
    }) : () -> ()
    %barrier3A = arith.constant 0 : index
    tpu.barrier barrier_id(%barrier3A)
    %mul3A_24 = arith.constant 2 : i32
    %mul3A_25 = arith.muli %arg1, %mul3A_24 : i32
    %add3A_26 = arith.addi %mul3A_25, %arg0 : i32
    %mul3A_27 = arith.constant 80 : i32
    %mul3A_28 = arith.muli %add3A_26, %mul3A_27 : i32
    %add3A_29 = arith.constant 0 : i32
    %add3A_30 = arith.addi %mul3A_28, %add3A_29 : i32
    "tpu.region"() ({
      %run_scoped3A_113 = tpu.sem_alloc : memref<!tpu.dma_semaphore, #tpu.memory_space<semaphore_mem>>
      %dma_start3A_114 = arith.constant 0 : i32
      %dma_start3A_115 = tpu.memref_slice %arg3[%add3A_30, %dma_start3A_114] : memref<2560x128xi32, #tpu.memory_space<hbm>> -> memref<40x128xi32, #tpu.memory_space<hbm>>
      %dma_start3A_116 = arith.constant 0 : i32
      %dma_start3A_117 = tpu.memref_slice %arg3[%add3A_30, %dma_start3A_116] : memref<2560x128xi32, #tpu.memory_space<hbm>> -> memref<40x128xi32, #tpu.memory_space<hbm>>
      tpu.enqueue_dma source(%dma_start3A_117 : memref<40x128xi32, #tpu.memory_space<hbm>>) target(%arg9 : memref<40x128xi32, #tpu.memory_space<vmem>>) target_semaphore(%run_scoped3A_113 : memref<!tpu.dma_semaphore, #tpu.memory_space<semaphore_mem>>)
      %dma_wait3A_118 = arith.constant 0 : i32
      %dma_wait3A_119 = tpu.memref_slice %arg3[%add3A_30, %dma_wait3A_118] : memref<2560x128xi32, #tpu.memory_space<hbm>> -> memref<40x128xi32, #tpu.memory_space<hbm>>
      %dma_wait3A_120 = arith.constant 0 : i32
      %dma_wait3A_121 = tpu.memref_slice %arg3[%add3A_30, %dma_wait3A_120] : memref<2560x128xi32, #tpu.memory_space<hbm>> -> memref<40x128xi32, #tpu.memory_space<hbm>>
      tpu.wait_dma2 semaphore(%run_scoped3A_113 : memref<!tpu.dma_semaphore, #tpu.memory_space<semaphore_mem>>) src(%dma_wait3A_121 : memref<40x128xi32, #tpu.memory_space<hbm>>) dst(%arg9 : memref<40x128xi32, #tpu.memory_space<vmem>>)
      tpu.yield
    }) : () -> ()
    %add3A_31 = arith.constant 0 : i32
    %add3A_32 = arith.addi %mul3A_28, %add3A_31 : i32
    "tpu.region"() ({
      %run_scoped3A_113 = tpu.sem_alloc : memref<!tpu.dma_semaphore, #tpu.memory_space<semaphore_mem>>
      %dma_start3A_114 = arith.constant 0 : i32
      %dma_start3A_115 = tpu.memref_slice %arg4[%add3A_32, %dma_start3A_114] : memref<2560x128xi32, #tpu.memory_space<hbm>> -> memref<40x128xi32, #tpu.memory_space<hbm>>
      %dma_start3A_116 = arith.constant 0 : i32
      %dma_start3A_117 = tpu.memref_slice %arg4[%add3A_32, %dma_start3A_116] : memref<2560x128xi32, #tpu.memory_space<hbm>> -> memref<40x128xi32, #tpu.memory_space<hbm>>
      tpu.enqueue_dma source(%dma_start3A_117 : memref<40x128xi32, #tpu.memory_space<hbm>>) target(%arg10 : memref<40x128xi32, #tpu.memory_space<vmem>>) target_semaphore(%run_scoped3A_113 : memref<!tpu.dma_semaphore, #tpu.memory_space<semaphore_mem>>)
      %dma_wait3A_118 = arith.constant 0 : i32
      %dma_wait3A_119 = tpu.memref_slice %arg4[%add3A_32, %dma_wait3A_118] : memref<2560x128xi32, #tpu.memory_space<hbm>> -> memref<40x128xi32, #tpu.memory_space<hbm>>
      %dma_wait3A_120 = arith.constant 0 : i32
      %dma_wait3A_121 = tpu.memref_slice %arg4[%add3A_32, %dma_wait3A_120] : memref<2560x128xi32, #tpu.memory_space<hbm>> -> memref<40x128xi32, #tpu.memory_space<hbm>>
      tpu.wait_dma2 semaphore(%run_scoped3A_113 : memref<!tpu.dma_semaphore, #tpu.memory_space<semaphore_mem>>) src(%dma_wait3A_121 : memref<40x128xi32, #tpu.memory_space<hbm>>) dst(%arg10 : memref<40x128xi32, #tpu.memory_space<vmem>>)
      tpu.yield
    }) : () -> ()
    %dma_start3A = arith.constant 0 : i32
    %dma_start3A_33 = arith.constant 0 : i32
    %dma_start3A_34 = tpu.memref_slice %arg9[%dma_start3A, %dma_start3A_33] : memref<40x128xi32, #tpu.memory_space<vmem>> -> memref<1x128xi32, #tpu.memory_space<vmem>>
    %dma_start3A_35 = tpu.memref_squeeze %dma_start3A_34 : memref<1x128xi32, #tpu.memory_space<vmem>> -> memref<128xi32, #tpu.memory_space<vmem>>
    %dma_start3A_36 = arith.constant 0 : i32
    %dma_start3A_37 = arith.constant 0 : i32
    %dma_start3A_38 = tpu.memref_slice %arg2[%dma_start3A_36, %dma_start3A_37] : memref<10240x128xf32, #tpu.memory_space<hbm>> -> memref<10240x128xf32, #tpu.memory_space<hbm>>
    tpu.enqueue_indirect_dma source(%dma_start3A_38 : memref<10240x128xf32, #tpu.memory_space<hbm>>) target(%arg7 : memref<128x128xf32, #tpu.memory_space<vmem>>) offsets(%dma_start3A_35 : memref<128xi32, #tpu.memory_space<vmem>>) semaphore(%arg11 : memref<!tpu.dma_semaphore, #tpu.memory_space<semaphore_mem>>)
    %dma_start3A_39 = arith.constant 1 : i32
    %dma_start3A_40 = arith.constant 0 : i32
    %dma_start3A_41 = tpu.memref_slice %arg9[%dma_start3A_39, %dma_start3A_40] : memref<40x128xi32, #tpu.memory_space<vmem>> -> memref<1x128xi32, #tpu.memory_space<vmem>>
    %dma_start3A_42 = tpu.memref_squeeze %dma_start3A_41 : memref<1x128xi32, #tpu.memory_space<vmem>> -> memref<128xi32, #tpu.memory_space<vmem>>
    %dma_start3A_43 = arith.constant 0 : i32
    %dma_start3A_44 = arith.constant 0 : i32
    %dma_start3A_45 = tpu.memref_slice %arg2[%dma_start3A_43, %dma_start3A_44] : memref<10240x128xf32, #tpu.memory_space<hbm>> -> memref<10240x128xf32, #tpu.memory_space<hbm>>
    tpu.enqueue_indirect_dma source(%dma_start3A_45 : memref<10240x128xf32, #tpu.memory_space<hbm>>) target(%arg8 : memref<128x128xf32, #tpu.memory_space<vmem>>) offsets(%dma_start3A_42 : memref<128xi32, #tpu.memory_space<vmem>>) semaphore(%arg12 : memref<!tpu.dma_semaphore, #tpu.memory_space<semaphore_mem>>)
    %scan3A_46 = arith.constant 0 : i32
    %scan3A_47 = arith.constant 0 : i32
    %scan3A_48 = arith.constant 19 : i32
    %scan3A_49 = arith.addi %scan3A_47, %scan3A_48 : i32
    %scan3A_50 = arith.constant 1 : i32
    %scan3A_51 = scf.for %scan3A_113 = %scan3A_47 to %scan3A_49 step %scan3A_50 iter_args(%scan3A_114 = %scan3A_46) -> (i32)  : i32 {
      %mul3A_115 = arith.constant 2 : i32
      %mul3A_116 = arith.muli %scan3A_113, %mul3A_115 : i32
      %dma_wait3A_117 = arith.constant 0 : i32
      %dma_wait3A_118 = tpu.memref_slice %arg9[%mul3A_116, %dma_wait3A_117] : memref<40x128xi32, #tpu.memory_space<vmem>> -> memref<1x128xi32, #tpu.memory_space<vmem>>
      %dma_wait3A_119 = tpu.memref_squeeze %dma_wait3A_118 : memref<1x128xi32, #tpu.memory_space<vmem>> -> memref<128xi32, #tpu.memory_space<vmem>>
      %dma_wait3A_120 = arith.constant 0 : i32
      %dma_wait3A_121 = arith.constant 0 : i32
      %dma_wait3A_122 = tpu.memref_slice %arg2[%dma_wait3A_120, %dma_wait3A_121] : memref<10240x128xf32, #tpu.memory_space<hbm>> -> memref<10240x128xf32, #tpu.memory_space<hbm>>
      tpu.wait_indirect_dma semaphore(%arg11 : memref<!tpu.dma_semaphore, #tpu.memory_space<semaphore_mem>>) src(%dma_wait3A_122 : memref<10240x128xf32, #tpu.memory_space<hbm>>) dst(%arg7 : memref<128x128xf32, #tpu.memory_space<vmem>>)
      "tpu.region"() ({
        %run_scoped3A_150 = tpu.sem_alloc : memref<!tpu.dma_semaphore, #tpu.memory_space<semaphore_mem>>
        %dma_start3A_151 = arith.constant 0 : i32
        %dma_start3A_152 = tpu.memref_slice %arg10[%mul3A_116, %dma_start3A_151] : memref<40x128xi32, #tpu.memory_space<vmem>> -> memref<1x128xi32, #tpu.memory_space<vmem>>
        %dma_start3A_153 = tpu.memref_squeeze %dma_start3A_152 : memref<1x128xi32, #tpu.memory_space<vmem>> -> memref<128xi32, #tpu.memory_space<vmem>>
        %dma_start3A_154 = arith.constant 0 : i32
        %dma_start3A_155 = arith.constant 0 : i32
        %dma_start3A_156 = tpu.memref_slice %arg6[%dma_start3A_154, %dma_start3A_155] : memref<10240x128xf32, #tpu.memory_space<vmem_shared>> -> memref<10240x128xf32, #tpu.memory_space<vmem_shared>>
        tpu.enqueue_indirect_dma source(%arg7 : memref<128x128xf32, #tpu.memory_space<vmem>>) target(%dma_start3A_156 : memref<10240x128xf32, #tpu.memory_space<vmem_shared>>) offsets(%dma_start3A_153 : memref<128xi32, #tpu.memory_space<vmem>>) semaphore(%run_scoped3A_150 : memref<!tpu.dma_semaphore, #tpu.memory_space<semaphore_mem>>) {add = true}
        %dma_wait3A_157 = arith.constant 0 : i32
        %dma_wait3A_158 = tpu.memref_slice %arg10[%mul3A_116, %dma_wait3A_157] : memref<40x128xi32, #tpu.memory_space<vmem>> -> memref<1x128xi32, #tpu.memory_space<vmem>>
        %dma_wait3A_159 = tpu.memref_squeeze %dma_wait3A_158 : memref<1x128xi32, #tpu.memory_space<vmem>> -> memref<128xi32, #tpu.memory_space<vmem>>
        %dma_wait3A_160 = arith.constant 0 : i32
        %dma_wait3A_161 = arith.constant 0 : i32
        %dma_wait3A_162 = tpu.memref_slice %arg6[%dma_wait3A_160, %dma_wait3A_161] : memref<10240x128xf32, #tpu.memory_space<vmem_shared>> -> memref<10240x128xf32, #tpu.memory_space<vmem_shared>>
        tpu.wait_indirect_dma semaphore(%run_scoped3A_150 : memref<!tpu.dma_semaphore, #tpu.memory_space<semaphore_mem>>) src(%arg7 : memref<128x128xf32, #tpu.memory_space<vmem>>) dst(%dma_wait3A_162 : memref<10240x128xf32, #tpu.memory_space<vmem_shared>>)
        tpu.yield
      }) : () -> ()
      %add3A_123 = arith.constant 2 : i32
      %add3A_124 = arith.addi %mul3A_116, %add3A_123 : i32
      %dma_start3A_125 = arith.constant 0 : i32
      %dma_start3A_126 = tpu.memref_slice %arg9[%add3A_124, %dma_start3A_125] : memref<40x128xi32, #tpu.memory_space<vmem>> -> memref<1x128xi32, #tpu.memory_space<vmem>>
      %dma_start3A_127 = tpu.memref_squeeze %dma_start3A_126 : memref<1x128xi32, #tpu.memory_space<vmem>> -> memref<128xi32, #tpu.memory_space<vmem>>
      %dma_start3A_128 = arith.constant 0 : i32
      %dma_start3A_129 = arith.constant 0 : i32
      %dma_start3A_130 = tpu.memref_slice %arg2[%dma_start3A_128, %dma_start3A_129] : memref<10240x128xf32, #tpu.memory_space<hbm>> -> memref<10240x128xf32, #tpu.memory_space<hbm>>
      tpu.enqueue_indirect_dma source(%dma_start3A_130 : memref<10240x128xf32, #tpu.memory_space<hbm>>) target(%arg7 : memref<128x128xf32, #tpu.memory_space<vmem>>) offsets(%dma_start3A_127 : memref<128xi32, #tpu.memory_space<vmem>>) semaphore(%arg11 : memref<!tpu.dma_semaphore, #tpu.memory_space<semaphore_mem>>)
      %add3A_131 = arith.constant 1 : i32
      %add3A_132 = arith.addi %mul3A_116, %add3A_131 : i32
      %dma_wait3A_133 = arith.constant 0 : i32
      %dma_wait3A_134 = tpu.memref_slice %arg9[%add3A_132, %dma_wait3A_133] : memref<40x128xi32, #tpu.memory_space<vmem>> -> memref<1x128xi32, #tpu.memory_space<vmem>>
      %dma_wait3A_135 = tpu.memref_squeeze %dma_wait3A_134 : memref<1x128xi32, #tpu.memory_space<vmem>> -> memref<128xi32, #tpu.memory_space<vmem>>
      %dma_wait3A_136 = arith.constant 0 : i32
      %dma_wait3A_137 = arith.constant 0 : i32
      %dma_wait3A_138 = tpu.memref_slice %arg2[%dma_wait3A_136, %dma_wait3A_137] : memref<10240x128xf32, #tpu.memory_space<hbm>> -> memref<10240x128xf32, #tpu.memory_space<hbm>>
      tpu.wait_indirect_dma semaphore(%arg12 : memref<!tpu.dma_semaphore, #tpu.memory_space<semaphore_mem>>) src(%dma_wait3A_138 : memref<10240x128xf32, #tpu.memory_space<hbm>>) dst(%arg8 : memref<128x128xf32, #tpu.memory_space<vmem>>)
      %add3A_139 = arith.constant 1 : i32
      %add3A_140 = arith.addi %mul3A_116, %add3A_139 : i32
      "tpu.region"() ({
        %run_scoped3A_150 = tpu.sem_alloc : memref<!tpu.dma_semaphore, #tpu.memory_space<semaphore_mem>>
        %dma_start3A_151 = arith.constant 0 : i32
        %dma_start3A_152 = tpu.memref_slice %arg10[%add3A_140, %dma_start3A_151] : memref<40x128xi32, #tpu.memory_space<vmem>> -> memref<1x128xi32, #tpu.memory_space<vmem>>
        %dma_start3A_153 = tpu.memref_squeeze %dma_start3A_152 : memref<1x128xi32, #tpu.memory_space<vmem>> -> memref<128xi32, #tpu.memory_space<vmem>>
        %dma_start3A_154 = arith.constant 0 : i32
        %dma_start3A_155 = arith.constant 0 : i32
        %dma_start3A_156 = tpu.memref_slice %arg6[%dma_start3A_154, %dma_start3A_155] : memref<10240x128xf32, #tpu.memory_space<vmem_shared>> -> memref<10240x128xf32, #tpu.memory_space<vmem_shared>>
        tpu.enqueue_indirect_dma source(%arg8 : memref<128x128xf32, #tpu.memory_space<vmem>>) target(%dma_start3A_156 : memref<10240x128xf32, #tpu.memory_space<vmem_shared>>) offsets(%dma_start3A_153 : memref<128xi32, #tpu.memory_space<vmem>>) semaphore(%run_scoped3A_150 : memref<!tpu.dma_semaphore, #tpu.memory_space<semaphore_mem>>) {add = true}
        %dma_wait3A_157 = arith.constant 0 : i32
        %dma_wait3A_158 = tpu.memref_slice %arg10[%add3A_140, %dma_wait3A_157] : memref<40x128xi32, #tpu.memory_space<vmem>> -> memref<1x128xi32, #tpu.memory_space<vmem>>
        %dma_wait3A_159 = tpu.memref_squeeze %dma_wait3A_158 : memref<1x128xi32, #tpu.memory_space<vmem>> -> memref<128xi32, #tpu.memory_space<vmem>>
        %dma_wait3A_160 = arith.constant 0 : i32
        %dma_wait3A_161 = arith.constant 0 : i32
        %dma_wait3A_162 = tpu.memref_slice %arg6[%dma_wait3A_160, %dma_wait3A_161] : memref<10240x128xf32, #tpu.memory_space<vmem_shared>> -> memref<10240x128xf32, #tpu.memory_space<vmem_shared>>
        tpu.wait_indirect_dma semaphore(%run_scoped3A_150 : memref<!tpu.dma_semaphore, #tpu.memory_space<semaphore_mem>>) src(%arg8 : memref<128x128xf32, #tpu.memory_space<vmem>>) dst(%dma_wait3A_162 : memref<10240x128xf32, #tpu.memory_space<vmem_shared>>)
        tpu.yield
      }) : () -> ()
      %add3A_141 = arith.constant 3 : i32
      %add3A_142 = arith.addi %mul3A_116, %add3A_141 : i32
      %dma_start3A_143 = arith.constant 0 : i32
      %dma_start3A_144 = tpu.memref_slice %arg9[%add3A_142, %dma_start3A_143] : memref<40x128xi32, #tpu.memory_space<vmem>> -> memref<1x128xi32, #tpu.memory_space<vmem>>
      %dma_start3A_145 = tpu.memref_squeeze %dma_start3A_144 : memref<1x128xi32, #tpu.memory_space<vmem>> -> memref<128xi32, #tpu.memory_space<vmem>>
      %dma_start3A_146 = arith.constant 0 : i32
      %dma_start3A_147 = arith.constant 0 : i32
      %dma_start3A_148 = tpu.memref_slice %arg2[%dma_start3A_146, %dma_start3A_147] : memref<10240x128xf32, #tpu.memory_space<hbm>> -> memref<10240x128xf32, #tpu.memory_space<hbm>>
      tpu.enqueue_indirect_dma source(%dma_start3A_148 : memref<10240x128xf32, #tpu.memory_space<hbm>>) target(%arg8 : memref<128x128xf32, #tpu.memory_space<vmem>>) offsets(%dma_start3A_145 : memref<128xi32, #tpu.memory_space<vmem>>) semaphore(%arg12 : memref<!tpu.dma_semaphore, #tpu.memory_space<semaphore_mem>>)
      %scan3A_149 = arith.constant 0 : i32
      scf.yield %scan3A_149 : i32
    }
    %scan3A_52 = arith.constant 19 : i32
    %dma_wait3A = arith.constant 38 : i32
    %dma_wait3A_53 = arith.constant 0 : i32
    %dma_wait3A_54 = tpu.memref_slice %arg9[%dma_wait3A, %dma_wait3A_53] : memref<40x128xi32, #tpu.memory_space<vmem>> -> memref<1x128xi32, #tpu.memory_space<vmem>>
    %dma_wait3A_55 = tpu.memref_squeeze %dma_wait3A_54 : memref<1x128xi32, #tpu.memory_space<vmem>> -> memref<128xi32, #tpu.memory_space<vmem>>
    %dma_wait3A_56 = arith.constant 0 : i32
    %dma_wait3A_57 = arith.constant 0 : i32
    %dma_wait3A_58 = tpu.memref_slice %arg2[%dma_wait3A_56, %dma_wait3A_57] : memref<10240x128xf32, #tpu.memory_space<hbm>> -> memref<10240x128xf32, #tpu.memory_space<hbm>>
    tpu.wait_indirect_dma semaphore(%arg11 : memref<!tpu.dma_semaphore, #tpu.memory_space<semaphore_mem>>) src(%dma_wait3A_58 : memref<10240x128xf32, #tpu.memory_space<hbm>>) dst(%arg7 : memref<128x128xf32, #tpu.memory_space<vmem>>)
    %run_scoped3A = arith.constant 38 : i32
    "tpu.region"() ({
      %run_scoped3A_113 = tpu.sem_alloc : memref<!tpu.dma_semaphore, #tpu.memory_space<semaphore_mem>>
      %dma_start3A_114 = arith.constant 0 : i32
      %dma_start3A_115 = tpu.memref_slice %arg10[%run_scoped3A, %dma_start3A_114] : memref<40x128xi32, #tpu.memory_space<vmem>> -> memref<1x128xi32, #tpu.memory_space<vmem>>
      %dma_start3A_116 = tpu.memref_squeeze %dma_start3A_115 : memref<1x128xi32, #tpu.memory_space<vmem>> -> memref<128xi32, #tpu.memory_space<vmem>>
      %dma_start3A_117 = arith.constant 0 : i32
      %dma_start3A_118 = arith.constant 0 : i32
      %dma_start3A_119 = tpu.memref_slice %arg6[%dma_start3A_117, %dma_start3A_118] : memref<10240x128xf32, #tpu.memory_space<vmem_shared>> -> memref<10240x128xf32, #tpu.memory_space<vmem_shared>>
      tpu.enqueue_indirect_dma source(%arg7 : memref<128x128xf32, #tpu.memory_space<vmem>>) target(%dma_start3A_119 : memref<10240x128xf32, #tpu.memory_space<vmem_shared>>) offsets(%dma_start3A_116 : memref<128xi32, #tpu.memory_space<vmem>>) semaphore(%run_scoped3A_113 : memref<!tpu.dma_semaphore, #tpu.memory_space<semaphore_mem>>) {add = true}
      %dma_wait3A_120 = arith.constant 0 : i32
      %dma_wait3A_121 = tpu.memref_slice %arg10[%run_scoped3A, %dma_wait3A_120] : memref<40x128xi32, #tpu.memory_space<vmem>> -> memref<1x128xi32, #tpu.memory_space<vmem>>
      %dma_wait3A_122 = tpu.memref_squeeze %dma_wait3A_121 : memref<1x128xi32, #tpu.memory_space<vmem>> -> memref<128xi32, #tpu.memory_space<vmem>>
      %dma_wait3A_123 = arith.constant 0 : i32
      %dma_wait3A_124 = arith.constant 0 : i32
      %dma_wait3A_125 = tpu.memref_slice %arg6[%dma_wait3A_123, %dma_wait3A_124] : memref<10240x128xf32, #tpu.memory_space<vmem_shared>> -> memref<10240x128xf32, #tpu.memory_space<vmem_shared>>
      tpu.wait_indirect_dma semaphore(%run_scoped3A_113 : memref<!tpu.dma_semaphore, #tpu.memory_space<semaphore_mem>>) src(%arg7 : memref<128x128xf32, #tpu.memory_space<vmem>>) dst(%dma_wait3A_125 : memref<10240x128xf32, #tpu.memory_space<vmem_shared>>)
      tpu.yield
    }) : () -> ()
    %dma_wait3A_59 = arith.constant 39 : i32
    %dma_wait3A_60 = arith.constant 0 : i32
    %dma_wait3A_61 = tpu.memref_slice %arg9[%dma_wait3A_59, %dma_wait3A_60] : memref<40x128xi32, #tpu.memory_space<vmem>> -> memref<1x128xi32, #tpu.memory_space<vmem>>
    %dma_wait3A_62 = tpu.memref_squeeze %dma_wait3A_61 : memref<1x128xi32, #tpu.memory_space<vmem>> -> memref<128xi32, #tpu.memory_space<vmem>>
    %dma_wait3A_63 = arith.constant 0 : i32
    %dma_wait3A_64 = arith.constant 0 : i32
    %dma_wait3A_65 = tpu.memref_slice %arg2[%dma_wait3A_63, %dma_wait3A_64] : memref<10240x128xf32, #tpu.memory_space<hbm>> -> memref<10240x128xf32, #tpu.memory_space<hbm>>
    tpu.wait_indirect_dma semaphore(%arg12 : memref<!tpu.dma_semaphore, #tpu.memory_space<semaphore_mem>>) src(%dma_wait3A_65 : memref<10240x128xf32, #tpu.memory_space<hbm>>) dst(%arg8 : memref<128x128xf32, #tpu.memory_space<vmem>>)
    %run_scoped3A_66 = arith.constant 39 : i32
    "tpu.region"() ({
      %run_scoped3A_113 = tpu.sem_alloc : memref<!tpu.dma_semaphore, #tpu.memory_space<semaphore_mem>>
      %dma_start3A_114 = arith.constant 0 : i32
      %dma_start3A_115 = tpu.memref_slice %arg10[%run_scoped3A_66, %dma_start3A_114] : memref<40x128xi32, #tpu.memory_space<vmem>> -> memref<1x128xi32, #tpu.memory_space<vmem>>
      %dma_start3A_116 = tpu.memref_squeeze %dma_start3A_115 : memref<1x128xi32, #tpu.memory_space<vmem>> -> memref<128xi32, #tpu.memory_space<vmem>>
      %dma_start3A_117 = arith.constant 0 : i32
      %dma_start3A_118 = arith.constant 0 : i32
      %dma_start3A_119 = tpu.memref_slice %arg6[%dma_start3A_117, %dma_start3A_118] : memref<10240x128xf32, #tpu.memory_space<vmem_shared>> -> memref<10240x128xf32, #tpu.memory_space<vmem_shared>>
      tpu.enqueue_indirect_dma source(%arg8 : memref<128x128xf32, #tpu.memory_space<vmem>>) target(%dma_start3A_119 : memref<10240x128xf32, #tpu.memory_space<vmem_shared>>) offsets(%dma_start3A_116 : memref<128xi32, #tpu.memory_space<vmem>>) semaphore(%run_scoped3A_113 : memref<!tpu.dma_semaphore, #tpu.memory_space<semaphore_mem>>) {add = true}
      %dma_wait3A_120 = arith.constant 0 : i32
      %dma_wait3A_121 = tpu.memref_slice %arg10[%run_scoped3A_66, %dma_wait3A_120] : memref<40x128xi32, #tpu.memory_space<vmem>> -> memref<1x128xi32, #tpu.memory_space<vmem>>
      %dma_wait3A_122 = tpu.memref_squeeze %dma_wait3A_121 : memref<1x128xi32, #tpu.memory_space<vmem>> -> memref<128xi32, #tpu.memory_space<vmem>>
      %dma_wait3A_123 = arith.constant 0 : i32
      %dma_wait3A_124 = arith.constant 0 : i32
      %dma_wait3A_125 = tpu.memref_slice %arg6[%dma_wait3A_123, %dma_wait3A_124] : memref<10240x128xf32, #tpu.memory_space<vmem_shared>> -> memref<10240x128xf32, #tpu.memory_space<vmem_shared>>
      tpu.wait_indirect_dma semaphore(%run_scoped3A_113 : memref<!tpu.dma_semaphore, #tpu.memory_space<semaphore_mem>>) src(%arg8 : memref<128x128xf32, #tpu.memory_space<vmem>>) dst(%dma_wait3A_125 : memref<10240x128xf32, #tpu.memory_space<vmem_shared>>)
      tpu.yield
    }) : () -> ()
    %add3A_67 = arith.constant 40 : i32
    %add3A_68 = arith.addi %mul3A_28, %add3A_67 : i32
    "tpu.region"() ({
      %run_scoped3A_113 = tpu.sem_alloc : memref<!tpu.dma_semaphore, #tpu.memory_space<semaphore_mem>>
      %dma_start3A_114 = arith.constant 0 : i32
      %dma_start3A_115 = tpu.memref_slice %arg3[%add3A_68, %dma_start3A_114] : memref<2560x128xi32, #tpu.memory_space<hbm>> -> memref<40x128xi32, #tpu.memory_space<hbm>>
      %dma_start3A_116 = arith.constant 0 : i32
      %dma_start3A_117 = tpu.memref_slice %arg3[%add3A_68, %dma_start3A_116] : memref<2560x128xi32, #tpu.memory_space<hbm>> -> memref<40x128xi32, #tpu.memory_space<hbm>>
      tpu.enqueue_dma source(%dma_start3A_117 : memref<40x128xi32, #tpu.memory_space<hbm>>) target(%arg9 : memref<40x128xi32, #tpu.memory_space<vmem>>) target_semaphore(%run_scoped3A_113 : memref<!tpu.dma_semaphore, #tpu.memory_space<semaphore_mem>>)
      %dma_wait3A_118 = arith.constant 0 : i32
      %dma_wait3A_119 = tpu.memref_slice %arg3[%add3A_68, %dma_wait3A_118] : memref<2560x128xi32, #tpu.memory_space<hbm>> -> memref<40x128xi32, #tpu.memory_space<hbm>>
      %dma_wait3A_120 = arith.constant 0 : i32
      %dma_wait3A_121 = tpu.memref_slice %arg3[%add3A_68, %dma_wait3A_120] : memref<2560x128xi32, #tpu.memory_space<hbm>> -> memref<40x128xi32, #tpu.memory_space<hbm>>
      tpu.wait_dma2 semaphore(%run_scoped3A_113 : memref<!tpu.dma_semaphore, #tpu.memory_space<semaphore_mem>>) src(%dma_wait3A_121 : memref<40x128xi32, #tpu.memory_space<hbm>>) dst(%arg9 : memref<40x128xi32, #tpu.memory_space<vmem>>)
      tpu.yield
    }) : () -> ()
    %add3A_69 = arith.constant 40 : i32
    %add3A_70 = arith.addi %mul3A_28, %add3A_69 : i32
    "tpu.region"() ({
      %run_scoped3A_113 = tpu.sem_alloc : memref<!tpu.dma_semaphore, #tpu.memory_space<semaphore_mem>>
      %dma_start3A_114 = arith.constant 0 : i32
      %dma_start3A_115 = tpu.memref_slice %arg4[%add3A_70, %dma_start3A_114] : memref<2560x128xi32, #tpu.memory_space<hbm>> -> memref<40x128xi32, #tpu.memory_space<hbm>>
      %dma_start3A_116 = arith.constant 0 : i32
      %dma_start3A_117 = tpu.memref_slice %arg4[%add3A_70, %dma_start3A_116] : memref<2560x128xi32, #tpu.memory_space<hbm>> -> memref<40x128xi32, #tpu.memory_space<hbm>>
      tpu.enqueue_dma source(%dma_start3A_117 : memref<40x128xi32, #tpu.memory_space<hbm>>) target(%arg10 : memref<40x128xi32, #tpu.memory_space<vmem>>) target_semaphore(%run_scoped3A_113 : memref<!tpu.dma_semaphore, #tpu.memory_space<semaphore_mem>>)
      %dma_wait3A_118 = arith.constant 0 : i32
      %dma_wait3A_119 = tpu.memref_slice %arg4[%add3A_70, %dma_wait3A_118] : memref<2560x128xi32, #tpu.memory_space<hbm>> -> memref<40x128xi32, #tpu.memory_space<hbm>>
      %dma_wait3A_120 = arith.constant 0 : i32
      %dma_wait3A_121 = tpu.memref_slice %arg4[%add3A_70, %dma_wait3A_120] : memref<2560x128xi32, #tpu.memory_space<hbm>> -> memref<40x128xi32, #tpu.memory_space<hbm>>
      tpu.wait_dma2 semaphore(%run_scoped3A_113 : memref<!tpu.dma_semaphore, #tpu.memory_space<semaphore_mem>>) src(%dma_wait3A_121 : memref<40x128xi32, #tpu.memory_space<hbm>>) dst(%arg10 : memref<40x128xi32, #tpu.memory_space<vmem>>)
      tpu.yield
    }) : () -> ()
    %dma_start3A_71 = arith.constant 0 : i32
    %dma_start3A_72 = arith.constant 0 : i32
    %dma_start3A_73 = tpu.memref_slice %arg9[%dma_start3A_71, %dma_start3A_72] : memref<40x128xi32, #tpu.memory_space<vmem>> -> memref<1x128xi32, #tpu.memory_space<vmem>>
    %dma_start3A_74 = tpu.memref_squeeze %dma_start3A_73 : memref<1x128xi32, #tpu.memory_space<vmem>> -> memref<128xi32, #tpu.memory_space<vmem>>
    %dma_start3A_75 = arith.constant 0 : i32
    %dma_start3A_76 = arith.constant 0 : i32
    %dma_start3A_77 = tpu.memref_slice %arg2[%dma_start3A_75, %dma_start3A_76] : memref<10240x128xf32, #tpu.memory_space<hbm>> -> memref<10240x128xf32, #tpu.memory_space<hbm>>
    tpu.enqueue_indirect_dma source(%dma_start3A_77 : memref<10240x128xf32, #tpu.memory_space<hbm>>) target(%arg7 : memref<128x128xf32, #tpu.memory_space<vmem>>) offsets(%dma_start3A_74 : memref<128xi32, #tpu.memory_space<vmem>>) semaphore(%arg11 : memref<!tpu.dma_semaphore, #tpu.memory_space<semaphore_mem>>)
    %dma_start3A_78 = arith.constant 1 : i32
    %dma_start3A_79 = arith.constant 0 : i32
    %dma_start3A_80 = tpu.memref_slice %arg9[%dma_start3A_78, %dma_start3A_79] : memref<40x128xi32, #tpu.memory_space<vmem>> -> memref<1x128xi32, #tpu.memory_space<vmem>>
    %dma_start3A_81 = tpu.memref_squeeze %dma_start3A_80 : memref<1x128xi32, #tpu.memory_space<vmem>> -> memref<128xi32, #tpu.memory_space<vmem>>
    %dma_start3A_82 = arith.constant 0 : i32
    %dma_start3A_83 = arith.constant 0 : i32
    %dma_start3A_84 = tpu.memref_slice %arg2[%dma_start3A_82, %dma_start3A_83] : memref<10240x128xf32, #tpu.memory_space<hbm>> -> memref<10240x128xf32, #tpu.memory_space<hbm>>
    tpu.enqueue_indirect_dma source(%dma_start3A_84 : memref<10240x128xf32, #tpu.memory_space<hbm>>) target(%arg8 : memref<128x128xf32, #tpu.memory_space<vmem>>) offsets(%dma_start3A_81 : memref<128xi32, #tpu.memory_space<vmem>>) semaphore(%arg12 : memref<!tpu.dma_semaphore, #tpu.memory_space<semaphore_mem>>)
    %scan3A_85 = arith.constant 0 : i32
    %scan3A_86 = arith.constant 0 : i32
    %scan3A_87 = arith.constant 19 : i32
    %scan3A_88 = arith.addi %scan3A_86, %scan3A_87 : i32
    %scan3A_89 = arith.constant 1 : i32
    %scan3A_90 = scf.for %scan3A_113 = %scan3A_86 to %scan3A_88 step %scan3A_89 iter_args(%scan3A_114 = %scan3A_85) -> (i32)  : i32 {
      %mul3A_115 = arith.constant 2 : i32
      %mul3A_116 = arith.muli %scan3A_113, %mul3A_115 : i32
      %dma_wait3A_117 = arith.constant 0 : i32
      %dma_wait3A_118 = tpu.memref_slice %arg9[%mul3A_116, %dma_wait3A_117] : memref<40x128xi32, #tpu.memory_space<vmem>> -> memref<1x128xi32, #tpu.memory_space<vmem>>
      %dma_wait3A_119 = tpu.memref_squeeze %dma_wait3A_118 : memref<1x128xi32, #tpu.memory_space<vmem>> -> memref<128xi32, #tpu.memory_space<vmem>>
      %dma_wait3A_120 = arith.constant 0 : i32
      %dma_wait3A_121 = arith.constant 0 : i32
      %dma_wait3A_122 = tpu.memref_slice %arg2[%dma_wait3A_120, %dma_wait3A_121] : memref<10240x128xf32, #tpu.memory_space<hbm>> -> memref<10240x128xf32, #tpu.memory_space<hbm>>
      tpu.wait_indirect_dma semaphore(%arg11 : memref<!tpu.dma_semaphore, #tpu.memory_space<semaphore_mem>>) src(%dma_wait3A_122 : memref<10240x128xf32, #tpu.memory_space<hbm>>) dst(%arg7 : memref<128x128xf32, #tpu.memory_space<vmem>>)
      "tpu.region"() ({
        %run_scoped3A_150 = tpu.sem_alloc : memref<!tpu.dma_semaphore, #tpu.memory_space<semaphore_mem>>
        %dma_start3A_151 = arith.constant 0 : i32
        %dma_start3A_152 = tpu.memref_slice %arg10[%mul3A_116, %dma_start3A_151] : memref<40x128xi32, #tpu.memory_space<vmem>> -> memref<1x128xi32, #tpu.memory_space<vmem>>
        %dma_start3A_153 = tpu.memref_squeeze %dma_start3A_152 : memref<1x128xi32, #tpu.memory_space<vmem>> -> memref<128xi32, #tpu.memory_space<vmem>>
        %dma_start3A_154 = arith.constant 0 : i32
        %dma_start3A_155 = arith.constant 0 : i32
        %dma_start3A_156 = tpu.memref_slice %arg6[%dma_start3A_154, %dma_start3A_155] : memref<10240x128xf32, #tpu.memory_space<vmem_shared>> -> memref<10240x128xf32, #tpu.memory_space<vmem_shared>>
        tpu.enqueue_indirect_dma source(%arg7 : memref<128x128xf32, #tpu.memory_space<vmem>>) target(%dma_start3A_156 : memref<10240x128xf32, #tpu.memory_space<vmem_shared>>) offsets(%dma_start3A_153 : memref<128xi32, #tpu.memory_space<vmem>>) semaphore(%run_scoped3A_150 : memref<!tpu.dma_semaphore, #tpu.memory_space<semaphore_mem>>) {add = true}
        %dma_wait3A_157 = arith.constant 0 : i32
        %dma_wait3A_158 = tpu.memref_slice %arg10[%mul3A_116, %dma_wait3A_157] : memref<40x128xi32, #tpu.memory_space<vmem>> -> memref<1x128xi32, #tpu.memory_space<vmem>>
        %dma_wait3A_159 = tpu.memref_squeeze %dma_wait3A_158 : memref<1x128xi32, #tpu.memory_space<vmem>> -> memref<128xi32, #tpu.memory_space<vmem>>
        %dma_wait3A_160 = arith.constant 0 : i32
        %dma_wait3A_161 = arith.constant 0 : i32
        %dma_wait3A_162 = tpu.memref_slice %arg6[%dma_wait3A_160, %dma_wait3A_161] : memref<10240x128xf32, #tpu.memory_space<vmem_shared>> -> memref<10240x128xf32, #tpu.memory_space<vmem_shared>>
        tpu.wait_indirect_dma semaphore(%run_scoped3A_150 : memref<!tpu.dma_semaphore, #tpu.memory_space<semaphore_mem>>) src(%arg7 : memref<128x128xf32, #tpu.memory_space<vmem>>) dst(%dma_wait3A_162 : memref<10240x128xf32, #tpu.memory_space<vmem_shared>>)
        tpu.yield
      }) : () -> ()
      %add3A_123 = arith.constant 2 : i32
      %add3A_124 = arith.addi %mul3A_116, %add3A_123 : i32
      %dma_start3A_125 = arith.constant 0 : i32
      %dma_start3A_126 = tpu.memref_slice %arg9[%add3A_124, %dma_start3A_125] : memref<40x128xi32, #tpu.memory_space<vmem>> -> memref<1x128xi32, #tpu.memory_space<vmem>>
      %dma_start3A_127 = tpu.memref_squeeze %dma_start3A_126 : memref<1x128xi32, #tpu.memory_space<vmem>> -> memref<128xi32, #tpu.memory_space<vmem>>
      %dma_start3A_128 = arith.constant 0 : i32
      %dma_start3A_129 = arith.constant 0 : i32
      %dma_start3A_130 = tpu.memref_slice %arg2[%dma_start3A_128, %dma_start3A_129] : memref<10240x128xf32, #tpu.memory_space<hbm>> -> memref<10240x128xf32, #tpu.memory_space<hbm>>
      tpu.enqueue_indirect_dma source(%dma_start3A_130 : memref<10240x128xf32, #tpu.memory_space<hbm>>) target(%arg7 : memref<128x128xf32, #tpu.memory_space<vmem>>) offsets(%dma_start3A_127 : memref<128xi32, #tpu.memory_space<vmem>>) semaphore(%arg11 : memref<!tpu.dma_semaphore, #tpu.memory_space<semaphore_mem>>)
      %add3A_131 = arith.constant 1 : i32
      %add3A_132 = arith.addi %mul3A_116, %add3A_131 : i32
      %dma_wait3A_133 = arith.constant 0 : i32
      %dma_wait3A_134 = tpu.memref_slice %arg9[%add3A_132, %dma_wait3A_133] : memref<40x128xi32, #tpu.memory_space<vmem>> -> memref<1x128xi32, #tpu.memory_space<vmem>>
      %dma_wait3A_135 = tpu.memref_squeeze %dma_wait3A_134 : memref<1x128xi32, #tpu.memory_space<vmem>> -> memref<128xi32, #tpu.memory_space<vmem>>
      %dma_wait3A_136 = arith.constant 0 : i32
      %dma_wait3A_137 = arith.constant 0 : i32
      %dma_wait3A_138 = tpu.memref_slice %arg2[%dma_wait3A_136, %dma_wait3A_137] : memref<10240x128xf32, #tpu.memory_space<hbm>> -> memref<10240x128xf32, #tpu.memory_space<hbm>>
      tpu.wait_indirect_dma semaphore(%arg12 : memref<!tpu.dma_semaphore, #tpu.memory_space<semaphore_mem>>) src(%dma_wait3A_138 : memref<10240x128xf32, #tpu.memory_space<hbm>>) dst(%arg8 : memref<128x128xf32, #tpu.memory_space<vmem>>)
      %add3A_139 = arith.constant 1 : i32
      %add3A_140 = arith.addi %mul3A_116, %add3A_139 : i32
      "tpu.region"() ({
        %run_scoped3A_150 = tpu.sem_alloc : memref<!tpu.dma_semaphore, #tpu.memory_space<semaphore_mem>>
        %dma_start3A_151 = arith.constant 0 : i32
        %dma_start3A_152 = tpu.memref_slice %arg10[%add3A_140, %dma_start3A_151] : memref<40x128xi32, #tpu.memory_space<vmem>> -> memref<1x128xi32, #tpu.memory_space<vmem>>
        %dma_start3A_153 = tpu.memref_squeeze %dma_start3A_152 : memref<1x128xi32, #tpu.memory_space<vmem>> -> memref<128xi32, #tpu.memory_space<vmem>>
        %dma_start3A_154 = arith.constant 0 : i32
        %dma_start3A_155 = arith.constant 0 : i32
        %dma_start3A_156 = tpu.memref_slice %arg6[%dma_start3A_154, %dma_start3A_155] : memref<10240x128xf32, #tpu.memory_space<vmem_shared>> -> memref<10240x128xf32, #tpu.memory_space<vmem_shared>>
        tpu.enqueue_indirect_dma source(%arg8 : memref<128x128xf32, #tpu.memory_space<vmem>>) target(%dma_start3A_156 : memref<10240x128xf32, #tpu.memory_space<vmem_shared>>) offsets(%dma_start3A_153 : memref<128xi32, #tpu.memory_space<vmem>>) semaphore(%run_scoped3A_150 : memref<!tpu.dma_semaphore, #tpu.memory_space<semaphore_mem>>) {add = true}
        %dma_wait3A_157 = arith.constant 0 : i32
        %dma_wait3A_158 = tpu.memref_slice %arg10[%add3A_140, %dma_wait3A_157] : memref<40x128xi32, #tpu.memory_space<vmem>> -> memref<1x128xi32, #tpu.memory_space<vmem>>
        %dma_wait3A_159 = tpu.memref_squeeze %dma_wait3A_158 : memref<1x128xi32, #tpu.memory_space<vmem>> -> memref<128xi32, #tpu.memory_space<vmem>>
        %dma_wait3A_160 = arith.constant 0 : i32
        %dma_wait3A_161 = arith.constant 0 : i32
        %dma_wait3A_162 = tpu.memref_slice %arg6[%dma_wait3A_160, %dma_wait3A_161] : memref<10240x128xf32, #tpu.memory_space<vmem_shared>> -> memref<10240x128xf32, #tpu.memory_space<vmem_shared>>
        tpu.wait_indirect_dma semaphore(%run_scoped3A_150 : memref<!tpu.dma_semaphore, #tpu.memory_space<semaphore_mem>>) src(%arg8 : memref<128x128xf32, #tpu.memory_space<vmem>>) dst(%dma_wait3A_162 : memref<10240x128xf32, #tpu.memory_space<vmem_shared>>)
        tpu.yield
      }) : () -> ()
      %add3A_141 = arith.constant 3 : i32
      %add3A_142 = arith.addi %mul3A_116, %add3A_141 : i32
      %dma_start3A_143 = arith.constant 0 : i32
      %dma_start3A_144 = tpu.memref_slice %arg9[%add3A_142, %dma_start3A_143] : memref<40x128xi32, #tpu.memory_space<vmem>> -> memref<1x128xi32, #tpu.memory_space<vmem>>
      %dma_start3A_145 = tpu.memref_squeeze %dma_start3A_144 : memref<1x128xi32, #tpu.memory_space<vmem>> -> memref<128xi32, #tpu.memory_space<vmem>>
      %dma_start3A_146 = arith.constant 0 : i32
      %dma_start3A_147 = arith.constant 0 : i32
      %dma_start3A_148 = tpu.memref_slice %arg2[%dma_start3A_146, %dma_start3A_147] : memref<10240x128xf32, #tpu.memory_space<hbm>> -> memref<10240x128xf32, #tpu.memory_space<hbm>>
      tpu.enqueue_indirect_dma source(%dma_start3A_148 : memref<10240x128xf32, #tpu.memory_space<hbm>>) target(%arg8 : memref<128x128xf32, #tpu.memory_space<vmem>>) offsets(%dma_start3A_145 : memref<128xi32, #tpu.memory_space<vmem>>) semaphore(%arg12 : memref<!tpu.dma_semaphore, #tpu.memory_space<semaphore_mem>>)
      %scan3A_149 = arith.constant 0 : i32
      scf.yield %scan3A_149 : i32
    }
    %scan3A_91 = arith.constant 19 : i32
    %dma_wait3A_92 = arith.constant 38 : i32
    %dma_wait3A_93 = arith.constant 0 : i32
    %dma_wait3A_94 = tpu.memref_slice %arg9[%dma_wait3A_92, %dma_wait3A_93] : memref<40x128xi32, #tpu.memory_space<vmem>> -> memref<1x128xi32, #tpu.memory_space<vmem>>
    %dma_wait3A_95 = tpu.memref_squeeze %dma_wait3A_94 : memref<1x128xi32, #tpu.memory_space<vmem>> -> memref<128xi32, #tpu.memory_space<vmem>>
    %dma_wait3A_96 = arith.constant 0 : i32
    %dma_wait3A_97 = arith.constant 0 : i32
    %dma_wait3A_98 = tpu.memref_slice %arg2[%dma_wait3A_96, %dma_wait3A_97] : memref<10240x128xf32, #tpu.memory_space<hbm>> -> memref<10240x128xf32, #tpu.memory_space<hbm>>
    tpu.wait_indirect_dma semaphore(%arg11 : memref<!tpu.dma_semaphore, #tpu.memory_space<semaphore_mem>>) src(%dma_wait3A_98 : memref<10240x128xf32, #tpu.memory_space<hbm>>) dst(%arg7 : memref<128x128xf32, #tpu.memory_space<vmem>>)
    %run_scoped3A_99 = arith.constant 38 : i32
    "tpu.region"() ({
      %run_scoped3A_113 = tpu.sem_alloc : memref<!tpu.dma_semaphore, #tpu.memory_space<semaphore_mem>>
      %dma_start3A_114 = arith.constant 0 : i32
      %dma_start3A_115 = tpu.memref_slice %arg10[%run_scoped3A_99, %dma_start3A_114] : memref<40x128xi32, #tpu.memory_space<vmem>> -> memref<1x128xi32, #tpu.memory_space<vmem>>
      %dma_start3A_116 = tpu.memref_squeeze %dma_start3A_115 : memref<1x128xi32, #tpu.memory_space<vmem>> -> memref<128xi32, #tpu.memory_space<vmem>>
      %dma_start3A_117 = arith.constant 0 : i32
      %dma_start3A_118 = arith.constant 0 : i32
      %dma_start3A_119 = tpu.memref_slice %arg6[%dma_start3A_117, %dma_start3A_118] : memref<10240x128xf32, #tpu.memory_space<vmem_shared>> -> memref<10240x128xf32, #tpu.memory_space<vmem_shared>>
      tpu.enqueue_indirect_dma source(%arg7 : memref<128x128xf32, #tpu.memory_space<vmem>>) target(%dma_start3A_119 : memref<10240x128xf32, #tpu.memory_space<vmem_shared>>) offsets(%dma_start3A_116 : memref<128xi32, #tpu.memory_space<vmem>>) semaphore(%run_scoped3A_113 : memref<!tpu.dma_semaphore, #tpu.memory_space<semaphore_mem>>) {add = true}
      %dma_wait3A_120 = arith.constant 0 : i32
      %dma_wait3A_121 = tpu.memref_slice %arg10[%run_scoped3A_99, %dma_wait3A_120] : memref<40x128xi32, #tpu.memory_space<vmem>> -> memref<1x128xi32, #tpu.memory_space<vmem>>
      %dma_wait3A_122 = tpu.memref_squeeze %dma_wait3A_121 : memref<1x128xi32, #tpu.memory_space<vmem>> -> memref<128xi32, #tpu.memory_space<vmem>>
      %dma_wait3A_123 = arith.constant 0 : i32
      %dma_wait3A_124 = arith.constant 0 : i32
      %dma_wait3A_125 = tpu.memref_slice %arg6[%dma_wait3A_123, %dma_wait3A_124] : memref<10240x128xf32, #tpu.memory_space<vmem_shared>> -> memref<10240x128xf32, #tpu.memory_space<vmem_shared>>
      tpu.wait_indirect_dma semaphore(%run_scoped3A_113 : memref<!tpu.dma_semaphore, #tpu.memory_space<semaphore_mem>>) src(%arg7 : memref<128x128xf32, #tpu.memory_space<vmem>>) dst(%dma_wait3A_125 : memref<10240x128xf32, #tpu.memory_space<vmem_shared>>)
      tpu.yield
    }) : () -> ()
    %dma_wait3A_100 = arith.constant 39 : i32
    %dma_wait3A_101 = arith.constant 0 : i32
    %dma_wait3A_102 = tpu.memref_slice %arg9[%dma_wait3A_100, %dma_wait3A_101] : memref<40x128xi32, #tpu.memory_space<vmem>> -> memref<1x128xi32, #tpu.memory_space<vmem>>
    %dma_wait3A_103 = tpu.memref_squeeze %dma_wait3A_102 : memref<1x128xi32, #tpu.memory_space<vmem>> -> memref<128xi32, #tpu.memory_space<vmem>>
    %dma_wait3A_104 = arith.constant 0 : i32
    %dma_wait3A_105 = arith.constant 0 : i32
    %dma_wait3A_106 = tpu.memref_slice %arg2[%dma_wait3A_104, %dma_wait3A_105] : memref<10240x128xf32, #tpu.memory_space<hbm>> -> memref<10240x128xf32, #tpu.memory_space<hbm>>
    tpu.wait_indirect_dma semaphore(%arg12 : memref<!tpu.dma_semaphore, #tpu.memory_space<semaphore_mem>>) src(%dma_wait3A_106 : memref<10240x128xf32, #tpu.memory_space<hbm>>) dst(%arg8 : memref<128x128xf32, #tpu.memory_space<vmem>>)
    %run_scoped3A_107 = arith.constant 39 : i32
    "tpu.region"() ({
      %run_scoped3A_113 = tpu.sem_alloc : memref<!tpu.dma_semaphore, #tpu.memory_space<semaphore_mem>>
      %dma_start3A_114 = arith.constant 0 : i32
      %dma_start3A_115 = tpu.memref_slice %arg10[%run_scoped3A_107, %dma_start3A_114] : memref<40x128xi32, #tpu.memory_space<vmem>> -> memref<1x128xi32, #tpu.memory_space<vmem>>
      %dma_start3A_116 = tpu.memref_squeeze %dma_start3A_115 : memref<1x128xi32, #tpu.memory_space<vmem>> -> memref<128xi32, #tpu.memory_space<vmem>>
      %dma_start3A_117 = arith.constant 0 : i32
      %dma_start3A_118 = arith.constant 0 : i32
      %dma_start3A_119 = tpu.memref_slice %arg6[%dma_start3A_117, %dma_start3A_118] : memref<10240x128xf32, #tpu.memory_space<vmem_shared>> -> memref<10240x128xf32, #tpu.memory_space<vmem_shared>>
      tpu.enqueue_indirect_dma source(%arg8 : memref<128x128xf32, #tpu.memory_space<vmem>>) target(%dma_start3A_119 : memref<10240x128xf32, #tpu.memory_space<vmem_shared>>) offsets(%dma_start3A_116 : memref<128xi32, #tpu.memory_space<vmem>>) semaphore(%run_scoped3A_113 : memref<!tpu.dma_semaphore, #tpu.memory_space<semaphore_mem>>) {add = true}
      %dma_wait3A_120 = arith.constant 0 : i32
      %dma_wait3A_121 = tpu.memref_slice %arg10[%run_scoped3A_107, %dma_wait3A_120] : memref<40x128xi32, #tpu.memory_space<vmem>> -> memref<1x128xi32, #tpu.memory_space<vmem>>
      %dma_wait3A_122 = tpu.memref_squeeze %dma_wait3A_121 : memref<1x128xi32, #tpu.memory_space<vmem>> -> memref<128xi32, #tpu.memory_space<vmem>>
      %dma_wait3A_123 = arith.constant 0 : i32
      %dma_wait3A_124 = arith.constant 0 : i32
      %dma_wait3A_125 = tpu.memref_slice %arg6[%dma_wait3A_123, %dma_wait3A_124] : memref<10240x128xf32, #tpu.memory_space<vmem_shared>> -> memref<10240x128xf32, #tpu.memory_space<vmem_shared>>
      tpu.wait_indirect_dma semaphore(%run_scoped3A_113 : memref<!tpu.dma_semaphore, #tpu.memory_space<semaphore_mem>>) src(%arg8 : memref<128x128xf32, #tpu.memory_space<vmem>>) dst(%dma_wait3A_125 : memref<10240x128xf32, #tpu.memory_space<vmem_shared>>)
      tpu.yield
    }) : () -> ()
    %barrier3A_108 = arith.constant 0 : index
    tpu.barrier barrier_id(%barrier3A_108)
    %mul3A_109 = arith.constant 640 : i32
    %mul3A_110 = arith.muli %arg1, %mul3A_109 : i32
    %mul3A_111 = arith.constant 640 : i32
    %mul3A_112 = arith.muli %arg1, %mul3A_111 : i32
    "tpu.region"() ({
      %run_scoped3A_113 = tpu.sem_alloc : memref<!tpu.dma_semaphore, #tpu.memory_space<semaphore_mem>>
      %dma_start3A_114 = arith.constant 0 : i32
      %dma_start3A_115 = tpu.memref_slice %arg5[%arg0, %mul3A_112, %dma_start3A_114] : memref<2x10240x128xf32, #tpu.memory_space<hbm>> -> memref<1x640x128xf32, #tpu.memory_space<hbm>>
      %dma_start3A_116 = tpu.memref_squeeze %dma_start3A_115 : memref<1x640x128xf32, #tpu.memory_space<hbm>> -> memref<640x128xf32, #tpu.memory_space<hbm>>
      %dma_start3A_117 = arith.constant 0 : i32
      %dma_start3A_118 = tpu.memref_slice %arg6[%mul3A_110, %dma_start3A_117] : memref<10240x128xf32, #tpu.memory_space<vmem_shared>> -> memref<640x128xf32, #tpu.memory_space<vmem_shared>>
      tpu.enqueue_dma source(%dma_start3A_118 : memref<640x128xf32, #tpu.memory_space<vmem_shared>>) target(%dma_start3A_116 : memref<640x128xf32, #tpu.memory_space<hbm>>) target_semaphore(%run_scoped3A_113 : memref<!tpu.dma_semaphore, #tpu.memory_space<semaphore_mem>>)
      %dma_wait3A_119 = arith.constant 0 : i32
      %dma_wait3A_120 = tpu.memref_slice %arg5[%arg0, %mul3A_112, %dma_wait3A_119] : memref<2x10240x128xf32, #tpu.memory_space<hbm>> -> memref<1x640x128xf32, #tpu.memory_space<hbm>>
      %dma_wait3A_121 = tpu.memref_squeeze %dma_wait3A_120 : memref<1x640x128xf32, #tpu.memory_space<hbm>> -> memref<640x128xf32, #tpu.memory_space<hbm>>
      %dma_wait3A_122 = arith.constant 0 : i32
      %dma_wait3A_123 = tpu.memref_slice %arg6[%mul3A_110, %dma_wait3A_122] : memref<10240x128xf32, #tpu.memory_space<vmem_shared>> -> memref<640x128xf32, #tpu.memory_space<vmem_shared>>
      tpu.wait_dma2 semaphore(%run_scoped3A_113 : memref<!tpu.dma_semaphore, #tpu.memory_space<semaphore_mem>>) src(%dma_wait3A_123 : memref<640x128xf32, #tpu.memory_space<vmem_shared>>) dst(%dma_wait3A_121 : memref<640x128xf32, #tpu.memory_space<hbm>>)
      tpu.yield
    }) : () -> ()
    return
  }
}

module attributes {stable_mosaic.version = 14 : i64} {
  func.func @_mm1_body(%arg0: i32, %arg1: memref<2x1024x128xf32, #tpu.memory_space<vmem>>, %arg2: memref<1024x128xf32, #tpu.memory_space<vmem>>, %arg3: memref<128x128xf32, #tpu.memory_space<vmem>>, %arg4: memref<1024x128xf32, #tpu.memory_space<vmem>>, %arg5: memref<1024x128xf32, #tpu.memory_space<vmem>>) attributes {dimension_semantics = [#tpu.dimension_semantics<arbitrary>], iteration_bounds = array<i64: 10>, scalar_prefetch = 0 : i64, scratch_operands = 0 : i64, tpu.core_type = #tpu.core_type<tc>, window_params = [{transform_indices = @transform_0, window_bounds = array<i64: 2, 1024, 128>}, {transform_indices = @transform_1, window_bounds = array<i64: 1024, 128>}, {pipeline_mode = #tpu.pipeline_mode<synchronous>, transform_indices = @transform_2, window_bounds = array<i64: 128, 128>}, {transform_indices = @transform_3, window_bounds = array<i64: 1024, 128>}, {transform_indices = @transform_4, window_bounds = array<i64: 1024, 128>}]} {
    %get3A = arith.constant 0 : index
    %get3A_0 = arith.constant 0 : index
    %get3A_1 = arith.constant 0 : index
    %get3A_2 = vector.load %arg1[%get3A, %get3A_0, %get3A_1] : memref<2x1024x128xf32, #tpu.memory_space<vmem>>, vector<1x1024x128xf32>
    %get3A_3 = vector.shape_cast %get3A_2 : vector<1x1024x128xf32> to vector<1024x128xf32>
    %slice3A = vector.extract_strided_slice %get3A_3 {offsets = [0, 0], sizes = [1024, 1], strides = [1, 1]} : vector<1024x128xf32> to vector<1024x1xf32>
    %get3A_4 = arith.constant 1 : index
    %get3A_5 = arith.constant 0 : index
    %get3A_6 = arith.constant 0 : index
    %get3A_7 = vector.load %arg1[%get3A_4, %get3A_5, %get3A_6] : memref<2x1024x128xf32, #tpu.memory_space<vmem>>, vector<1x1024x128xf32>
    %get3A_8 = vector.shape_cast %get3A_7 : vector<1x1024x128xf32> to vector<1024x128xf32>
    %slice3A_9 = vector.extract_strided_slice %get3A_8 {offsets = [0, 0], sizes = [1024, 1], strides = [1, 1]} : vector<1024x128xf32> to vector<1024x1xf32>
    %add3A = arith.addf %slice3A, %slice3A_9 : vector<1024x1xf32>
    %add3A_10 = arith.constant 1.000000e+00 : f32
    %add3A_11 = vector.broadcast %add3A_10 : f32 to vector<1024x1xf32>
    %add3A_12 = arith.addf %add3A, %add3A_11 : vector<1024x1xf32>
    %rsqrt3A = math.rsqrt %add3A_12 : vector<1024x1xf32>
    %get3A_13 = arith.constant 0 : index
    %get3A_14 = arith.constant 0 : index
    %get3A_15 = vector.load %arg2[%get3A_13, %get3A_14] : memref<1024x128xf32, #tpu.memory_space<vmem>>, vector<1024x128xf32>
    %get3A_16 = arith.constant 0 : index
    %get3A_17 = arith.constant 0 : index
    %get3A_18 = vector.load %arg3[%get3A_16, %get3A_17] : memref<128x128xf32, #tpu.memory_space<vmem>>, vector<128x128xf32>
    %dot_general3A = arith.constant dense<0.000000e+00> : vector<1024x128xf32>
    %dot_general3A_19 = tpu.matmul %get3A_15, %get3A_18, %dot_general3A {dimension_numbers = #tpu.dot_dimension_numbers<[1], [0], [0], [1], [0, 0, 1, 1], [], []>, transpose_lhs_hint = false} : vector<1024x128xf32>, vector<128x128xf32>, vector<1024x128xf32> -> vector<1024x128xf32>
    %mul3A = vector.broadcast %rsqrt3A : vector<1024x1xf32> to vector<1024x128xf32>
    %mul3A_20 = arith.mulf %dot_general3A_19, %mul3A : vector<1024x128xf32>
    %swap3A = arith.constant 0 : index
    %swap3A_21 = arith.constant 0 : index
    %swap3A_22 = vector.load %arg4[%swap3A, %swap3A_21] : memref<1024x128xf32, #tpu.memory_space<vmem>>, vector<1024x128xf32>
    tpu.vector_store %arg4[%swap3A, %swap3A_21], %mul3A_20 {strides = array<i32>} : memref<1024x128xf32, #tpu.memory_space<vmem>>, vector<1024x128xf32>,
    %broadcast_in_dim3A = vector.shape_cast %rsqrt3A : vector<1024x1xf32> to vector<1024x1xf32>
    %broadcast_in_dim3A_23 = vector.broadcast %broadcast_in_dim3A : vector<1024x1xf32> to vector<1024x128xf32>
    %swap3A_24 = arith.constant 0 : index
    %swap3A_25 = arith.constant 0 : index
    %swap3A_26 = vector.load %arg5[%swap3A_24, %swap3A_25] : memref<1024x128xf32, #tpu.memory_space<vmem>>, vector<1024x128xf32>
    tpu.vector_store %arg5[%swap3A_24, %swap3A_25], %broadcast_in_dim3A_23 {strides = array<i32>} : memref<1024x128xf32, #tpu.memory_space<vmem>>, vector<1024x128xf32>,
    return
  }
  func.func @transform_0(%arg0: i32) -> (i32, i32, i32) {
    %c0_i32 = arith.constant 0 : i32
    %c0_i32_0 = arith.constant 0 : i32
    %c0_i32_1 = arith.constant 0 : i32
    return %c0_i32, %arg0, %c0_i32_0 : i32, i32, i32
  }
  func.func @transform_1(%arg0: i32) -> (i32, i32) {
    %c0_i32 = arith.constant 0 : i32
    %c0_i32_0 = arith.constant 0 : i32
    return %arg0, %c0_i32 : i32, i32
  }
  func.func @transform_2(%arg0: i32) -> (i32, i32) {
    %c0_i32 = arith.constant 0 : i32
    %c0_i32_0 = arith.constant 0 : i32
    %c0_i32_1 = arith.constant 0 : i32
    return %c0_i32, %c0_i32_0 : i32, i32
  }
  func.func @transform_3(%arg0: i32) -> (i32, i32) {
    %c0_i32 = arith.constant 0 : i32
    %c0_i32_0 = arith.constant 0 : i32
    return %arg0, %c0_i32 : i32, i32
  }
  func.func @transform_4(%arg0: i32) -> (i32, i32) {
    %c0_i32 = arith.constant 0 : i32
    %c0_i32_0 = arith.constant 0 : i32
    return %arg0, %c0_i32 : i32, i32
  }
}

module attributes {stable_mosaic.version = 14 : i64} {
  func.func @_mm2_body(%arg0: i32, %arg1: memref<2x1024x128xf32, #tpu.memory_space<vmem>>, %arg2: memref<1024x128xf32, #tpu.memory_space<vmem>>, %arg3: memref<1024x128xf32, #tpu.memory_space<vmem>>, %arg4: memref<1x128xf32, #tpu.memory_space<vmem>>, %arg5: memref<128x128xf32, #tpu.memory_space<vmem>>, %arg6: memref<1024x128xf32, #tpu.memory_space<vmem>>) attributes {dimension_semantics = [#tpu.dimension_semantics<arbitrary>], iteration_bounds = array<i64: 10>, scalar_prefetch = 0 : i64, scratch_operands = 0 : i64, tpu.core_type = #tpu.core_type<tc>, window_params = [{transform_indices = @transform_0, window_bounds = array<i64: 2, 1024, 128>}, {transform_indices = @transform_1, window_bounds = array<i64: 1024, 128>}, {transform_indices = @transform_2, window_bounds = array<i64: 1024, 128>}, {pipeline_mode = #tpu.pipeline_mode<synchronous>, transform_indices = @transform_3, window_bounds = array<i64: 1, 128>}, {pipeline_mode = #tpu.pipeline_mode<synchronous>, transform_indices = @transform_4, window_bounds = array<i64: 128, 128>}, {transform_indices = @transform_5, window_bounds = array<i64: 1024, 128>}]} {
    %get3A = arith.constant 0 : index
    %get3A_0 = arith.constant 0 : index
    %get3A_1 = arith.constant 0 : index
    %get3A_2 = vector.load %arg1[%get3A, %get3A_0, %get3A_1] : memref<2x1024x128xf32, #tpu.memory_space<vmem>>, vector<1x1024x128xf32>
    %get3A_3 = vector.shape_cast %get3A_2 : vector<1x1024x128xf32> to vector<1024x128xf32>
    %get3A_4 = arith.constant 1 : index
    %get3A_5 = arith.constant 0 : index
    %get3A_6 = arith.constant 0 : index
    %get3A_7 = vector.load %arg1[%get3A_4, %get3A_5, %get3A_6] : memref<2x1024x128xf32, #tpu.memory_space<vmem>>, vector<1x1024x128xf32>
    %get3A_8 = vector.shape_cast %get3A_7 : vector<1x1024x128xf32> to vector<1024x128xf32>
    %add3A = arith.addf %get3A_3, %get3A_8 : vector<1024x128xf32>
    %get3A_9 = arith.constant 0 : index
    %get3A_10 = arith.constant 0 : index
    %get3A_11 = vector.load %arg2[%get3A_9, %get3A_10] : memref<1024x128xf32, #tpu.memory_space<vmem>>, vector<1024x128xf32>
    %add3A_12 = arith.addf %add3A, %get3A_11 : vector<1024x128xf32>
    %get3A_13 = arith.constant 0 : index
    %get3A_14 = arith.constant 0 : index
    %get3A_15 = vector.load %arg3[%get3A_13, %get3A_14] : memref<1024x128xf32, #tpu.memory_space<vmem>>, vector<1024x128xf32>
    %mul3A = arith.mulf %add3A_12, %get3A_15 : vector<1024x128xf32>
    %get3A_16 = arith.constant 0 : index
    %get3A_17 = arith.constant 0 : index
    %get3A_18 = vector.load %arg4[%get3A_16, %get3A_17] : memref<1x128xf32, #tpu.memory_space<vmem>>, vector<1x128xf32>
    %add3A_19 = vector.broadcast %get3A_18 : vector<1x128xf32> to vector<1024x128xf32>
    %add3A_20 = arith.addf %mul3A, %add3A_19 : vector<1024x128xf32>
    %max3A = arith.constant 0.000000e+00 : f32
    %max3A_21 = vector.broadcast %max3A : f32 to vector<1024x128xf32>
    %max3A_22 = arith.maximumf %add3A_20, %max3A_21 : vector<1024x128xf32>
    %get3A_23 = arith.constant 0 : index
    %get3A_24 = arith.constant 0 : index
    %get3A_25 = vector.load %arg5[%get3A_23, %get3A_24] : memref<128x128xf32, #tpu.memory_space<vmem>>, vector<128x128xf32>
    %dot_general3A = arith.constant dense<0.000000e+00> : vector<1024x128xf32>
    %dot_general3A_26 = tpu.matmul %max3A_22, %get3A_25, %dot_general3A {dimension_numbers = #tpu.dot_dimension_numbers<[1], [0], [0], [1], [0, 0, 1, 1], [], []>, transpose_lhs_hint = false} : vector<1024x128xf32>, vector<128x128xf32>, vector<1024x128xf32> -> vector<1024x128xf32>
    %get3A_27 = arith.constant 0 : index
    %get3A_28 = arith.constant 0 : index
    %get3A_29 = vector.load %arg3[%get3A_27, %get3A_28] : memref<1024x128xf32, #tpu.memory_space<vmem>>, vector<1024x128xf32>
    %mul3A_30 = arith.mulf %dot_general3A_26, %get3A_29 : vector<1024x128xf32>
    %swap3A = arith.constant 0 : index
    %swap3A_31 = arith.constant 0 : index
    %swap3A_32 = vector.load %arg6[%swap3A, %swap3A_31] : memref<1024x128xf32, #tpu.memory_space<vmem>>, vector<1024x128xf32>
    tpu.vector_store %arg6[%swap3A, %swap3A_31], %mul3A_30 {strides = array<i32>} : memref<1024x128xf32, #tpu.memory_space<vmem>>, vector<1024x128xf32>,
    return
  }
  func.func @transform_0(%arg0: i32) -> (i32, i32, i32) {
    %c0_i32 = arith.constant 0 : i32
    %c0_i32_0 = arith.constant 0 : i32
    %c0_i32_1 = arith.constant 0 : i32
    return %c0_i32, %arg0, %c0_i32_0 : i32, i32, i32
  }
  func.func @transform_1(%arg0: i32) -> (i32, i32) {
    %c0_i32 = arith.constant 0 : i32
    %c0_i32_0 = arith.constant 0 : i32
    return %arg0, %c0_i32 : i32, i32
  }
  func.func @transform_2(%arg0: i32) -> (i32, i32) {
    %c0_i32 = arith.constant 0 : i32
    %c0_i32_0 = arith.constant 0 : i32
    return %arg0, %c0_i32 : i32, i32
  }
  func.func @transform_3(%arg0: i32) -> (i32, i32) {
    %c0_i32 = arith.constant 0 : i32
    %c0_i32_0 = arith.constant 0 : i32
    %c0_i32_1 = arith.constant 0 : i32
    return %c0_i32, %c0_i32_0 : i32, i32
  }
  func.func @transform_4(%arg0: i32) -> (i32, i32) {
    %c0_i32 = arith.constant 0 : i32
    %c0_i32_0 = arith.constant 0 : i32
    %c0_i32_1 = arith.constant 0 : i32
    return %c0_i32, %c0_i32_0 : i32, i32
  }
  func.func @transform_5(%arg0: i32) -> (i32, i32) {
    %c0_i32 = arith.constant 0 : i32
    %c0_i32_0 = arith.constant 0 : i32
    return %arg0, %c0_i32 : i32, i32
  }
}

module attributes {stable_mosaic.version = 14 : i64} {
  func.func @_fin_body(%arg0: i32, %arg1: memref<2x1024x128xf32, #tpu.memory_space<vmem>>, %arg2: memref<1024x128xf32, #tpu.memory_space<vmem>>, %arg3: memref<1024x128xf32, #tpu.memory_space<vmem>>, %arg4: memref<1x128xf32, #tpu.memory_space<vmem>>, %arg5: memref<1024x128xf32, #tpu.memory_space<vmem>>) attributes {dimension_semantics = [#tpu.dimension_semantics<arbitrary>], iteration_bounds = array<i64: 10>, scalar_prefetch = 0 : i64, scratch_operands = 0 : i64, tpu.core_type = #tpu.core_type<tc>, window_params = [{transform_indices = @transform_0, window_bounds = array<i64: 2, 1024, 128>}, {transform_indices = @transform_1, window_bounds = array<i64: 1024, 128>}, {transform_indices = @transform_2, window_bounds = array<i64: 1024, 128>}, {pipeline_mode = #tpu.pipeline_mode<synchronous>, transform_indices = @transform_3, window_bounds = array<i64: 1, 128>}, {transform_indices = @transform_4, window_bounds = array<i64: 1024, 128>}]} {
    %get3A = arith.constant 0 : index
    %get3A_0 = arith.constant 0 : index
    %get3A_1 = arith.constant 0 : index
    %get3A_2 = vector.load %arg1[%get3A, %get3A_0, %get3A_1] : memref<2x1024x128xf32, #tpu.memory_space<vmem>>, vector<1x1024x128xf32>
    %get3A_3 = vector.shape_cast %get3A_2 : vector<1x1024x128xf32> to vector<1024x128xf32>
    %get3A_4 = arith.constant 1 : index
    %get3A_5 = arith.constant 0 : index
    %get3A_6 = arith.constant 0 : index
    %get3A_7 = vector.load %arg1[%get3A_4, %get3A_5, %get3A_6] : memref<2x1024x128xf32, #tpu.memory_space<vmem>>, vector<1x1024x128xf32>
    %get3A_8 = vector.shape_cast %get3A_7 : vector<1x1024x128xf32> to vector<1024x128xf32>
    %add3A = arith.addf %get3A_3, %get3A_8 : vector<1024x128xf32>
    %get3A_9 = arith.constant 0 : index
    %get3A_10 = arith.constant 0 : index
    %get3A_11 = vector.load %arg2[%get3A_9, %get3A_10] : memref<1024x128xf32, #tpu.memory_space<vmem>>, vector<1024x128xf32>
    %add3A_12 = arith.addf %add3A, %get3A_11 : vector<1024x128xf32>
    %get3A_13 = arith.constant 0 : index
    %get3A_14 = arith.constant 0 : index
    %get3A_15 = vector.load %arg3[%get3A_13, %get3A_14] : memref<1024x128xf32, #tpu.memory_space<vmem>>, vector<1024x128xf32>
    %mul3A = arith.mulf %add3A_12, %get3A_15 : vector<1024x128xf32>
    %get3A_16 = arith.constant 0 : index
    %get3A_17 = arith.constant 0 : index
    %get3A_18 = vector.load %arg4[%get3A_16, %get3A_17] : memref<1x128xf32, #tpu.memory_space<vmem>>, vector<1x128xf32>
    %add3A_19 = vector.broadcast %get3A_18 : vector<1x128xf32> to vector<1024x128xf32>
    %add3A_20 = arith.addf %mul3A, %add3A_19 : vector<1024x128xf32>
    %swap3A = arith.constant 0 : index
    %swap3A_21 = arith.constant 0 : index
    %swap3A_22 = vector.load %arg5[%swap3A, %swap3A_21] : memref<1024x128xf32, #tpu.memory_space<vmem>>, vector<1024x128xf32>
    tpu.vector_store %arg5[%swap3A, %swap3A_21], %add3A_20 {strides = array<i32>} : memref<1024x128xf32, #tpu.memory_space<vmem>>, vector<1024x128xf32>,
    return
  }
  func.func @transform_0(%arg0: i32) -> (i32, i32, i32) {
    %c0_i32 = arith.constant 0 : i32
    %c0_i32_0 = arith.constant 0 : i32
    %c0_i32_1 = arith.constant 0 : i32
    return %c0_i32, %arg0, %c0_i32_0 : i32, i32, i32
  }
  func.func @transform_1(%arg0: i32) -> (i32, i32) {
    %c0_i32 = arith.constant 0 : i32
    %c0_i32_0 = arith.constant 0 : i32
    return %arg0, %c0_i32 : i32, i32
  }
  func.func @transform_2(%arg0: i32) -> (i32, i32) {
    %c0_i32 = arith.constant 0 : i32
    %c0_i32_0 = arith.constant 0 : i32
    return %arg0, %c0_i32 : i32, i32
  }
  func.func @transform_3(%arg0: i32) -> (i32, i32) {
    %c0_i32 = arith.constant 0 : i32
    %c0_i32_0 = arith.constant 0 : i32
    %c0_i32_1 = arith.constant 0 : i32
    return %c0_i32, %c0_i32_0 : i32, i32
  }
  func.func @transform_4(%arg0: i32) -> (i32, i32) {
    %c0_i32 = arith.constant 0 : i32
    %c0_i32_0 = arith.constant 0 : i32
    return %arg0, %c0_i32 : i32, i32
  }
}

</mosaic_0001>

<sc_bundles>
// kernel: kernel.11.cloned.1.call-start
scs
__scs_entry_jumppad:
0x0: {  	(pc) =	sbr.rel $0x88, $3  }
0x1: {  	(tag) =	ssettag $0x0;
	lr =	simm.s32 $0x1  }
0x2: {  	[smem:$0x3F9B] =	sst lr;
	_ =	strace $0xD0000000  }
0x3: {  	_ = 	snop  }
0x4: {  	_ = 	snop  }
0x5: {  	_ = 	snop  }
0x6: {  	_ = 	snop  }
0x7: {  	_ = 	snop  }
__scs_overlays_trampoline_lowered:
0x8: {  	[smem:$0x3FAA] =	sst s0  }
0x9: {  	[smem:$0x3FAB] =	sst s1  }
0xa: {  	[smem:$0x3FAC] =	sst s2  }
0xb: {  	[smem:$0x3FAD] =	sst s3  }
0xc: {  	[smem:$0x3FAE] =	sst s4  }
0xd: {  	[smem:$0x3FAF] =	sst s5  }
0xe: {  	[smem:$0x3FB0] =	sst s6  }
0xf: {  	[smem:$0x3FB1] =	sst s7  }
0x10: {  	[smem:$0x3FB2] =	sst s8  }
0x11: {  	[smem:$0x3FB3] =	sst s9;
	s0 =	simm.s32 @!p0 $0x0  }
0x12: {  	s1 =	sld [smem:$0x3F99];
	s0 =	simm.s32 @p0 $0x1  }
0x13: {  	[smem:$0x3FB4] =	sst s0;
	s0 =	simm.s32 @!p1 $0x0  }
0x14: {  	s2 =	sld [smem:$0x3F98];
	s0 =	simm.s32 @p1 $0x1  }
0x15: {  	[smem:$0x3FB5] =	sst s0;
	s0 =	simm.s32 @!p2 $0x0  }
0x16: {  	s3 =	sld [smem:$0x3FDB];
	s0 =	simm.s32 @p2 $0x1  }
0x17: {  	s4 =	simm.s32 $0x1BF5;
	[smem:$0x3FB7] =	sst s0  }
0x18: {  	s0 =	sld [smem:$0x3F9A];
	_ =	swait.ge [sflag:s4], $0x0  }
0x19: {  	s7 =	sld [smem:$0x3F9B]  }
0x1a: {  	s8 =	sadd.s32 $0xFFFFE003, lr  }
0x1b: {  	s9 =	sadd.s32 $0xFFFFFEF7, lr;
	s5 =	simm.s32 $0xFFFFFFFF;
	p2 =	slt.u32 s8, $0xFFFFF086  }
0x1c: {  	p1 =	slt.u32 s9, $0xF7A;
	s5 =	simm.s32 @!p2 $0x0  }
0x1d: {  	s5 =	simm.s32 @p1 $0x1;
	p0 =	seq.s32 s7, s2  }
0x1e: {  	s7 =	smul.u32 @!p0 $0xF7A, s2;
	p2 =	seq.s32 @!p0 s5, $0x0  }
0x1f: {  	s9 =	smul.u32 $0xF7A, s1;
	s8 =	simm.s32 @!p0 $0x1BF5;
	p2 =	por !p2, p0  }
0x20: {  	[sflag:s8] =	ssyncset.s32 @!p0 $0xFFFFF086;
	s6 =	sadd.s32 @!p0 s3, s7;
	s7 =	simm.s32 @!p0 $0x108  }
0x21: {  	s3 =	sadd.s32 s3, s9;
	s6 =	sadd.s32 @!p0 $0x88, s6;
	s7 =	simm.s32 @p2 $0x1082  }
0x22: {  	[simem:s7], [sflag:s8] =	dma.local @!p0 [hbm:s6], $0xF7A  }
0x23: {  	s9 =	sor.u32 $0xD0000000, s2;
	s6 =	simm.s32 $0x108;
	_ =	swait.ge @!p0 [sflag:s8], $0x0  }
0x24: {  	s3 =	sadd.s32 $0x88, s3;
	s6 =	simm.s32 @!p1 $0x1082;
	[sflag:s4] =	ssyncset.s32 $0xFFFFF086  }
0x25: {  	[simem:s6], [sflag:s4] =	dma.local [hbm:s3], $0xF7A  }
0x26: {  	[smem:$0x3F9B] =	sst s1;
	(tag) =	ssettag s2;
	_ =	strace s9  }
0x27: {  	s1 =	sld [smem:$0x3FAB]  }
0x28: {  	s2 =	sld [smem:$0x3FAC]  }
0x29: {  	s4 =	sld [smem:$0x3FAE]  }
0x2a: {  	p0 =	seq.s32 s5, $0x0;
	s5 =	sld [smem:$0x3FAF]  }
0x2b: {  	s6 =	sld [smem:$0x3FB0]  }
0x2c: {  	s7 =	sld [smem:$0x3FB1]  }
0x2d: {  	s3 =	simm.s32 $0x108;
	s8 =	sld [smem:$0x3FB2]  }
0x2e: {  	s3 =	simm.s32 @!p0 $0x1082;
	s9 =	sld [smem:$0x3FB3]  }
0x2f: {  	lr =	sadd.s32 s0, s3;
	s0 =	sld [smem:$0x3FAA]  }
0x30: {  	s3 =	sld [smem:$0x3FAD]  }
0x31: {  	[smem:$0x3FB6] =	sst s10  }
0x32: {  	s10 =	sld [smem:$0x3FB4];
	_ =	sdelay $0x3  }
0x33: {  	p0 =	seq.s32 s10, $0x1;
	s10 =	sld [smem:$0x3FB6];
	_ =	sdelay $0x3  }
0x34: {  	[smem:$0x3FB6] =	sst s10  }
0x35: {  	s10 =	sld [smem:$0x3FB5];
	_ =	sdelay $0x3  }
0x36: {  	p1 =	seq.s32 s10, $0x1;
	s10 =	sld [smem:$0x3FB6];
	_ =	sdelay $0x3  }
0x37: {  	[smem:$0x3FB6] =	sst s10  }
0x38: {  	s10 =	sld [smem:$0x3FB7]  }
0x39: {  	_ = 	snop;
	(pc) =	sbr.ind lr, $3  }
0x3a: {  	_ = 	snop  }
0x3b: {  	_ = 	snop  }
0x3c: {  	p2 =	seq.s32 s10, $0x1;
	s10 =	sld [smem:$0x3FB6]  }
0x3d: {  	_ =	shalt  }
0x3e: {  	_ =	shalt  }
0x3f: {  	_ =	shalt  }
0x40: {  	_ =	shalt  }
0x41: {  	_ =	shalt  }
0x42: {  	_ =	shalt  }
0x43: {  	_ =	shalt  }
0x44: {  	_ =	shalt  }
0x45: {  	_ =	shalt  }
0x46: {  	_ =	shalt  }
0x47: {  	_ =	shalt  }
0x48: {  	_ =	shalt  }
0x49: {  	_ =	shalt  }
0x4a: {  	_ =	shalt  }
0x4b: {  	_ =	shalt  }
0x4c: {  	_ =	shalt  }
0x4d: {  	_ =	shalt  }
0x4e: {  	_ =	shalt  }
0x4f: {  	_ =	shalt  }
0x50: {  	_ =	shalt  }
0x51: {  	_ =	shalt  }
0x52: {  	_ =	shalt  }
0x53: {  	_ =	shalt  }
0x54: {  	_ =	shalt  }
0x55: {  	_ =	shalt  }
0x56: {  	_ =	shalt  }
0x57: {  	_ =	shalt  }
0x58: {  	_ =	shalt  }
0x59: {  	_ =	shalt  }
0x5a: {  	_ =	shalt  }
0x5b: {  	_ =	shalt  }
0x5c: {  	_ =	shalt  }
0x5d: {  	_ =	shalt  }
0x5e: {  	_ =	shalt  }
0x5f: {  	_ =	shalt  }
0x60: {  	_ =	shalt  }
0x61: {  	_ =	shalt  }
0x62: {  	_ =	shalt  }
0x63: {  	_ =	shalt  }
0x64: {  	_ =	shalt  }
0x65: {  	_ =	shalt  }
0x66: {  	_ =	shalt  }
0x67: {  	_ =	shalt  }
0x68: {  	_ =	shalt  }
0x69: {  	_ =	shalt  }
0x6a: {  	_ =	shalt  }
0x6b: {  	_ =	shalt  }
0x6c: {  	_ =	shalt  }
0x6d: {  	_ =	shalt  }
0x6e: {  	_ =	shalt  }
0x6f: {  	_ =	shalt  }
0x70: {  	_ =	shalt  }
0x71: {  	_ =	shalt  }
0x72: {  	_ =	shalt  }
0x73: {  	_ =	shalt  }
0x74: {  	_ =	shalt  }
0x75: {  	_ =	shalt  }
0x76: {  	_ =	shalt  }
0x77: {  	_ =	shalt  }
0x78: {  	_ =	shalt  }
0x79: {  	_ =	shalt  }
0x7a: {  	_ =	shalt  }
0x7b: {  	_ =	shalt  }
0x7c: {  	_ =	shalt  }
0x7d: {  	_ =	shalt  }
0x7e: {  	_ =	shalt  }
0x7f: {  	_ =	shalt  }
0x80: {  	_ =	shalt  }
0x81: {  	_ =	shalt  }
0x82: {  	_ =	shalt  }
0x83: {  	_ =	shalt  }
0x84: {  	_ =	shalt  }
0x85: {  	_ =	shalt  }
0x86: {  	_ =	shalt  }
0x87: {  	_ =	shalt  }
.Lfunc_end0:
.L_simem_size_0:
called_computation.1_lowered:
.L_overlay_start_0:
0x88: {  	s2 =	sld [smem:$0x3FD9]  }
0x89: {  	s3 =	sld [smem:$0x3FFE];
	_ =	sdelay $0x1  }
0x8a: {  	s1 =	srdreg.scid  }
0x8b: {  	s0 =	sand.u32 $0x1, s1  }
0x8c: {  	s17 =	sshll.u32 s0, $0xA;
	s2 =	sadd.s32 s3, s2  }
0x8d: {  	s2 =	sadd.s32 s2, s17  }
0x8e: {  	[smem:$0x3FC2] =	sst s2  }
0x8f: {  	_ = 	snop  }
0x90: {  	s2 =	sld [smem:$0x3FD0];
	(tm) =	ssettm $0x1  }
0x91: {  	s18 =	sld [smem:$0x3FFB];
	_ =	sdelay $0x3  }
0x92: {  	_ =	strace s18  }
0x93: {  	s3 =	sld [smem:$0x3FFC];
	_ =	sdelay $0x3  }
0x94: {  	_ =	strace s3  }
0x95: {  	s3 =	sld [smem:$0x3FFD];
	_ =	sdelay $0x3  }
0x96: {  	_ =	strace s3  }
0x97: {  	_ =	strace $0x8FFFFFFF  }
0x98: {  	s19 =	sld [smem:$0x3FDB];
	_ =	sdelay $0x1  }
0x99: {  	s4 =	simm.s32 $_scs_section_size  }
0x9a: {  	s5 =	simm.s32 $_size__tile_overlayer_lowered;
	s6 =	simm.s32 $_tile_overlayer_lowered  }
0x9b: {  	s22 =	simm.s32 $0x1BFF;
	s21 =	sshll.u32 s6, $0x1;
	s3 =	sadd.s32 s4, s19  }
0x9c: {  	s7 =	simm.s32 $0x0;
	s20 =	sshll.u32 s5, $0x1;
	s5 =	sadd.s32 s21, s3  }
0x9d: {  	[timem:s7], [sflag:s22] =	dma.local [hbm:s5], s20  }
0x9e: {  	_ =	swait.ge [sflag:s22], s20  }
0x9f: {  	s4 =	ssub.s32 $0x0, s20;
	[sflag:s22] =	ssyncset.done $0x0  }
0xa0: {  	[sflag:s22] =	ssyncadd.s32 s4;
	_ =	sdelay $0x1  }
0xa1: {  	s23 =	simm.s32 $0x1B8B  }
0xa2: {  	_ =	swait.ge [sflag:s23], $0x1  }
0xa3: {  	[sflag:s23] =	ssyncset.done $0x0  }
0xa4: {  	s25 =	simm.s32 $0x1B8E;
	s24 =	sld [smem:$0x3FFE];
	[sflag:s23] =	ssyncadd.s32 $0xFFFFFFFF  }
0xa5: {  	s26 =	simm.s32 $execute0_lowered;
	[smem:$0x3FD2] =	sst s25  }
0xa6: {  	s5 =	sshll.u32 s26, $0x1;
	_ =	strace $0x80000049;
	[dreg:$0x1] =	wrdreg $0xFFFFFFFF  }
0xa7: {  	s28 =	simm.s32 $_size_execute0_lowered;
	s3 =	sadd.s32 s3, s5;
	[dreg:$0x0] =	wrdreg $0x0  }
0xa8: {  	s5 =	sshll.u32 s28, $0x1;
	[dreg:$0x2] =	wrdreg s3  }
0xa9: {  	[dreg:$0x3] =	wrdreg s5  }
0xaa: {  	[dreg:$0x4] =	wrdreg $0xC0  }
0xab: {  	_ =	task [dreg:s7], $0x5FFFF  }
0xac: {  	[dreg:$0x1] =	wrdreg $0xFFFFFFFF  }
0xad: {  	[dreg:$0x0] =	wrdreg $0x60  }
0xae: {  	[dreg:$0x2] =	wrdreg s24  }
0xaf: {  	[dreg:$0x3] =	wrdreg s2  }
0xb0: {  	[dreg:$0x4] =	wrdreg $0x0  }
0xb1: {  	[dreg:$0x5] =	wrdreg $0x9  }
0xb2: {  	_ =	task.clear_ibuf [dreg:s7], $0x6FFFF;
	_ =	strace $0x90000049  }
0xb3: {  	s29 =	simm.s32 $0x9;
	_ =	strace $0x8000004B  }
0xb4: {  	_ =	swait.ge [sflag:s29], $0x1  }
0xb5: {  	[sflag:s29] =	ssyncadd.s32 $0xFFFFFFFF  }
0xb6: {  	_ =	strace $0x9000004B  }
0xb7: {  	_ =	sfence  }
0xb8: {  	s30 =	sld [smem:$0x0];
	_ =	sdelay $0x2  }
0xb9: {  	s31 =	sshll.u32 s1, $0xD;
	s1 =	sshrl.u32 s1, $0x2  }
0xba: {  	s3 =	sand.u32 $0x4000, s31;
	s1 =	sadd.s32 s1, s30  }
0xbb: {  	s0 =	sor.u32 s3, s0;
	s1 =	sshll.u32 s1, $0x11  }
0xbc: {  	s0 =	sor.u32 s1, s0  }
0xbd: {  	s0 =	sadd.s32 $0x8F2B, s0  }
0xbe: {  	[sflag:s0] =	ssyncadd.remote.s32 $0x1  }
0xbf: {  	_ =	sfence.sel $0xFFFF  }
0xc0: {  	[dreg:$0x0] =	wrdreg $0xFFFFFFFF;
	(pc) =	sbr.abs _section_cstart, $3  }
0xc1: {  	[dreg:$0x1] =	wrdreg $0xFFFFFFFF  }
0xc2: {  	_ =	task.clear_ibuf [dreg:s7], $0x2FFFF;
	_ =	strace $0x9FFFFFFF  }
0xc3: {  	(tm) =	ssettm $0x7FFFFFFF  }
tec
execute0_lowered:
.L_overlay_start_1:
0x0: {  	(tag) =	ssettag $0x1  }
0x1: {  	s5 =	rddreg [dreg:$0x0]  }
0x2: {  	s13 =	rddreg [dreg:$0x1];
	s0 =	srdreg.scid  }
0x3: {  	s2 =	rddreg [dreg:$0x2];
	s1 =	stileid.u32  }
0x4: {  	s3 =	simm.s32 $0x0;
	s18 =	simm.s32 $0x1C000;
	s19 =	simm.s32 $0x1D400  }
0x5: {  	s20 =	simm.s32 $0x80;
	s21 =	simm.s32 $0x1C080;
	s22 =	simm.s32 $0x18000  }
0x6: {  	s23 =	simm.s32 $0x1;
	s24 =	simm.s32 $0x2;
	s25 =	simm.s32 $0x1E700  }
0x7: {  	s26 =	simm.s32 $0x1E780;
	s6 =	sand.u32 $0x1, s0;
	s0 =	rddreg [dreg:$0x3]  }
0x8: {  	s8 =	smul.u32 $0x14000, s1;
	[smem:$0x7FF] =	sst s3;
	s4 =	sadd.s32 $0xC600, s5  }
0x9: {  	s12 =	sadd.s32 $0x2600, s5;
	s28 =	smul.u32 $0x50000, s1;
	s30 =	sshll.u32 s1, $0x1  }
0xa: {  	s7 =	smul.u32 $0x140000, s6;
	s29 =	ssub.s32 $0x2, s6;
	s10 =	sor.u32 s6, s30  }
0xb: {  	_ =	strace $0x8000004A;
	s9 =	sshrl.u32 s29, $0x1;
	s11 =	smul.u32 $0x2800, s10  }
0xc: {  	s16 =	smul.u32 $0x500, s10;
	s7 =	sadd.s32 s8, s7;
	s8 =	sshrl.u32 s28, $0x2  }
0xd: {  	s15 =	ssub.s32 s29, s9;
	s7 =	sshrl.u32 s7, $0x3;
	s17 =	sshrl.u32 s11, $0x3  }
0xe: {  	s10 =	sadd.s32 s12, s16;
	s11 =	sadd.s32 s13, s16;
	s15 =	smax.u32 s15, $0x1  }
0xf: {  	s16 =	simm.s32 $0x14000;
	s14 =	sadd.s32 s7, s5;
	s5 =	sadd.s32 s8, s2  }
0x10: {  	s31 =	sadd.s32 $0x280, s17;
	s17 =	simm.s32 $0x3;
	s6 =	sadd.s32 $0x4000, s5  }
0x11: {  	s7 =	sadd.s32 $0x8000, s5;
	s8 =	sadd.s32 $0xC000, s5;
	s9 =	sadd.s32 $0x10000, s5  }
0x12: {  	v0 =	vimm.f32 $0.0e+00;
	s12 =	sadd.s32 s12, s31;
	s13 =	sadd.s32 s13, s31;
	s14 =	sadd.s32 $0x34600, s14  }
.LBB2_1:
0x13: {  	s28 =	simm.s32 $0x0;
	s29 =	simm.s32 $0x200  }
.LBB2_2:
0x14: {  	p0 =	sne.s32 s29, $0xFE00;
	[tilespmem:s28+$0x14070] =	vst v0  }
0x15: {  	[tilespmem:s28+$0x14000] =	vst v0  }
0x16: {  	[tilespmem:s28+$0x14010] =	vst v0  }
.Ltmp0:
0x17: {  	[tilespmem:s28+$0x14020] =	vst v0;
	(pc) =	sbr.rel @p0 .LBB2_2-.Ltmp0, $4  }
0x18: {  	[tilespmem:s28+$0x14030] =	vst v0  }
0x19: {  	[tilespmem:s28+$0x14040] =	vst v0  }
0x1a: {  	[tilespmem:s28+$0x14050] =	vst v0  }
0x1b: {  	[tilespmem:s28+$0x14060] =	vst v0;
	s28 =	sshra.s32 s29, $0x2;
	s29 =	sadd.s32 $0x200, s29  }
0x1c: {  	[tilespmem:s28+$0x14070] =	vst v0  }
0x1d: {  	[tilespmem:s28+$0x14000] =	vst v0  }
0x1e: {  	[tilespmem:s28+$0x14010] =	vst v0  }
0x1f: {  	[tilespmem:s28+$0x14020] =	vst v0  }
0x20: {  	[tilespmem:s28+$0x14030] =	vst v0  }
0x21: {  	[tilespmem:s28+$0x14040] =	vst v0  }
0x22: {  	[tilespmem:s28+$0x14050] =	vst v0  }
0x23: {  	[tilespmem:s28+$0x14060] =	vst v0  }
0x24: {  	[spmem:s5] =	stream.linear.scatter [tilespmem:s16], [sflag:$0x3], $0x4000, $0x38;
	[tilespmem:$0x1E800] =	vst v63  }
0x25: {  	_ =	swait.ge [sflag:s17], $0x4000  }
0x26: {  	[sflag:s17] =	ssyncset.done $0x0  }
0x27: {  	[sflag:s17] =	ssyncadd.s32 $0xFFFFC000  }
0x28: {  	[spmem:s6] =	stream.linear.scatter [tilespmem:s16], [sflag:$0x3], $0x4000, $0x38;
	[tilespmem:$0x1E800] =	vst v63  }
0x29: {  	_ =	swait.ge [sflag:s17], $0x4000  }
0x2a: {  	[sflag:s17] =	ssyncset.done $0x0  }
0x2b: {  	[sflag:s17] =	ssyncadd.s32 $0xFFFFC000  }
0x2c: {  	[spmem:s7] =	stream.linear.scatter [tilespmem:s16], [sflag:$0x3], $0x4000, $0x38;
	[tilespmem:$0x1E800] =	vst v63  }
0x2d: {  	_ =	swait.ge [sflag:s17], $0x4000  }
0x2e: {  	[sflag:s17] =	ssyncset.done $0x0  }
0x2f: {  	[sflag:s17] =	ssyncadd.s32 $0xFFFFC000  }
0x30: {  	[spmem:s8] =	stream.linear.scatter [tilespmem:s16], [sflag:$0x3], $0x4000, $0x38;
	[tilespmem:$0x1E800] =	vst v63  }
0x31: {  	_ =	swait.ge [sflag:s17], $0x4000  }
0x32: {  	[sflag:s17] =	ssyncset.done $0x0  }
0x33: {  	[sflag:s17] =	ssyncadd.s32 $0xFFFFC000  }
0x34: {  	[spmem:s9] =	stream.linear.scatter [tilespmem:s16], [sflag:$0x3], $0x4000, $0x38;
	[tilespmem:$0x1E800] =	vst v63  }
0x35: {  	_ =	swait.ge [sflag:s17], $0x4000  }
0x36: {  	[sflag:s17] =	ssyncset.done $0x0  }
0x37: {  	[sflag:s17] =	ssyncadd.s32 $0xFFFFC000  }
0x38: {  	s28 =	simm.s32 $0x0;
	[bflag:$0x0] =	sbarrier.arrive $0xFFFF  }
0x39: {  	[tilespmem:s18], [sflag:$0x3] =	stream.linear.gather [hbm4b:s10+s28], $0x1400, $0x38;
	[tilespmem:$0x1E800] =	vst v63  }
0x3a: {  	_ =	swait.ge [sflag:s17], $0x1400  }
0x3b: {  	[sflag:s17] =	ssyncset.done $0x0  }
0x3c: {  	[sflag:s17] =	ssyncadd.s32 $0xFFFFEC00  }
0x3d: {  	[tilespmem:s19], [sflag:$0x3] =	stream.linear.gather [hbm4b:s11+s28], $0x1400, $0x38;
	[tilespmem:$0x1E800] =	vst v63  }
0x3e: {  	_ =	swait.ge [sflag:s17], $0x1400  }
0x3f: {  	[sflag:s17] =	ssyncset.done $0x0  }
0x40: {  	[sflag:s17] =	ssyncadd.s32 $0xFFFFEC00  }
0x41: {  	[tilespmem:s16], [sflag:$0x1] =	stream.indirect.gather [hbm4b:s4+s20], $0x80, s18, s20, $0xb8;
	[tilespmem:$0x1E800] =	vst v63  }
0x42: {  	_ = 	snop  }
0x43: {  	[tilespmem:s22], [sflag:$0x2] =	stream.indirect.gather [hbm4b:s4+s20], $0x80, s21, s20, $0xb8;
	[tilespmem:$0x1E800] =	vst v63  }
0x44: {  	_ =	swait.ge [sflag:s23], $0x4000  }
0x45: {  	[sflag:s23] =	ssyncset.done $0x0  }
0x46: {  	s28 =	simm.s32 $0x1D400;
	[sflag:s23] =	ssyncadd.s32 $0xFFFFC000  }
0x47: {  	[spmem:s2] =	stream.indirect.scatter.add.f32 [tilespmem:s16], [sflag:$0x3], $0x80, s28, s20, $0xb8;
	[tilespmem:$0x1E800] =	vst v63  }
0x48: {  	_ =	swait.ge [sflag:s17], $0x4000  }
0x49: {  	[sflag:s17] =	ssyncset.done $0x0  }
0x4a: {  	s28 =	simm.s32 $0x1C100;
	[sflag:s17] =	ssyncadd.s32 $0xFFFFC000  }
0x4b: {  	[tilespmem:s16], [sflag:$0x1] =	stream.indirect.gather [hbm4b:s4+s20], $0x80, s28, s20, $0xb8;
	[tilespmem:$0x1E800] =	vst v63  }
0x4c: {  	_ =	swait.ge [sflag:s24], $0x4000  }
0x4d: {  	[sflag:s24] =	ssyncset.done $0x0  }
0x4e: {  	s28 =	simm.s32 $0x1D480;
	[sflag:s24] =	ssyncadd.s32 $0xFFFFC000  }
0x4f: {  	[spmem:s2] =	stream.indirect.scatter.add.f32 [tilespmem:s22], [sflag:$0x3], $0x80, s28, s20, $0xb8;
	[tilespmem:$0x1E800] =	vst v63  }
0x50: {  	_ =	swait.ge [sflag:s17], $0x4000  }
0x51: {  	[sflag:s17] =	ssyncset.done $0x0  }
0x52: {  	s29 =	simm.s32 $0x1C180;
	s28 =	simm.s32 $0x400;
	[sflag:s17] =	ssyncadd.s32 $0xFFFFC000  }
.LBB2_4:
0x53: {  	[tilespmem:s22], [sflag:$0x2] =	stream.indirect.gather [hbm4b:s4+s20], $0x80, s29, s20, $0xb8;
	[tilespmem:$0x1E800] =	vst v63  }
0x54: {  	s29 =	smov.u32 s28  }
0x55: {  	p0 =	sne.s32 s28, $0x4800;
	s28 =	sadd.s32 $0x400, s28;
	_ =	swait.ge [sflag:s23], $0x4000  }
0x56: {  	s29 =	sshra.s32 s29, $0x2;
	[sflag:s23] =	ssyncset.done $0x0  }
0x57: {  	s30 =	sadd.s32 $0x1D400, s29;
	[sflag:s23] =	ssyncadd.s32 $0xFFFFC000  }
0x58: {  	[spmem:s2] =	stream.indirect.scatter.add.f32 [tilespmem:s16], [sflag:$0x3], $0x80, s30, s20, $0xb8;
	[tilespmem:$0x1E800] =	vst v63  }
0x59: {  	_ =	swait.ge [sflag:s17], $0x4000  }
0x5a: {  	[sflag:s17] =	ssyncset.done $0x0  }
0x5b: {  	s30 =	sadd.s32 $0x1C100, s29;
	[sflag:s17] =	ssyncadd.s32 $0xFFFFC000  }
0x5c: {  	[tilespmem:s16], [sflag:$0x1] =	stream.indirect.gather [hbm4b:s4+s20], $0x80, s30, s20, $0xb8;
	[tilespmem:$0x1E800] =	vst v63  }
0x5d: {  	_ =	swait.ge [sflag:s24], $0x4000  }
0x5e: {  	[sflag:s24] =	ssyncset.done $0x0  }
.Ltmp1:
0x5f: {  	s30 =	sadd.s32 $0x1D480, s29;
	[sflag:s24] =	ssyncadd.s32 $0xFFFFC000;
	(pc) =	sbr.rel @p0 .LBB2_4-.Ltmp1, $4  }
0x60: {  	[spmem:s2] =	stream.indirect.scatter.add.f32 [tilespmem:s22], [sflag:$0x3], $0x80, s30, s20, $0xb8;
	[tilespmem:$0x1E800] =	vst v63  }
0x61: {  	_ =	swait.ge [sflag:s17], $0x4000  }
0x62: {  	[sflag:s17] =	ssyncset.done $0x0  }
0x63: {  	s29 =	sadd.s32 $0x1C180, s29;
	[sflag:s17] =	ssyncadd.s32 $0xFFFFC000  }
0x64: {  	[tilespmem:s22], [sflag:$0x2] =	stream.indirect.gather [hbm4b:s4+s20], $0x80, s29, s20, $0xb8;
	[tilespmem:$0x1E800] =	vst v63  }
0x65: {  	_ =	swait.ge [sflag:s23], $0x4000  }
0x66: {  	[sflag:s23] =	ssyncset.done $0x0  }
0x67: {  	[sflag:s23] =	ssyncadd.s32 $0xFFFFC000  }
0x68: {  	[spmem:s2] =	stream.indirect.scatter.add.f32 [tilespmem:s16], [sflag:$0x3], $0x80, s25, s20, $0xb8;
	[tilespmem:$0x1E800] =	vst v63  }
0x69: {  	_ =	swait.ge [sflag:s17], $0x4000  }
0x6a: {  	[sflag:s17] =	ssyncset.done $0x0  }
0x6b: {  	[sflag:s17] =	ssyncadd.s32 $0xFFFFC000  }
0x6c: {  	_ =	swait.ge [sflag:s24], $0x4000  }
0x6d: {  	[sflag:s24] =	ssyncset.done $0x0  }
0x6e: {  	[sflag:s24] =	ssyncadd.s32 $0xFFFFC000  }
0x6f: {  	[spmem:s2] =	stream.indirect.scatter.add.f32 [tilespmem:s22], [sflag:$0x3], $0x80, s26, s20, $0xb8;
	[tilespmem:$0x1E800] =	vst v63  }
0x70: {  	_ =	swait.ge [sflag:s17], $0x4000  }
0x71: {  	[sflag:s17] =	ssyncset.done $0x0  }
0x72: {  	s28 =	simm.s32 $0x0;
	[sflag:s17] =	ssyncadd.s32 $0xFFFFC000  }
0x73: {  	[tilespmem:s18], [sflag:$0x3] =	stream.linear.gather [hbm4b:s12+s28], $0x1400, $0x38;
	[tilespmem:$0x1E800] =	vst v63  }
0x74: {  	_ =	swait.ge [sflag:s17], $0x1400  }
0x75: {  	[sflag:s17] =	ssyncset.done $0x0  }
0x76: {  	[sflag:s17] =	ssyncadd.s32 $0xFFFFEC00  }
0x77: {  	[tilespmem:s19], [sflag:$0x3] =	stream.linear.gather [hbm4b:s13+s28], $0x1400, $0x38;
	[tilespmem:$0x1E800] =	vst v63  }
0x78: {  	_ =	swait.ge [sflag:s17], $0x1400  }
0x79: {  	[sflag:s17] =	ssyncset.done $0x0  }
0x7a: {  	[sflag:s17] =	ssyncadd.s32 $0xFFFFEC00  }
0x7b: {  	[tilespmem:s16], [sflag:$0x1] =	stream.indirect.gather [hbm4b:s4+s20], $0x80, s18, s20, $0xb8;
	[tilespmem:$0x1E800] =	vst v63  }
0x7c: {  	_ = 	snop  }
0x7d: {  	[tilespmem:s22], [sflag:$0x2] =	stream.indirect.gather [hbm4b:s4+s20], $0x80, s21, s20, $0xb8;
	[tilespmem:$0x1E800] =	vst v63  }
0x7e: {  	_ =	swait.ge [sflag:s23], $0x4000  }
0x7f: {  	[sflag:s23] =	ssyncset.done $0x0  }
0x80: {  	s28 =	simm.s32 $0x1D400;
	[sflag:s23] =	ssyncadd.s32 $0xFFFFC000  }
0x81: {  	[spmem:s2] =	stream.indirect.scatter.add.f32 [tilespmem:s16], [sflag:$0x3], $0x80, s28, s20, $0xb8;
	[tilespmem:$0x1E800] =	vst v63  }
0x82: {  	_ =	swait.ge [sflag:s17], $0x4000  }
0x83: {  	[sflag:s17] =	ssyncset.done $0x0  }
0x84: {  	s28 =	simm.s32 $0x1C100;
	[sflag:s17] =	ssyncadd.s32 $0xFFFFC000  }
0x85: {  	[tilespmem:s16], [sflag:$0x1] =	stream.indirect.gather [hbm4b:s4+s20], $0x80, s28, s20, $0xb8;
	[tilespmem:$0x1E800] =	vst v63  }
0x86: {  	_ =	swait.ge [sflag:s24], $0x4000  }
0x87: {  	[sflag:s24] =	ssyncset.done $0x0  }
0x88: {  	s28 =	simm.s32 $0x1D480;
	[sflag:s24] =	ssyncadd.s32 $0xFFFFC000  }
0x89: {  	[spmem:s2] =	stream.indirect.scatter.add.f32 [tilespmem:s22], [sflag:$0x3], $0x80, s28, s20, $0xb8;
	[tilespmem:$0x1E800] =	vst v63  }
0x8a: {  	_ =	swait.ge [sflag:s17], $0x4000  }
0x8b: {  	[sflag:s17] =	ssyncset.done $0x0  }
0x8c: {  	s29 =	simm.s32 $0x1C180;
	s28 =	simm.s32 $0x400;
	[sflag:s17] =	ssyncadd.s32 $0xFFFFC000  }
.LBB2_6:
0x8d: {  	[tilespmem:s22], [sflag:$0x2] =	stream.indirect.gather [hbm4b:s4+s20], $0x80, s29, s20, $0xb8;
	[tilespmem:$0x1E800] =	vst v63  }
0x8e: {  	s29 =	smov.u32 s28  }
0x8f: {  	p0 =	sne.s32 s28, $0x4800;
	s28 =	sadd.s32 $0x400, s28;
	_ =	swait.ge [sflag:s23], $0x4000  }
0x90: {  	s29 =	sshra.s32 s29, $0x2;
	[sflag:s23] =	ssyncset.done $0x0  }
0x91: {  	s30 =	sadd.s32 $0x1D400, s29;
	[sflag:s23] =	ssyncadd.s32 $0xFFFFC000  }
0x92: {  	[spmem:s2] =	stream.indirect.scatter.add.f32 [tilespmem:s16], [sflag:$0x3], $0x80, s30, s20, $0xb8;
	[tilespmem:$0x1E800] =	vst v63  }
0x93: {  	_ =	swait.ge [sflag:s17], $0x4000  }
0x94: {  	[sflag:s17] =	ssyncset.done $0x0  }
0x95: {  	s30 =	sadd.s32 $0x1C100, s29;
	[sflag:s17] =	ssyncadd.s32 $0xFFFFC000  }
0x96: {  	[tilespmem:s16], [sflag:$0x1] =	stream.indirect.gather [hbm4b:s4+s20], $0x80, s30, s20, $0xb8;
	[tilespmem:$0x1E800] =	vst v63  }
0x97: {  	_ =	swait.ge [sflag:s24], $0x4000  }
0x98: {  	[sflag:s24] =	ssyncset.done $0x0  }
.Ltmp2:
0x99: {  	s30 =	sadd.s32 $0x1D480, s29;
	[sflag:s24] =	ssyncadd.s32 $0xFFFFC000;
	(pc) =	sbr.rel @p0 .LBB2_6-.Ltmp2, $4  }
0x9a: {  	[spmem:s2] =	stream.indirect.scatter.add.f32 [tilespmem:s22], [sflag:$0x3], $0x80, s30, s20, $0xb8;
	[tilespmem:$0x1E800] =	vst v63  }
0x9b: {  	_ =	swait.ge [sflag:s17], $0x4000  }
0x9c: {  	[sflag:s17] =	ssyncset.done $0x0  }
0x9d: {  	s29 =	sadd.s32 $0x1C180, s29;
	[sflag:s17] =	ssyncadd.s32 $0xFFFFC000  }
0x9e: {  	[tilespmem:s22], [sflag:$0x2] =	stream.indirect.gather [hbm4b:s4+s20], $0x80, s29, s20, $0xb8;
	[tilespmem:$0x1E800] =	vst v63  }
0x9f: {  	_ =	swait.ge [sflag:s23], $0x4000  }
0xa0: {  	[sflag:s23] =	ssyncset.done $0x0  }
0xa1: {  	[sflag:s23] =	ssyncadd.s32 $0xFFFFC000  }
0xa2: {  	[spmem:s2] =	stream.indirect.scatter.add.f32 [tilespmem:s16], [sflag:$0x3], $0x80, s25, s20, $0xb8;
	[tilespmem:$0x1E800] =	vst v63  }
0xa3: {  	_ =	swait.ge [sflag:s17], $0x4000  }
0xa4: {  	[sflag:s17] =	ssyncset.done $0x0  }
0xa5: {  	[sflag:s17] =	ssyncadd.s32 $0xFFFFC000  }
0xa6: {  	_ =	swait.ge [sflag:s24], $0x4000  }
0xa7: {  	[sflag:s24] =	ssyncset.done $0x0  }
0xa8: {  	[sflag:s24] =	ssyncadd.s32 $0xFFFFC000  }
0xa9: {  	[spmem:s2] =	stream.indirect.scatter.add.f32 [tilespmem:s22], [sflag:$0x3], $0x80, s26, s20, $0xb8;
	[tilespmem:$0x1E800] =	vst v63  }
0xaa: {  	_ =	swait.ge [sflag:s17], $0x4000  }
0xab: {  	s28 =	sshll.u32 s1, $0x6;
	s3 =	sadd.s32 $0x1, s3;
	[sflag:s17] =	ssyncset.done $0x0  }
0xac: {  	s31 =	sshrl.u32 s5, $0x3;
	p0 =	sne.s32 s3, s15;
	[sflag:s17] =	ssyncadd.s32 $0xFFFFC000  }
.Ltmp3:
0xad: {  	s28 =	sor.u32 $0x1C03, s28;
	[bflag:$0x0] =	sbarrier.arrive $0xFFFF;
	(pc) =	sbr.rel @p0 .LBB2_1-.Ltmp3, $4  }
0xae: {  	[hbm:s14], [sflag:s28] =	dma.local [spmem:s31], $0x2800  }
0xaf: {  	_ =	swait.ge [sflag:s17], $0x2800  }
0xb0: {  	[sflag:s17] =	ssyncset.done $0x0  }
0xb1: {  	[sflag:s17] =	ssyncadd.s32 $0xFFFFD800  }
0xb2: {  	_ =	sfence.sel $0x180000  }
0xb3: {  	[bflag:$0x0] =	sbarrier.arrive $0xFFFF  }
0xb4: {  	p0 =	sne.s32 s1, $0x0;
	_ =	strace $0x9000004A  }
0xb5: {  	s0 =	sadd.s32 @!p0 $0x100000, s0;
	[bflag:$0x2] =	sbarrier.arrive $0xFFFF  }
0xb6: {  	[sflag:s0] =	ssyncadd.tile.s32 @!p0 $0x1;
	_ =	shalt  }
.Lfunc_end2:
_tile_overlayer_lowered:
.L_overlay_start_2:
0xb7: {  	(tag) =	ssettag $0x2  }
0xb8: {  	s0 =	rddreg [dreg:$0x0];
	s2 =	stileid.u32  }
0xb9: {  	s1 =	rddreg [dreg:$0x1];
	p0 =	sne.s32 s2, $0x0  }
0xba: {  	s3 =	rddreg [dreg:$0x2];
	[bflag:$0x3] =	sbarrier.arrive $0xFFFF;
	s2 =	simm.s32 @!p0 $0x1C03  }
0xbb: {  	[timem:s3], [sflag:s2] =	dma.local @!p0 [hbm:s0], s1  }
0xbc: {  	s0 =	simm.s32 @!p0 $0x3  }
0xbd: {  	_ =	swait.ge @!p0 [sflag:s0], s1  }
0xbe: {  	s1 =	ssub.s32 @!p0 $0x0, s1;
	[sflag:s0] =	ssyncset.done @!p0 $0x0  }
0xbf: {  	[sflag:s0] =	ssyncadd.s32 @!p0 s1  }
0xc0: {  	[bflag:$0x3] =	sbarrier.arrive $0xFFFF  }
0xc1: {  	_ =	shalt  }

// kernel: kernel.14.cloned.1.call-start
scs
__scs_entry_jumppad:
0x0: {  	(pc) =	sbr.rel $0x88, $3  }
0x1: {  	(tag) =	ssettag $0x0;
	lr =	simm.s32 $0x1  }
0x2: {  	[smem:$0x3F9B] =	sst lr;
	_ =	strace $0xD0000000  }
0x3: {  	_ = 	snop  }
0x4: {  	_ = 	snop  }
0x5: {  	_ = 	snop  }
0x6: {  	_ = 	snop  }
0x7: {  	_ = 	snop  }
__scs_overlays_trampoline_lowered:
0x8: {  	[smem:$0x3FAA] =	sst s0  }
0x9: {  	[smem:$0x3FAB] =	sst s1  }
0xa: {  	[smem:$0x3FAC] =	sst s2  }
0xb: {  	[smem:$0x3FAD] =	sst s3  }
0xc: {  	[smem:$0x3FAE] =	sst s4  }
0xd: {  	[smem:$0x3FAF] =	sst s5  }
0xe: {  	[smem:$0x3FB0] =	sst s6  }
0xf: {  	[smem:$0x3FB1] =	sst s7  }
0x10: {  	[smem:$0x3FB2] =	sst s8  }
0x11: {  	[smem:$0x3FB3] =	sst s9;
	s0 =	simm.s32 @!p0 $0x0  }
0x12: {  	s1 =	sld [smem:$0x3F99];
	s0 =	simm.s32 @p0 $0x1  }
0x13: {  	[smem:$0x3FB4] =	sst s0;
	s0 =	simm.s32 @!p1 $0x0  }
0x14: {  	s2 =	sld [smem:$0x3F98];
	s0 =	simm.s32 @p1 $0x1  }
0x15: {  	[smem:$0x3FB5] =	sst s0;
	s0 =	simm.s32 @!p2 $0x0  }
0x16: {  	s3 =	sld [smem:$0x3FDB];
	s0 =	simm.s32 @p2 $0x1  }
0x17: {  	s4 =	simm.s32 $0x1BF5;
	[smem:$0x3FB7] =	sst s0  }
0x18: {  	s0 =	sld [smem:$0x3F9A];
	_ =	swait.ge [sflag:s4], $0x0  }
0x19: {  	s7 =	sld [smem:$0x3F9B]  }
0x1a: {  	s8 =	sadd.s32 $0xFFFFE003, lr  }
0x1b: {  	s9 =	sadd.s32 $0xFFFFFEF7, lr;
	s5 =	simm.s32 $0xFFFFFFFF;
	p2 =	slt.u32 s8, $0xFFFFF086  }
0x1c: {  	p1 =	slt.u32 s9, $0xF7A;
	s5 =	simm.s32 @!p2 $0x0  }
0x1d: {  	s5 =	simm.s32 @p1 $0x1;
	p0 =	seq.s32 s7, s2  }
0x1e: {  	s7 =	smul.u32 @!p0 $0xF7A, s2;
	p2 =	seq.s32 @!p0 s5, $0x0  }
0x1f: {  	s9 =	smul.u32 $0xF7A, s1;
	s8 =	simm.s32 @!p0 $0x1BF5;
	p2 =	por !p2, p0  }
0x20: {  	[sflag:s8] =	ssyncset.s32 @!p0 $0xFFFFF086;
	s6 =	sadd.s32 @!p0 s3, s7;
	s7 =	simm.s32 @!p0 $0x108  }
0x21: {  	s3 =	sadd.s32 s3, s9;
	s6 =	sadd.s32 @!p0 $0x88, s6;
	s7 =	simm.s32 @p2 $0x1082  }
0x22: {  	[simem:s7], [sflag:s8] =	dma.local @!p0 [hbm:s6], $0xF7A  }
0x23: {  	s9 =	sor.u32 $0xD0000000, s2;
	s6 =	simm.s32 $0x108;
	_ =	swait.ge @!p0 [sflag:s8], $0x0  }
0x24: {  	s3 =	sadd.s32 $0x88, s3;
	s6 =	simm.s32 @!p1 $0x1082;
	[sflag:s4] =	ssyncset.s32 $0xFFFFF086  }
0x25: {  	[simem:s6], [sflag:s4] =	dma.local [hbm:s3], $0xF7A  }
0x26: {  	[smem:$0x3F9B] =	sst s1;
	(tag) =	ssettag s2;
	_ =	strace s9  }
0x27: {  	s1 =	sld [smem:$0x3FAB]  }
0x28: {  	s2 =	sld [smem:$0x3FAC]  }
0x29: {  	s4 =	sld [smem:$0x3FAE]  }
0x2a: {  	p0 =	seq.s32 s5, $0x0;
	s5 =	sld [smem:$0x3FAF]  }
0x2b: {  	s6 =	sld [smem:$0x3FB0]  }
0x2c: {  	s7 =	sld [smem:$0x3FB1]  }
0x2d: {  	s3 =	simm.s32 $0x108;
	s8 =	sld [smem:$0x3FB2]  }
0x2e: {  	s3 =	simm.s32 @!p0 $0x1082;
	s9 =	sld [smem:$0x3FB3]  }
0x2f: {  	lr =	sadd.s32 s0, s3;
	s0 =	sld [smem:$0x3FAA]  }
0x30: {  	s3 =	sld [smem:$0x3FAD]  }
0x31: {  	[smem:$0x3FB6] =	sst s10  }
0x32: {  	s10 =	sld [smem:$0x3FB4];
	_ =	sdelay $0x3  }
0x33: {  	p0 =	seq.s32 s10, $0x1;
	s10 =	sld [smem:$0x3FB6];
	_ =	sdelay $0x3  }
0x34: {  	[smem:$0x3FB6] =	sst s10  }
0x35: {  	s10 =	sld [smem:$0x3FB5];
	_ =	sdelay $0x3  }
0x36: {  	p1 =	seq.s32 s10, $0x1;
	s10 =	sld [smem:$0x3FB6];
	_ =	sdelay $0x3  }
0x37: {  	[smem:$0x3FB6] =	sst s10  }
0x38: {  	s10 =	sld [smem:$0x3FB7]  }
0x39: {  	_ = 	snop;
	(pc) =	sbr.ind lr, $3  }
0x3a: {  	_ = 	snop  }
0x3b: {  	_ = 	snop  }
0x3c: {  	p2 =	seq.s32 s10, $0x1;
	s10 =	sld [smem:$0x3FB6]  }
0x3d: {  	_ =	shalt  }
0x3e: {  	_ =	shalt  }
0x3f: {  	_ =	shalt  }
0x40: {  	_ =	shalt  }
0x41: {  	_ =	shalt  }
0x42: {  	_ =	shalt  }
0x43: {  	_ =	shalt  }
0x44: {  	_ =	shalt  }
0x45: {  	_ =	shalt  }
0x46: {  	_ =	shalt  }
0x47: {  	_ =	shalt  }
0x48: {  	_ =	shalt  }
0x49: {  	_ =	shalt  }
0x4a: {  	_ =	shalt  }
0x4b: {  	_ =	shalt  }
0x4c: {  	_ =	shalt  }
0x4d: {  	_ =	shalt  }
0x4e: {  	_ =	shalt  }
0x4f: {  	_ =	shalt  }
0x50: {  	_ =	shalt  }
0x51: {  	_ =	shalt  }
0x52: {  	_ =	shalt  }
0x53: {  	_ =	shalt  }
0x54: {  	_ =	shalt  }
0x55: {  	_ =	shalt  }
0x56: {  	_ =	shalt  }
0x57: {  	_ =	shalt  }
0x58: {  	_ =	shalt  }
0x59: {  	_ =	shalt  }
0x5a: {  	_ =	shalt  }
0x5b: {  	_ =	shalt  }
0x5c: {  	_ =	shalt  }
0x5d: {  	_ =	shalt  }
0x5e: {  	_ =	shalt  }
0x5f: {  	_ =	shalt  }
0x60: {  	_ =	shalt  }
0x61: {  	_ =	shalt  }
0x62: {  	_ =	shalt  }
0x63: {  	_ =	shalt  }
0x64: {  	_ =	shalt  }
0x65: {  	_ =	shalt  }
0x66: {  	_ =	shalt  }
0x67: {  	_ =	shalt  }
0x68: {  	_ =	shalt  }
0x69: {  	_ =	shalt  }
0x6a: {  	_ =	shalt  }
0x6b: {  	_ =	shalt  }
0x6c: {  	_ =	shalt  }
0x6d: {  	_ =	shalt  }
0x6e: {  	_ =	shalt  }
0x6f: {  	_ =	shalt  }
0x70: {  	_ =	shalt  }
0x71: {  	_ =	shalt  }
0x72: {  	_ =	shalt  }
0x73: {  	_ =	shalt  }
0x74: {  	_ =	shalt  }
0x75: {  	_ =	shalt  }
0x76: {  	_ =	shalt  }
0x77: {  	_ =	shalt  }
0x78: {  	_ =	shalt  }
0x79: {  	_ =	shalt  }
0x7a: {  	_ =	shalt  }
0x7b: {  	_ =	shalt  }
0x7c: {  	_ =	shalt  }
0x7d: {  	_ =	shalt  }
0x7e: {  	_ =	shalt  }
0x7f: {  	_ =	shalt  }
0x80: {  	_ =	shalt  }
0x81: {  	_ =	shalt  }
0x82: {  	_ =	shalt  }
0x83: {  	_ =	shalt  }
0x84: {  	_ =	shalt  }
0x85: {  	_ =	shalt  }
0x86: {  	_ =	shalt  }
0x87: {  	_ =	shalt  }
.Lfunc_end0:
.L_simem_size_0:
called_computation.2_lowered:
.L_overlay_start_0:
0x88: {  	s2 =	sld [smem:$0x3FD9]  }
0x89: {  	s3 =	sld [smem:$0x3FFE];
	_ =	sdelay $0x1  }
0x8a: {  	s1 =	srdreg.scid  }
0x8b: {  	s0 =	sand.u32 $0x1, s1  }
0x8c: {  	s17 =	sshll.u32 s0, $0xA;
	s2 =	sadd.s32 s3, s2  }
0x8d: {  	s2 =	sadd.s32 s2, s17  }
0x8e: {  	[smem:$0x3FC2] =	sst s2  }
0x8f: {  	_ = 	snop  }
0x90: {  	s2 =	sld [smem:$0x3FD0];
	(tm) =	ssettm $0x1  }
0x91: {  	s18 =	sld [smem:$0x3FFB];
	_ =	sdelay $0x3  }
0x92: {  	_ =	strace s18  }
0x93: {  	s3 =	sld [smem:$0x3FFC];
	_ =	sdelay $0x3  }
0x94: {  	_ =	strace s3  }
0x95: {  	s3 =	sld [smem:$0x3FFD];
	_ =	sdelay $0x3  }
0x96: {  	_ =	strace s3  }
0x97: {  	_ =	strace $0x8FFFFFFF  }
0x98: {  	s19 =	sld [smem:$0x3FDB];
	_ =	sdelay $0x1  }
0x99: {  	s4 =	simm.s32 $_scs_section_size  }
0x9a: {  	s5 =	simm.s32 $_size__tile_overlayer_lowered;
	s6 =	simm.s32 $_tile_overlayer_lowered  }
0x9b: {  	s22 =	simm.s32 $0x1BFF;
	s21 =	sshll.u32 s6, $0x1;
	s3 =	sadd.s32 s4, s19  }
0x9c: {  	s7 =	simm.s32 $0x0;
	s20 =	sshll.u32 s5, $0x1;
	s5 =	sadd.s32 s21, s3  }
0x9d: {  	[timem:s7], [sflag:s22] =	dma.local [hbm:s5], s20  }
0x9e: {  	_ =	swait.ge [sflag:s22], s20  }
0x9f: {  	s4 =	ssub.s32 $0x0, s20;
	[sflag:s22] =	ssyncset.done $0x0  }
0xa0: {  	[sflag:s22] =	ssyncadd.s32 s4;
	_ =	sdelay $0x1  }
0xa1: {  	s23 =	simm.s32 $0x1B8B  }
0xa2: {  	_ =	swait.ge [sflag:s23], $0x1  }
0xa3: {  	[sflag:s23] =	ssyncset.done $0x0  }
0xa4: {  	s25 =	simm.s32 $0x1B8E;
	s24 =	sld [smem:$0x3FFE];
	[sflag:s23] =	ssyncadd.s32 $0xFFFFFFFF  }
0xa5: {  	s26 =	simm.s32 $execute0_lowered;
	[smem:$0x3FD2] =	sst s25  }
0xa6: {  	s5 =	sshll.u32 s26, $0x1;
	_ =	strace $0x8000004C;
	[dreg:$0x1] =	wrdreg $0xFFFFFFFF  }
0xa7: {  	s28 =	simm.s32 $_size_execute0_lowered;
	s3 =	sadd.s32 s3, s5;
	[dreg:$0x0] =	wrdreg $0x0  }
0xa8: {  	s5 =	sshll.u32 s28, $0x1;
	[dreg:$0x2] =	wrdreg s3  }
0xa9: {  	[dreg:$0x3] =	wrdreg s5  }
0xaa: {  	[dreg:$0x4] =	wrdreg $0xC0  }
0xab: {  	_ =	task [dreg:s7], $0x5FFFF  }
0xac: {  	[dreg:$0x1] =	wrdreg $0xFFFFFFFF  }
0xad: {  	[dreg:$0x0] =	wrdreg $0x60  }
0xae: {  	[dreg:$0x2] =	wrdreg s24  }
0xaf: {  	[dreg:$0x3] =	wrdreg s2  }
0xb0: {  	[dreg:$0x4] =	wrdreg $0x0  }
0xb1: {  	[dreg:$0x5] =	wrdreg $0x9  }
0xb2: {  	_ =	task.clear_ibuf [dreg:s7], $0x6FFFF;
	_ =	strace $0x9000004C  }
0xb3: {  	s29 =	simm.s32 $0x9;
	_ =	strace $0x8000004E  }
0xb4: {  	_ =	swait.ge [sflag:s29], $0x1  }
0xb5: {  	[sflag:s29] =	ssyncadd.s32 $0xFFFFFFFF  }
0xb6: {  	_ =	strace $0x9000004E  }
0xb7: {  	_ =	sfence  }
0xb8: {  	s30 =	sld [smem:$0x0];
	_ =	sdelay $0x2  }
0xb9: {  	s31 =	sshll.u32 s1, $0xD;
	s1 =	sshrl.u32 s1, $0x2  }
0xba: {  	s3 =	sand.u32 $0x4000, s31;
	s1 =	sadd.s32 s1, s30  }
0xbb: {  	s0 =	sor.u32 s3, s0;
	s1 =	sshll.u32 s1, $0x11  }
0xbc: {  	s0 =	sor.u32 s1, s0  }
0xbd: {  	s0 =	sadd.s32 $0x8F2B, s0  }
0xbe: {  	[sflag:s0] =	ssyncadd.remote.s32 $0x1  }
0xbf: {  	_ =	sfence.sel $0xFFFF  }
0xc0: {  	[dreg:$0x0] =	wrdreg $0xFFFFFFFF;
	(pc) =	sbr.abs _section_cstart, $3  }
0xc1: {  	[dreg:$0x1] =	wrdreg $0xFFFFFFFF  }
0xc2: {  	_ =	task.clear_ibuf [dreg:s7], $0x2FFFF;
	_ =	strace $0x9FFFFFFF  }
0xc3: {  	(tm) =	ssettm $0x7FFFFFFF  }
tec
execute0_lowered:
.L_overlay_start_1:
0x0: {  	(tag) =	ssettag $0x1  }
0x1: {  	s5 =	rddreg [dreg:$0x0]  }
0x2: {  	s13 =	rddreg [dreg:$0x1];
	s0 =	srdreg.scid  }
0x3: {  	s2 =	rddreg [dreg:$0x2];
	s1 =	stileid.u32  }
0x4: {  	s3 =	simm.s32 $0x0;
	s18 =	simm.s32 $0x1C000;
	s19 =	simm.s32 $0x1D400  }
0x5: {  	s20 =	simm.s32 $0x80;
	s21 =	simm.s32 $0x1C080;
	s22 =	simm.s32 $0x18000  }
0x6: {  	s23 =	simm.s32 $0x1;
	s24 =	simm.s32 $0x2;
	s25 =	simm.s32 $0x1E700  }
0x7: {  	s26 =	simm.s32 $0x1E780;
	s6 =	sand.u32 $0x1, s0;
	s0 =	rddreg [dreg:$0x3]  }
0x8: {  	s8 =	smul.u32 $0x14000, s1;
	[smem:$0x7FF] =	sst s3;
	s4 =	sadd.s32 $0xC600, s5  }
0x9: {  	s12 =	sadd.s32 $0x2600, s5;
	s28 =	smul.u32 $0x50000, s1;
	s30 =	sshll.u32 s1, $0x1  }
0xa: {  	s7 =	smul.u32 $0x140000, s6;
	s29 =	ssub.s32 $0x2, s6;
	s10 =	sor.u32 s6, s30  }
0xb: {  	_ =	strace $0x8000004D;
	s9 =	sshrl.u32 s29, $0x1;
	s11 =	smul.u32 $0x2800, s10  }
0xc: {  	s16 =	smul.u32 $0x500, s10;
	s7 =	sadd.s32 s8, s7;
	s8 =	sshrl.u32 s28, $0x2  }
0xd: {  	s15 =	ssub.s32 s29, s9;
	s7 =	sshrl.u32 s7, $0x3;
	s17 =	sshrl.u32 s11, $0x3  }
0xe: {  	s10 =	sadd.s32 s12, s16;
	s11 =	sadd.s32 s13, s16;
	s15 =	smax.u32 s15, $0x1  }
0xf: {  	s16 =	simm.s32 $0x14000;
	s14 =	sadd.s32 s7, s5;
	s5 =	sadd.s32 s8, s2  }
0x10: {  	s31 =	sadd.s32 $0x280, s17;
	s17 =	simm.s32 $0x3;
	s6 =	sadd.s32 $0x4000, s5  }
0x11: {  	s7 =	sadd.s32 $0x8000, s5;
	s8 =	sadd.s32 $0xC000, s5;
	s9 =	sadd.s32 $0x10000, s5  }
0x12: {  	v0 =	vimm.f32 $0.0e+00;
	s12 =	sadd.s32 s12, s31;
	s13 =	sadd.s32 s13, s31;
	s14 =	sadd.s32 $0x34600, s14  }
.LBB2_1:
0x13: {  	s28 =	simm.s32 $0x0;
	s29 =	simm.s32 $0x200  }
.LBB2_2:
0x14: {  	p0 =	sne.s32 s29, $0xFE00;
	[tilespmem:s28+$0x14070] =	vst v0  }
0x15: {  	[tilespmem:s28+$0x14000] =	vst v0  }
0x16: {  	[tilespmem:s28+$0x14010] =	vst v0  }
.Ltmp0:
0x17: {  	[tilespmem:s28+$0x14020] =	vst v0;
	(pc) =	sbr.rel @p0 .LBB2_2-.Ltmp0, $4  }
0x18: {  	[tilespmem:s28+$0x14030] =	vst v0  }
0x19: {  	[tilespmem:s28+$0x14040] =	vst v0  }
0x1a: {  	[tilespmem:s28+$0x14050] =	vst v0  }
0x1b: {  	[tilespmem:s28+$0x14060] =	vst v0;
	s28 =	sshra.s32 s29, $0x2;
	s29 =	sadd.s32 $0x200, s29  }
0x1c: {  	[tilespmem:s28+$0x14070] =	vst v0  }
0x1d: {  	[tilespmem:s28+$0x14000] =	vst v0  }
0x1e: {  	[tilespmem:s28+$0x14010] =	vst v0  }
0x1f: {  	[tilespmem:s28+$0x14020] =	vst v0  }
0x20: {  	[tilespmem:s28+$0x14030] =	vst v0  }
0x21: {  	[tilespmem:s28+$0x14040] =	vst v0  }
0x22: {  	[tilespmem:s28+$0x14050] =	vst v0  }
0x23: {  	[tilespmem:s28+$0x14060] =	vst v0  }
0x24: {  	[spmem:s5] =	stream.linear.scatter [tilespmem:s16], [sflag:$0x3], $0x4000, $0x38;
	[tilespmem:$0x1E800] =	vst v63  }
0x25: {  	_ =	swait.ge [sflag:s17], $0x4000  }
0x26: {  	[sflag:s17] =	ssyncset.done $0x0  }
0x27: {  	[sflag:s17] =	ssyncadd.s32 $0xFFFFC000  }
0x28: {  	[spmem:s6] =	stream.linear.scatter [tilespmem:s16], [sflag:$0x3], $0x4000, $0x38;
	[tilespmem:$0x1E800] =	vst v63  }
0x29: {  	_ =	swait.ge [sflag:s17], $0x4000  }
0x2a: {  	[sflag:s17] =	ssyncset.done $0x0  }
0x2b: {  	[sflag:s17] =	ssyncadd.s32 $0xFFFFC000  }
0x2c: {  	[spmem:s7] =	stream.linear.scatter [tilespmem:s16], [sflag:$0x3], $0x4000, $0x38;
	[tilespmem:$0x1E800] =	vst v63  }
0x2d: {  	_ =	swait.ge [sflag:s17], $0x4000  }
0x2e: {  	[sflag:s17] =	ssyncset.done $0x0  }
0x2f: {  	[sflag:s17] =	ssyncadd.s32 $0xFFFFC000  }
0x30: {  	[spmem:s8] =	stream.linear.scatter [tilespmem:s16], [sflag:$0x3], $0x4000, $0x38;
	[tilespmem:$0x1E800] =	vst v63  }
0x31: {  	_ =	swait.ge [sflag:s17], $0x4000  }
0x32: {  	[sflag:s17] =	ssyncset.done $0x0  }
0x33: {  	[sflag:s17] =	ssyncadd.s32 $0xFFFFC000  }
0x34: {  	[spmem:s9] =	stream.linear.scatter [tilespmem:s16], [sflag:$0x3], $0x4000, $0x38;
	[tilespmem:$0x1E800] =	vst v63  }
0x35: {  	_ =	swait.ge [sflag:s17], $0x4000  }
0x36: {  	[sflag:s17] =	ssyncset.done $0x0  }
0x37: {  	[sflag:s17] =	ssyncadd.s32 $0xFFFFC000  }
0x38: {  	s28 =	simm.s32 $0x0;
	[bflag:$0x0] =	sbarrier.arrive $0xFFFF  }
0x39: {  	[tilespmem:s18], [sflag:$0x3] =	stream.linear.gather [hbm4b:s10+s28], $0x1400, $0x38;
	[tilespmem:$0x1E800] =	vst v63  }
0x3a: {  	_ =	swait.ge [sflag:s17], $0x1400  }
0x3b: {  	[sflag:s17] =	ssyncset.done $0x0  }
0x3c: {  	[sflag:s17] =	ssyncadd.s32 $0xFFFFEC00  }
0x3d: {  	[tilespmem:s19], [sflag:$0x3] =	stream.linear.gather [hbm4b:s11+s28], $0x1400, $0x38;
	[tilespmem:$0x1E800] =	vst v63  }
0x3e: {  	_ =	swait.ge [sflag:s17], $0x1400  }
0x3f: {  	[sflag:s17] =	ssyncset.done $0x0  }
0x40: {  	[sflag:s17] =	ssyncadd.s32 $0xFFFFEC00  }
0x41: {  	[tilespmem:s16], [sflag:$0x1] =	stream.indirect.gather [hbm4b:s4+s20], $0x80, s18, s20, $0xb8;
	[tilespmem:$0x1E800] =	vst v63  }
0x42: {  	_ = 	snop  }
0x43: {  	[tilespmem:s22], [sflag:$0x2] =	stream.indirect.gather [hbm4b:s4+s20], $0x80, s21, s20, $0xb8;
	[tilespmem:$0x1E800] =	vst v63  }
0x44: {  	_ =	swait.ge [sflag:s23], $0x4000  }
0x45: {  	[sflag:s23] =	ssyncset.done $0x0  }
0x46: {  	s28 =	simm.s32 $0x1D400;
	[sflag:s23] =	ssyncadd.s32 $0xFFFFC000  }
0x47: {  	[spmem:s2] =	stream.indirect.scatter.add.f32 [tilespmem:s16], [sflag:$0x3], $0x80, s28, s20, $0xb8;
	[tilespmem:$0x1E800] =	vst v63  }
0x48: {  	_ =	swait.ge [sflag:s17], $0x4000  }
0x49: {  	[sflag:s17] =	ssyncset.done $0x0  }
0x4a: {  	s28 =	simm.s32 $0x1C100;
	[sflag:s17] =	ssyncadd.s32 $0xFFFFC000  }
0x4b: {  	[tilespmem:s16], [sflag:$0x1] =	stream.indirect.gather [hbm4b:s4+s20], $0x80, s28, s20, $0xb8;
	[tilespmem:$0x1E800] =	vst v63  }
0x4c: {  	_ =	swait.ge [sflag:s24], $0x4000  }
0x4d: {  	[sflag:s24] =	ssyncset.done $0x0  }
0x4e: {  	s28 =	simm.s32 $0x1D480;
	[sflag:s24] =	ssyncadd.s32 $0xFFFFC000  }
0x4f: {  	[spmem:s2] =	stream.indirect.scatter.add.f32 [tilespmem:s22], [sflag:$0x3], $0x80, s28, s20, $0xb8;
	[tilespmem:$0x1E800] =	vst v63  }
0x50: {  	_ =	swait.ge [sflag:s17], $0x4000  }
0x51: {  	[sflag:s17] =	ssyncset.done $0x0  }
0x52: {  	s29 =	simm.s32 $0x1C180;
	s28 =	simm.s32 $0x400;
	[sflag:s17] =	ssyncadd.s32 $0xFFFFC000  }
.LBB2_4:
0x53: {  	[tilespmem:s22], [sflag:$0x2] =	stream.indirect.gather [hbm4b:s4+s20], $0x80, s29, s20, $0xb8;
	[tilespmem:$0x1E800] =	vst v63  }
0x54: {  	s29 =	smov.u32 s28  }
0x55: {  	p0 =	sne.s32 s28, $0x4800;
	s28 =	sadd.s32 $0x400, s28;
	_ =	swait.ge [sflag:s23], $0x4000  }
0x56: {  	s29 =	sshra.s32 s29, $0x2;
	[sflag:s23] =	ssyncset.done $0x0  }
0x57: {  	s30 =	sadd.s32 $0x1D400, s29;
	[sflag:s23] =	ssyncadd.s32 $0xFFFFC000  }
0x58: {  	[spmem:s2] =	stream.indirect.scatter.add.f32 [tilespmem:s16], [sflag:$0x3], $0x80, s30, s20, $0xb8;
	[tilespmem:$0x1E800] =	vst v63  }
0x59: {  	_ =	swait.ge [sflag:s17], $0x4000  }
0x5a: {  	[sflag:s17] =	ssyncset.done $0x0  }
0x5b: {  	s30 =	sadd.s32 $0x1C100, s29;
	[sflag:s17] =	ssyncadd.s32 $0xFFFFC000  }
0x5c: {  	[tilespmem:s16], [sflag:$0x1] =	stream.indirect.gather [hbm4b:s4+s20], $0x80, s30, s20, $0xb8;
	[tilespmem:$0x1E800] =	vst v63  }
0x5d: {  	_ =	swait.ge [sflag:s24], $0x4000  }
0x5e: {  	[sflag:s24] =	ssyncset.done $0x0  }
.Ltmp1:
0x5f: {  	s30 =	sadd.s32 $0x1D480, s29;
	[sflag:s24] =	ssyncadd.s32 $0xFFFFC000;
	(pc) =	sbr.rel @p0 .LBB2_4-.Ltmp1, $4  }
0x60: {  	[spmem:s2] =	stream.indirect.scatter.add.f32 [tilespmem:s22], [sflag:$0x3], $0x80, s30, s20, $0xb8;
	[tilespmem:$0x1E800] =	vst v63  }
0x61: {  	_ =	swait.ge [sflag:s17], $0x4000  }
0x62: {  	[sflag:s17] =	ssyncset.done $0x0  }
0x63: {  	s29 =	sadd.s32 $0x1C180, s29;
	[sflag:s17] =	ssyncadd.s32 $0xFFFFC000  }
0x64: {  	[tilespmem:s22], [sflag:$0x2] =	stream.indirect.gather [hbm4b:s4+s20], $0x80, s29, s20, $0xb8;
	[tilespmem:$0x1E800] =	vst v63  }
0x65: {  	_ =	swait.ge [sflag:s23], $0x4000  }
0x66: {  	[sflag:s23] =	ssyncset.done $0x0  }
0x67: {  	[sflag:s23] =	ssyncadd.s32 $0xFFFFC000  }
0x68: {  	[spmem:s2] =	stream.indirect.scatter.add.f32 [tilespmem:s16], [sflag:$0x3], $0x80, s25, s20, $0xb8;
	[tilespmem:$0x1E800] =	vst v63  }
0x69: {  	_ =	swait.ge [sflag:s17], $0x4000  }
0x6a: {  	[sflag:s17] =	ssyncset.done $0x0  }
0x6b: {  	[sflag:s17] =	ssyncadd.s32 $0xFFFFC000  }
0x6c: {  	_ =	swait.ge [sflag:s24], $0x4000  }
0x6d: {  	[sflag:s24] =	ssyncset.done $0x0  }
0x6e: {  	[sflag:s24] =	ssyncadd.s32 $0xFFFFC000  }
0x6f: {  	[spmem:s2] =	stream.indirect.scatter.add.f32 [tilespmem:s22], [sflag:$0x3], $0x80, s26, s20, $0xb8;
	[tilespmem:$0x1E800] =	vst v63  }
0x70: {  	_ =	swait.ge [sflag:s17], $0x4000  }
0x71: {  	[sflag:s17] =	ssyncset.done $0x0  }
0x72: {  	s28 =	simm.s32 $0x0;
	[sflag:s17] =	ssyncadd.s32 $0xFFFFC000  }
0x73: {  	[tilespmem:s18], [sflag:$0x3] =	stream.linear.gather [hbm4b:s12+s28], $0x1400, $0x38;
	[tilespmem:$0x1E800] =	vst v63  }
0x74: {  	_ =	swait.ge [sflag:s17], $0x1400  }
0x75: {  	[sflag:s17] =	ssyncset.done $0x0  }
0x76: {  	[sflag:s17] =	ssyncadd.s32 $0xFFFFEC00  }
0x77: {  	[tilespmem:s19], [sflag:$0x3] =	stream.linear.gather [hbm4b:s13+s28], $0x1400, $0x38;
	[tilespmem:$0x1E800] =	vst v63  }
0x78: {  	_ =	swait.ge [sflag:s17], $0x1400  }
0x79: {  	[sflag:s17] =	ssyncset.done $0x0  }
0x7a: {  	[sflag:s17] =	ssyncadd.s32 $0xFFFFEC00  }
0x7b: {  	[tilespmem:s16], [sflag:$0x1] =	stream.indirect.gather [hbm4b:s4+s20], $0x80, s18, s20, $0xb8;
	[tilespmem:$0x1E800] =	vst v63  }
0x7c: {  	_ = 	snop  }
0x7d: {  	[tilespmem:s22], [sflag:$0x2] =	stream.indirect.gather [hbm4b:s4+s20], $0x80, s21, s20, $0xb8;
	[tilespmem:$0x1E800] =	vst v63  }
0x7e: {  	_ =	swait.ge [sflag:s23], $0x4000  }
0x7f: {  	[sflag:s23] =	ssyncset.done $0x0  }
0x80: {  	s28 =	simm.s32 $0x1D400;
	[sflag:s23] =	ssyncadd.s32 $0xFFFFC000  }
0x81: {  	[spmem:s2] =	stream.indirect.scatter.add.f32 [tilespmem:s16], [sflag:$0x3], $0x80, s28, s20, $0xb8;
	[tilespmem:$0x1E800] =	vst v63  }
0x82: {  	_ =	swait.ge [sflag:s17], $0x4000  }
0x83: {  	[sflag:s17] =	ssyncset.done $0x0  }
0x84: {  	s28 =	simm.s32 $0x1C100;
	[sflag:s17] =	ssyncadd.s32 $0xFFFFC000  }
0x85: {  	[tilespmem:s16], [sflag:$0x1] =	stream.indirect.gather [hbm4b:s4+s20], $0x80, s28, s20, $0xb8;
	[tilespmem:$0x1E800] =	vst v63  }
0x86: {  	_ =	swait.ge [sflag:s24], $0x4000  }
0x87: {  	[sflag:s24] =	ssyncset.done $0x0  }
0x88: {  	s28 =	simm.s32 $0x1D480;
	[sflag:s24] =	ssyncadd.s32 $0xFFFFC000  }
0x89: {  	[spmem:s2] =	stream.indirect.scatter.add.f32 [tilespmem:s22], [sflag:$0x3], $0x80, s28, s20, $0xb8;
	[tilespmem:$0x1E800] =	vst v63  }
0x8a: {  	_ =	swait.ge [sflag:s17], $0x4000  }
0x8b: {  	[sflag:s17] =	ssyncset.done $0x0  }
0x8c: {  	s29 =	simm.s32 $0x1C180;
	s28 =	simm.s32 $0x400;
	[sflag:s17] =	ssyncadd.s32 $0xFFFFC000  }
.LBB2_6:
0x8d: {  	[tilespmem:s22], [sflag:$0x2] =	stream.indirect.gather [hbm4b:s4+s20], $0x80, s29, s20, $0xb8;
	[tilespmem:$0x1E800] =	vst v63  }
0x8e: {  	s29 =	smov.u32 s28  }
0x8f: {  	p0 =	sne.s32 s28, $0x4800;
	s28 =	sadd.s32 $0x400, s28;
	_ =	swait.ge [sflag:s23], $0x4000  }
0x90: {  	s29 =	sshra.s32 s29, $0x2;
	[sflag:s23] =	ssyncset.done $0x0  }
0x91: {  	s30 =	sadd.s32 $0x1D400, s29;
	[sflag:s23] =	ssyncadd.s32 $0xFFFFC000  }
0x92: {  	[spmem:s2] =	stream.indirect.scatter.add.f32 [tilespmem:s16], [sflag:$0x3], $0x80, s30, s20, $0xb8;
	[tilespmem:$0x1E800] =	vst v63  }
0x93: {  	_ =	swait.ge [sflag:s17], $0x4000  }
0x94: {  	[sflag:s17] =	ssyncset.done $0x0  }
0x95: {  	s30 =	sadd.s32 $0x1C100, s29;
	[sflag:s17] =	ssyncadd.s32 $0xFFFFC000  }
0x96: {  	[tilespmem:s16], [sflag:$0x1] =	stream.indirect.gather [hbm4b:s4+s20], $0x80, s30, s20, $0xb8;
	[tilespmem:$0x1E800] =	vst v63  }
0x97: {  	_ =	swait.ge [sflag:s24], $0x4000  }
0x98: {  	[sflag:s24] =	ssyncset.done $0x0  }
.Ltmp2:
0x99: {  	s30 =	sadd.s32 $0x1D480, s29;
	[sflag:s24] =	ssyncadd.s32 $0xFFFFC000;
	(pc) =	sbr.rel @p0 .LBB2_6-.Ltmp2, $4  }
0x9a: {  	[spmem:s2] =	stream.indirect.scatter.add.f32 [tilespmem:s22], [sflag:$0x3], $0x80, s30, s20, $0xb8;
	[tilespmem:$0x1E800] =	vst v63  }
0x9b: {  	_ =	swait.ge [sflag:s17], $0x4000  }
0x9c: {  	[sflag:s17] =	ssyncset.done $0x0  }
0x9d: {  	s29 =	sadd.s32 $0x1C180, s29;
	[sflag:s17] =	ssyncadd.s32 $0xFFFFC000  }
0x9e: {  	[tilespmem:s22], [sflag:$0x2] =	stream.indirect.gather [hbm4b:s4+s20], $0x80, s29, s20, $0xb8;
	[tilespmem:$0x1E800] =	vst v63  }
0x9f: {  	_ =	swait.ge [sflag:s23], $0x4000  }
0xa0: {  	[sflag:s23] =	ssyncset.done $0x0  }
0xa1: {  	[sflag:s23] =	ssyncadd.s32 $0xFFFFC000  }
0xa2: {  	[spmem:s2] =	stream.indirect.scatter.add.f32 [tilespmem:s16], [sflag:$0x3], $0x80, s25, s20, $0xb8;
	[tilespmem:$0x1E800] =	vst v63  }
0xa3: {  	_ =	swait.ge [sflag:s17], $0x4000  }
0xa4: {  	[sflag:s17] =	ssyncset.done $0x0  }
0xa5: {  	[sflag:s17] =	ssyncadd.s32 $0xFFFFC000  }
0xa6: {  	_ =	swait.ge [sflag:s24], $0x4000  }
0xa7: {  	[sflag:s24] =	ssyncset.done $0x0  }
0xa8: {  	[sflag:s24] =	ssyncadd.s32 $0xFFFFC000  }
0xa9: {  	[spmem:s2] =	stream.indirect.scatter.add.f32 [tilespmem:s22], [sflag:$0x3], $0x80, s26, s20, $0xb8;
	[tilespmem:$0x1E800] =	vst v63  }
0xaa: {  	_ =	swait.ge [sflag:s17], $0x4000  }
0xab: {  	s28 =	sshll.u32 s1, $0x6;
	s3 =	sadd.s32 $0x1, s3;
	[sflag:s17] =	ssyncset.done $0x0  }
0xac: {  	s31 =	sshrl.u32 s5, $0x3;
	p0 =	sne.s32 s3, s15;
	[sflag:s17] =	ssyncadd.s32 $0xFFFFC000  }
.Ltmp3:
0xad: {  	s28 =	sor.u32 $0x1C03, s28;
	[bflag:$0x0] =	sbarrier.arrive $0xFFFF;
	(pc) =	sbr.rel @p0 .LBB2_1-.Ltmp3, $4  }
0xae: {  	[hbm:s14], [sflag:s28] =	dma.local [spmem:s31], $0x2800  }
0xaf: {  	_ =	swait.ge [sflag:s17], $0x2800  }
0xb0: {  	[sflag:s17] =	ssyncset.done $0x0  }
0xb1: {  	[sflag:s17] =	ssyncadd.s32 $0xFFFFD800  }
0xb2: {  	_ =	sfence.sel $0x180000  }
0xb3: {  	[bflag:$0x0] =	sbarrier.arrive $0xFFFF  }
0xb4: {  	p0 =	sne.s32 s1, $0x0;
	_ =	strace $0x9000004D  }
0xb5: {  	s0 =	sadd.s32 @!p0 $0x100000, s0;
	[bflag:$0x2] =	sbarrier.arrive $0xFFFF  }
0xb6: {  	[sflag:s0] =	ssyncadd.tile.s32 @!p0 $0x1;
	_ =	shalt  }
.Lfunc_end2:
_tile_overlayer_lowered:
.L_overlay_start_2:
0xb7: {  	(tag) =	ssettag $0x2  }
0xb8: {  	s0 =	rddreg [dreg:$0x0];
	s2 =	stileid.u32  }
0xb9: {  	s1 =	rddreg [dreg:$0x1];
	p0 =	sne.s32 s2, $0x0  }
0xba: {  	s3 =	rddreg [dreg:$0x2];
	[bflag:$0x3] =	sbarrier.arrive $0xFFFF;
	s2 =	simm.s32 @!p0 $0x1C03  }
0xbb: {  	[timem:s3], [sflag:s2] =	dma.local @!p0 [hbm:s0], s1  }
0xbc: {  	s0 =	simm.s32 @!p0 $0x3  }
0xbd: {  	_ =	swait.ge @!p0 [sflag:s0], s1  }
0xbe: {  	s1 =	ssub.s32 @!p0 $0x0, s1;
	[sflag:s0] =	ssyncset.done @!p0 $0x0  }
0xbf: {  	[sflag:s0] =	ssyncadd.s32 @!p0 s1  }
0xc0: {  	[bflag:$0x3] =	sbarrier.arrive $0xFFFF  }
0xc1: {  	_ =	shalt  }

// kernel: kernel.8.cloned.1.call-start
scs
__scs_entry_jumppad:
0x0: {  	(pc) =	sbr.rel $0x88, $3  }
0x1: {  	(tag) =	ssettag $0x0;
	lr =	simm.s32 $0x1  }
0x2: {  	[smem:$0x3F9B] =	sst lr;
	_ =	strace $0xD0000000  }
0x3: {  	_ = 	snop  }
0x4: {  	_ = 	snop  }
0x5: {  	_ = 	snop  }
0x6: {  	_ = 	snop  }
0x7: {  	_ = 	snop  }
__scs_overlays_trampoline_lowered:
0x8: {  	[smem:$0x3FAA] =	sst s0  }
0x9: {  	[smem:$0x3FAB] =	sst s1  }
0xa: {  	[smem:$0x3FAC] =	sst s2  }
0xb: {  	[smem:$0x3FAD] =	sst s3  }
0xc: {  	[smem:$0x3FAE] =	sst s4  }
0xd: {  	[smem:$0x3FAF] =	sst s5  }
0xe: {  	[smem:$0x3FB0] =	sst s6  }
0xf: {  	[smem:$0x3FB1] =	sst s7  }
0x10: {  	[smem:$0x3FB2] =	sst s8  }
0x11: {  	[smem:$0x3FB3] =	sst s9;
	s0 =	simm.s32 @!p0 $0x0  }
0x12: {  	s1 =	sld [smem:$0x3F99];
	s0 =	simm.s32 @p0 $0x1  }
0x13: {  	[smem:$0x3FB4] =	sst s0;
	s0 =	simm.s32 @!p1 $0x0  }
0x14: {  	s2 =	sld [smem:$0x3F98];
	s0 =	simm.s32 @p1 $0x1  }
0x15: {  	[smem:$0x3FB5] =	sst s0;
	s0 =	simm.s32 @!p2 $0x0  }
0x16: {  	s3 =	sld [smem:$0x3FDB];
	s0 =	simm.s32 @p2 $0x1  }
0x17: {  	s4 =	simm.s32 $0x1BF5;
	[smem:$0x3FB7] =	sst s0  }
0x18: {  	s0 =	sld [smem:$0x3F9A];
	_ =	swait.ge [sflag:s4], $0x0  }
0x19: {  	s7 =	sld [smem:$0x3F9B]  }
0x1a: {  	s8 =	sadd.s32 $0xFFFFE003, lr  }
0x1b: {  	s9 =	sadd.s32 $0xFFFFFEF7, lr;
	s5 =	simm.s32 $0xFFFFFFFF;
	p2 =	slt.u32 s8, $0xFFFFF086  }
0x1c: {  	p1 =	slt.u32 s9, $0xF7A;
	s5 =	simm.s32 @!p2 $0x0  }
0x1d: {  	s5 =	simm.s32 @p1 $0x1;
	p0 =	seq.s32 s7, s2  }
0x1e: {  	s7 =	smul.u32 @!p0 $0xF7A, s2;
	p2 =	seq.s32 @!p0 s5, $0x0  }
0x1f: {  	s9 =	smul.u32 $0xF7A, s1;
	s8 =	simm.s32 @!p0 $0x1BF5;
	p2 =	por !p2, p0  }
0x20: {  	[sflag:s8] =	ssyncset.s32 @!p0 $0xFFFFF086;
	s6 =	sadd.s32 @!p0 s3, s7;
	s7 =	simm.s32 @!p0 $0x108  }
0x21: {  	s3 =	sadd.s32 s3, s9;
	s6 =	sadd.s32 @!p0 $0x88, s6;
	s7 =	simm.s32 @p2 $0x1082  }
0x22: {  	[simem:s7], [sflag:s8] =	dma.local @!p0 [hbm:s6], $0xF7A  }
0x23: {  	s9 =	sor.u32 $0xD0000000, s2;
	s6 =	simm.s32 $0x108;
	_ =	swait.ge @!p0 [sflag:s8], $0x0  }
0x24: {  	s3 =	sadd.s32 $0x88, s3;
	s6 =	simm.s32 @!p1 $0x1082;
	[sflag:s4] =	ssyncset.s32 $0xFFFFF086  }
0x25: {  	[simem:s6], [sflag:s4] =	dma.local [hbm:s3], $0xF7A  }
0x26: {  	[smem:$0x3F9B] =	sst s1;
	(tag) =	ssettag s2;
	_ =	strace s9  }
0x27: {  	s1 =	sld [smem:$0x3FAB]  }
0x28: {  	s2 =	sld [smem:$0x3FAC]  }
0x29: {  	s4 =	sld [smem:$0x3FAE]  }
0x2a: {  	p0 =	seq.s32 s5, $0x0;
	s5 =	sld [smem:$0x3FAF]  }
0x2b: {  	s6 =	sld [smem:$0x3FB0]  }
0x2c: {  	s7 =	sld [smem:$0x3FB1]  }
0x2d: {  	s3 =	simm.s32 $0x108;
	s8 =	sld [smem:$0x3FB2]  }
0x2e: {  	s3 =	simm.s32 @!p0 $0x1082;
	s9 =	sld [smem:$0x3FB3]  }
0x2f: {  	lr =	sadd.s32 s0, s3;
	s0 =	sld [smem:$0x3FAA]  }
0x30: {  	s3 =	sld [smem:$0x3FAD]  }
0x31: {  	[smem:$0x3FB6] =	sst s10  }
0x32: {  	s10 =	sld [smem:$0x3FB4];
	_ =	sdelay $0x3  }
0x33: {  	p0 =	seq.s32 s10, $0x1;
	s10 =	sld [smem:$0x3FB6];
	_ =	sdelay $0x3  }
0x34: {  	[smem:$0x3FB6] =	sst s10  }
0x35: {  	s10 =	sld [smem:$0x3FB5];
	_ =	sdelay $0x3  }
0x36: {  	p1 =	seq.s32 s10, $0x1;
	s10 =	sld [smem:$0x3FB6];
	_ =	sdelay $0x3  }
0x37: {  	[smem:$0x3FB6] =	sst s10  }
0x38: {  	s10 =	sld [smem:$0x3FB7]  }
0x39: {  	_ = 	snop;
	(pc) =	sbr.ind lr, $3  }
0x3a: {  	_ = 	snop  }
0x3b: {  	_ = 	snop  }
0x3c: {  	p2 =	seq.s32 s10, $0x1;
	s10 =	sld [smem:$0x3FB6]  }
0x3d: {  	_ =	shalt  }
0x3e: {  	_ =	shalt  }
0x3f: {  	_ =	shalt  }
0x40: {  	_ =	shalt  }
0x41: {  	_ =	shalt  }
0x42: {  	_ =	shalt  }
0x43: {  	_ =	shalt  }
0x44: {  	_ =	shalt  }
0x45: {  	_ =	shalt  }
0x46: {  	_ =	shalt  }
0x47: {  	_ =	shalt  }
0x48: {  	_ =	shalt  }
0x49: {  	_ =	shalt  }
0x4a: {  	_ =	shalt  }
0x4b: {  	_ =	shalt  }
0x4c: {  	_ =	shalt  }
0x4d: {  	_ =	shalt  }
0x4e: {  	_ =	shalt  }
0x4f: {  	_ =	shalt  }
0x50: {  	_ =	shalt  }
0x51: {  	_ =	shalt  }
0x52: {  	_ =	shalt  }
0x53: {  	_ =	shalt  }
0x54: {  	_ =	shalt  }
0x55: {  	_ =	shalt  }
0x56: {  	_ =	shalt  }
0x57: {  	_ =	shalt  }
0x58: {  	_ =	shalt  }
0x59: {  	_ =	shalt  }
0x5a: {  	_ =	shalt  }
0x5b: {  	_ =	shalt  }
0x5c: {  	_ =	shalt  }
0x5d: {  	_ =	shalt  }
0x5e: {  	_ =	shalt  }
0x5f: {  	_ =	shalt  }
0x60: {  	_ =	shalt  }
0x61: {  	_ =	shalt  }
0x62: {  	_ =	shalt  }
0x63: {  	_ =	shalt  }
0x64: {  	_ =	shalt  }
0x65: {  	_ =	shalt  }
0x66: {  	_ =	shalt  }
0x67: {  	_ =	shalt  }
0x68: {  	_ =	shalt  }
0x69: {  	_ =	shalt  }
0x6a: {  	_ =	shalt  }
0x6b: {  	_ =	shalt  }
0x6c: {  	_ =	shalt  }
0x6d: {  	_ =	shalt  }
0x6e: {  	_ =	shalt  }
0x6f: {  	_ =	shalt  }
0x70: {  	_ =	shalt  }
0x71: {  	_ =	shalt  }
0x72: {  	_ =	shalt  }
0x73: {  	_ =	shalt  }
0x74: {  	_ =	shalt  }
0x75: {  	_ =	shalt  }
0x76: {  	_ =	shalt  }
0x77: {  	_ =	shalt  }
0x78: {  	_ =	shalt  }
0x79: {  	_ =	shalt  }
0x7a: {  	_ =	shalt  }
0x7b: {  	_ =	shalt  }
0x7c: {  	_ =	shalt  }
0x7d: {  	_ =	shalt  }
0x7e: {  	_ =	shalt  }
0x7f: {  	_ =	shalt  }
0x80: {  	_ =	shalt  }
0x81: {  	_ =	shalt  }
0x82: {  	_ =	shalt  }
0x83: {  	_ =	shalt  }
0x84: {  	_ =	shalt  }
0x85: {  	_ =	shalt  }
0x86: {  	_ =	shalt  }
0x87: {  	_ =	shalt  }
.Lfunc_end0:
.L_simem_size_0:
called_computation_lowered:
.L_overlay_start_0:
0x88: {  	s2 =	sld [smem:$0x3FD9]  }
0x89: {  	s3 =	sld [smem:$0x3FFE];
	_ =	sdelay $0x1  }
0x8a: {  	s1 =	srdreg.scid  }
0x8b: {  	s0 =	sand.u32 $0x1, s1  }
0x8c: {  	s17 =	sshll.u32 s0, $0xA;
	s2 =	sadd.s32 s3, s2  }
0x8d: {  	s2 =	sadd.s32 s2, s17  }
0x8e: {  	[smem:$0x3FC2] =	sst s2  }
0x8f: {  	_ = 	snop  }
0x90: {  	s2 =	sld [smem:$0x3FD0];
	(tm) =	ssettm $0x1  }
0x91: {  	s18 =	sld [smem:$0x3FFB];
	_ =	sdelay $0x3  }
0x92: {  	_ =	strace s18  }
0x93: {  	s3 =	sld [smem:$0x3FFC];
	_ =	sdelay $0x3  }
0x94: {  	_ =	strace s3  }
0x95: {  	s3 =	sld [smem:$0x3FFD];
	_ =	sdelay $0x3  }
0x96: {  	_ =	strace s3  }
0x97: {  	_ =	strace $0x8FFFFFFF  }
0x98: {  	s19 =	sld [smem:$0x3FDB];
	_ =	sdelay $0x1  }
0x99: {  	s4 =	simm.s32 $_scs_section_size  }
0x9a: {  	s5 =	simm.s32 $_size__tile_overlayer_lowered;
	s6 =	simm.s32 $_tile_overlayer_lowered  }
0x9b: {  	s22 =	simm.s32 $0x1BFF;
	s21 =	sshll.u32 s6, $0x1;
	s3 =	sadd.s32 s4, s19  }
0x9c: {  	s7 =	simm.s32 $0x0;
	s20 =	sshll.u32 s5, $0x1;
	s5 =	sadd.s32 s21, s3  }
0x9d: {  	[timem:s7], [sflag:s22] =	dma.local [hbm:s5], s20  }
0x9e: {  	_ =	swait.ge [sflag:s22], s20  }
0x9f: {  	s4 =	ssub.s32 $0x0, s20;
	[sflag:s22] =	ssyncset.done $0x0  }
0xa0: {  	[sflag:s22] =	ssyncadd.s32 s4;
	_ =	sdelay $0x1  }
0xa1: {  	s23 =	simm.s32 $0x1B8B  }
0xa2: {  	_ =	swait.ge [sflag:s23], $0x1  }
0xa3: {  	[sflag:s23] =	ssyncset.done $0x0  }
0xa4: {  	s25 =	simm.s32 $0x1B8E;
	s24 =	sld [smem:$0x3FFE];
	[sflag:s23] =	ssyncadd.s32 $0xFFFFFFFF  }
0xa5: {  	s26 =	simm.s32 $execute0_lowered;
	[smem:$0x3FD2] =	sst s25  }
0xa6: {  	s5 =	sshll.u32 s26, $0x1;
	_ =	strace $0x80000046;
	[dreg:$0x1] =	wrdreg $0xFFFFFFFF  }
0xa7: {  	s28 =	simm.s32 $_size_execute0_lowered;
	s3 =	sadd.s32 s3, s5;
	[dreg:$0x0] =	wrdreg $0x0  }
0xa8: {  	s5 =	sshll.u32 s28, $0x1;
	[dreg:$0x2] =	wrdreg s3  }
0xa9: {  	[dreg:$0x3] =	wrdreg s5  }
0xaa: {  	[dreg:$0x4] =	wrdreg $0xC0  }
0xab: {  	_ =	task [dreg:s7], $0x5FFFF  }
0xac: {  	[dreg:$0x1] =	wrdreg $0xFFFFFFFF  }
0xad: {  	[dreg:$0x0] =	wrdreg $0x60  }
0xae: {  	[dreg:$0x2] =	wrdreg s2  }
0xaf: {  	[dreg:$0x3] =	wrdreg s24  }
0xb0: {  	[dreg:$0x4] =	wrdreg $0x0  }
0xb1: {  	[dreg:$0x5] =	wrdreg $0x9  }
0xb2: {  	_ =	task.clear_ibuf [dreg:s7], $0x6FFFF;
	_ =	strace $0x90000046  }
0xb3: {  	s29 =	simm.s32 $0x9;
	_ =	strace $0x80000048  }
0xb4: {  	_ =	swait.ge [sflag:s29], $0x1  }
0xb5: {  	[sflag:s29] =	ssyncadd.s32 $0xFFFFFFFF  }
0xb6: {  	_ =	strace $0x90000048  }
0xb7: {  	_ =	sfence  }
0xb8: {  	s30 =	sld [smem:$0x0];
	_ =	sdelay $0x2  }
0xb9: {  	s31 =	sshll.u32 s1, $0xD;
	s1 =	sshrl.u32 s1, $0x2  }
0xba: {  	s3 =	sand.u32 $0x4000, s31;
	s1 =	sadd.s32 s1, s30  }
0xbb: {  	s0 =	sor.u32 s3, s0;
	s1 =	sshll.u32 s1, $0x11  }
0xbc: {  	s0 =	sor.u32 s1, s0  }
0xbd: {  	s0 =	sadd.s32 $0x8F2B, s0  }
0xbe: {  	[sflag:s0] =	ssyncadd.remote.s32 $0x1  }
0xbf: {  	_ =	sfence.sel $0xFFFF  }
0xc0: {  	[dreg:$0x0] =	wrdreg $0xFFFFFFFF;
	(pc) =	sbr.abs _section_cstart, $3  }
0xc1: {  	[dreg:$0x1] =	wrdreg $0xFFFFFFFF  }
0xc2: {  	_ =	task.clear_ibuf [dreg:s7], $0x2FFFF;
	_ =	strace $0x9FFFFFFF  }
0xc3: {  	(tm) =	ssettm $0x7FFFFFFF  }
tec
execute0_lowered:
.L_overlay_start_1:
0x0: {  	(tag) =	ssettag $0x1  }
0x1: {  	s14 =	rddreg [dreg:$0x0]  }
0x2: {  	s4 =	rddreg [dreg:$0x1]  }
0x3: {  	s2 =	rddreg [dreg:$0x2]  }
0x4: {  	s0 =	srdreg.scid;
	s1 =	rddreg [dreg:$0x3];
	s3 =	simm.s32 $0x0  }
0x5: {  	s18 =	simm.s32 $0x2;
	s19 =	simm.s32 $0x18000;
	s5 =	sand.u32 $0x1, s0  }
0x6: {  	s20 =	simm.s32 $0x80;
	s0 =	stileid.u32;
	s6 =	smul.u32 $0x140000, s5  }
0x7: {  	s21 =	simm.s32 $0x14000;
	s22 =	simm.s32 $0x1;
	s7 =	smul.u32 $0x14000, s0  }
0x8: {  	[smem:$0x7FF] =	sst s3;
	s28 =	smul.u32 $0x50000, s0;
	s29 =	ssub.s32 $0x2, s5  }
0x9: {  	_ =	strace $0x80000047;
	s8 =	sshll.u32 s0, $0x1;
	s31 =	sshrl.u32 s29, $0x1  }
0xa: {  	s11 =	sor.u32 s5, s8;
	s6 =	sadd.s32 s7, s6;
	s30 =	sshrl.u32 s28, $0x2  }
0xb: {  	s16 =	ssub.s32 s29, s31;
	s17 =	smul.u32 $0x500, s11;
	s6 =	sshrl.u32 s6, $0x3  }
0xc: {  	s16 =	smax.u32 s16, $0x1;
	s15 =	sadd.s32 s6, s4;
	s4 =	sadd.s32 s30, s2  }
0xd: {  	s14 =	sadd.s32 s14, s17;
	s17 =	simm.s32 $0x1A800;
	s5 =	sadd.s32 $0x2000, s4  }
0xe: {  	s6 =	sadd.s32 $0x4000, s4;
	s7 =	sadd.s32 $0x6000, s4;
	s8 =	sadd.s32 $0x8000, s4  }
0xf: {  	s9 =	sadd.s32 $0xA000, s4;
	s10 =	sadd.s32 $0xC000, s4;
	s11 =	sadd.s32 $0xE000, s4  }
0x10: {  	v0 =	vimm.f32 $0.0e+00;
	v1 =	vimm.f32 $1.000000000e+00;
	s12 =	sadd.s32 $0x10000, s4;
	s13 =	sadd.s32 $0x12000, s4;
	s15 =	sadd.s32 $0xC600, s15  }
.LBB2_1:
0x11: {  	s23 =	simm.s32 $0x0;
	s24 =	simm.s32 $0x200  }
.LBB2_2:
0x12: {  	p0 =	sne.s32 s24, $0x7E00;
	[tilespmem:s23+$0x1A870] =	vst v0  }
0x13: {  	[tilespmem:s23+$0x1A800] =	vst v0  }
0x14: {  	[tilespmem:s23+$0x1A810] =	vst v0  }
.Ltmp0:
0x15: {  	[tilespmem:s23+$0x1A820] =	vst v0;
	(pc) =	sbr.rel @p0 .LBB2_2-.Ltmp0, $4  }
0x16: {  	[tilespmem:s23+$0x1A830] =	vst v0  }
0x17: {  	[tilespmem:s23+$0x1A840] =	vst v0  }
0x18: {  	[tilespmem:s23+$0x1A850] =	vst v0  }
0x19: {  	[tilespmem:s23+$0x1A860] =	vst v0;
	s23 =	sshra.s32 s24, $0x2;
	s24 =	sadd.s32 $0x200, s24  }
0x1a: {  	[tilespmem:s23+$0x1A870] =	vst v0  }
0x1b: {  	[tilespmem:s23+$0x1A800] =	vst v0  }
0x1c: {  	[tilespmem:s23+$0x1A810] =	vst v0  }
0x1d: {  	[tilespmem:s23+$0x1A820] =	vst v0  }
0x1e: {  	[tilespmem:s23+$0x1A830] =	vst v0  }
0x1f: {  	[tilespmem:s23+$0x1A840] =	vst v0  }
0x20: {  	[tilespmem:s23+$0x1A850] =	vst v0  }
0x21: {  	[tilespmem:s23+$0x1A860] =	vst v0;
	s23 =	simm.s32 $0x0;
	s24 =	simm.s32 $0x200  }
.LBB2_4:
0x22: {  	p0 =	sne.s32 s24, $0xFE00;
	[tilespmem:s23+$0x14070] =	vst v1  }
0x23: {  	[tilespmem:s23+$0x14000] =	vst v1  }
0x24: {  	[tilespmem:s23+$0x14010] =	vst v1  }
.Ltmp1:
0x25: {  	[tilespmem:s23+$0x14020] =	vst v1;
	(pc) =	sbr.rel @p0 .LBB2_4-.Ltmp1, $4  }
0x26: {  	[tilespmem:s23+$0x14030] =	vst v1  }
0x27: {  	[tilespmem:s23+$0x14040] =	vst v1  }
0x28: {  	[tilespmem:s23+$0x14050] =	vst v1  }
0x29: {  	[tilespmem:s23+$0x14060] =	vst v1;
	s23 =	sshra.s32 s24, $0x2;
	s24 =	sadd.s32 $0x200, s24  }
0x2a: {  	[tilespmem:s23+$0x14070] =	vst v1  }
0x2b: {  	[tilespmem:s23+$0x14000] =	vst v1  }
0x2c: {  	[tilespmem:s23+$0x14010] =	vst v1  }
0x2d: {  	[tilespmem:s23+$0x14020] =	vst v1  }
0x2e: {  	[tilespmem:s23+$0x14030] =	vst v1  }
0x2f: {  	[tilespmem:s23+$0x14040] =	vst v1  }
0x30: {  	[tilespmem:s23+$0x14050] =	vst v1  }
0x31: {  	[tilespmem:s23+$0x14060] =	vst v1  }
0x32: {  	[spmem:s4] =	stream.linear.scatter [tilespmem:s17], [sflag:$0x2], $0x2000, $0x38;
	[tilespmem:$0x1C800] =	vst v63  }
0x33: {  	_ =	swait.ge [sflag:s18], $0x2000  }
0x34: {  	[sflag:s18] =	ssyncset.done $0x0  }
0x35: {  	[sflag:s18] =	ssyncadd.s32 $0xFFFFE000  }
0x36: {  	[spmem:s5] =	stream.linear.scatter [tilespmem:s17], [sflag:$0x2], $0x2000, $0x38;
	[tilespmem:$0x1C800] =	vst v63  }
0x37: {  	_ =	swait.ge [sflag:s18], $0x2000  }
0x38: {  	[sflag:s18] =	ssyncset.done $0x0  }
0x39: {  	[sflag:s18] =	ssyncadd.s32 $0xFFFFE000  }
0x3a: {  	[spmem:s6] =	stream.linear.scatter [tilespmem:s17], [sflag:$0x2], $0x2000, $0x38;
	[tilespmem:$0x1C800] =	vst v63  }
0x3b: {  	_ =	swait.ge [sflag:s18], $0x2000  }
0x3c: {  	[sflag:s18] =	ssyncset.done $0x0  }
0x3d: {  	[sflag:s18] =	ssyncadd.s32 $0xFFFFE000  }
0x3e: {  	[spmem:s7] =	stream.linear.scatter [tilespmem:s17], [sflag:$0x2], $0x2000, $0x38;
	[tilespmem:$0x1C800] =	vst v63  }
0x3f: {  	_ =	swait.ge [sflag:s18], $0x2000  }
0x40: {  	[sflag:s18] =	ssyncset.done $0x0  }
0x41: {  	[sflag:s18] =	ssyncadd.s32 $0xFFFFE000  }
0x42: {  	[spmem:s8] =	stream.linear.scatter [tilespmem:s17], [sflag:$0x2], $0x2000, $0x38;
	[tilespmem:$0x1C800] =	vst v63  }
0x43: {  	_ =	swait.ge [sflag:s18], $0x2000  }
0x44: {  	[sflag:s18] =	ssyncset.done $0x0  }
0x45: {  	[sflag:s18] =	ssyncadd.s32 $0xFFFFE000  }
0x46: {  	[spmem:s9] =	stream.linear.scatter [tilespmem:s17], [sflag:$0x2], $0x2000, $0x38;
	[tilespmem:$0x1C800] =	vst v63  }
0x47: {  	_ =	swait.ge [sflag:s18], $0x2000  }
0x48: {  	[sflag:s18] =	ssyncset.done $0x0  }
0x49: {  	[sflag:s18] =	ssyncadd.s32 $0xFFFFE000  }
0x4a: {  	[spmem:s10] =	stream.linear.scatter [tilespmem:s17], [sflag:$0x2], $0x2000, $0x38;
	[tilespmem:$0x1C800] =	vst v63  }
0x4b: {  	_ =	swait.ge [sflag:s18], $0x2000  }
0x4c: {  	[sflag:s18] =	ssyncset.done $0x0  }
0x4d: {  	[sflag:s18] =	ssyncadd.s32 $0xFFFFE000  }
0x4e: {  	[spmem:s11] =	stream.linear.scatter [tilespmem:s17], [sflag:$0x2], $0x2000, $0x38;
	[tilespmem:$0x1C800] =	vst v63  }
0x4f: {  	_ =	swait.ge [sflag:s18], $0x2000  }
0x50: {  	[sflag:s18] =	ssyncset.done $0x0  }
0x51: {  	[sflag:s18] =	ssyncadd.s32 $0xFFFFE000  }
0x52: {  	[spmem:s12] =	stream.linear.scatter [tilespmem:s17], [sflag:$0x2], $0x2000, $0x38;
	[tilespmem:$0x1C800] =	vst v63  }
0x53: {  	_ =	swait.ge [sflag:s18], $0x2000  }
0x54: {  	[sflag:s18] =	ssyncset.done $0x0  }
0x55: {  	[sflag:s18] =	ssyncadd.s32 $0xFFFFE000  }
0x56: {  	[spmem:s13] =	stream.linear.scatter [tilespmem:s17], [sflag:$0x2], $0x2000, $0x38;
	[tilespmem:$0x1C800] =	vst v63  }
0x57: {  	_ =	swait.ge [sflag:s18], $0x2000  }
0x58: {  	[sflag:s18] =	ssyncset.done $0x0  }
0x59: {  	s30 =	simm.s32 $0x0;
	[sflag:s18] =	ssyncadd.s32 $0xFFFFE000  }
0x5a: {  	[tilespmem:s19], [sflag:$0x2] =	stream.linear.gather [hbm4b:s14+s30], $0x2800, $0x38;
	[tilespmem:$0x1C800] =	vst v63  }
0x5b: {  	_ =	swait.ge [sflag:s18], $0x2800  }
0x5c: {  	[sflag:s18] =	ssyncset.done $0x0  }
0x5d: {  	[sflag:s18] =	ssyncadd.s32 $0xFFFFD800  }
0x5e: {  	s31 =	simm.s32 $0x18000;
	[bflag:$0x0] =	sbarrier.arrive $0xFFFF  }
0x5f: {  	[spmem:s2] =	stream.indirect.scatter.add.f32 [tilespmem:s21], [sflag:$0x1], $0x80, s31, s20, $0xb8;
	[tilespmem:$0x1C800] =	vst v63  }
0x60: {  	s24 =	simm.s32 $0x18080  }
0x61: {  	[spmem:s2] =	stream.indirect.scatter.add.f32 [tilespmem:s21], [sflag:$0x1], $0x80, s24, s20, $0xb8;
	[tilespmem:$0x1C800] =	vst v63  }
0x62: {  	s25 =	simm.s32 $0x18100  }
0x63: {  	[spmem:s2] =	stream.indirect.scatter.add.f32 [tilespmem:s21], [sflag:$0x1], $0x80, s25, s20, $0xb8;
	[tilespmem:$0x1C800] =	vst v63  }
0x64: {  	s26 =	simm.s32 $0x18180  }
0x65: {  	[spmem:s2] =	stream.indirect.scatter.add.f32 [tilespmem:s21], [sflag:$0x1], $0x80, s26, s20, $0xb8;
	[tilespmem:$0x1C800] =	vst v63  }
0x66: {  	s28 =	simm.s32 $0x18200  }
0x67: {  	[spmem:s2] =	stream.indirect.scatter.add.f32 [tilespmem:s21], [sflag:$0x1], $0x80, s28, s20, $0xb8;
	[tilespmem:$0x1C800] =	vst v63  }
0x68: {  	s29 =	simm.s32 $0x18280  }
0x69: {  	[spmem:s2] =	stream.indirect.scatter.add.f32 [tilespmem:s21], [sflag:$0x1], $0x80, s29, s20, $0xb8;
	[tilespmem:$0x1C800] =	vst v63  }
0x6a: {  	s30 =	simm.s32 $0x18300  }
0x6b: {  	[spmem:s2] =	stream.indirect.scatter.add.f32 [tilespmem:s21], [sflag:$0x1], $0x80, s30, s20, $0xb8;
	[tilespmem:$0x1C800] =	vst v63  }
0x6c: {  	s31 =	simm.s32 $0x18380  }
0x6d: {  	[spmem:s2] =	stream.indirect.scatter.add.f32 [tilespmem:s21], [sflag:$0x1], $0x80, s31, s20, $0xb8;
	[tilespmem:$0x1C800] =	vst v63  }
0x6e: {  	_ =	swait.ge [sflag:s22], $0x4000  }
0x6f: {  	[sflag:s22] =	ssyncset.done $0x0  }
0x70: {  	[sflag:s22] =	ssyncadd.s32 $0xFFFFC000  }
0x71: {  	_ =	swait.ge [sflag:s22], $0x4000  }
0x72: {  	[sflag:s22] =	ssyncset.done $0x0  }
0x73: {  	[sflag:s22] =	ssyncadd.s32 $0xFFFFC000  }
0x74: {  	_ =	swait.ge [sflag:s22], $0x4000  }
0x75: {  	[sflag:s22] =	ssyncset.done $0x0  }
0x76: {  	[sflag:s22] =	ssyncadd.s32 $0xFFFFC000  }
0x77: {  	_ =	swait.ge [sflag:s22], $0x4000  }
0x78: {  	[sflag:s22] =	ssyncset.done $0x0  }
0x79: {  	[sflag:s22] =	ssyncadd.s32 $0xFFFFC000  }
0x7a: {  	_ =	swait.ge [sflag:s22], $0x4000  }
0x7b: {  	[sflag:s22] =	ssyncset.done $0x0  }
0x7c: {  	[sflag:s22] =	ssyncadd.s32 $0xFFFFC000  }
0x7d: {  	_ =	swait.ge [sflag:s22], $0x4000  }
0x7e: {  	[sflag:s22] =	ssyncset.done $0x0  }
0x7f: {  	[sflag:s22] =	ssyncadd.s32 $0xFFFFC000  }
0x80: {  	_ =	swait.ge [sflag:s22], $0x4000  }
0x81: {  	[sflag:s22] =	ssyncset.done $0x0  }
0x82: {  	[sflag:s22] =	ssyncadd.s32 $0xFFFFC000  }
0x83: {  	_ =	swait.ge [sflag:s22], $0x4000  }
0x84: {  	s25 =	simm.s32 $0x400;
	s26 =	simm.s32 $0x2000;
	[sflag:s22] =	ssyncset.done $0x0  }
.LBB2_6:
0x85: {  	s28 =	sadd.s32 $0x18000, s25  }
0x86: {  	[sflag:s22] =	ssyncadd.s32 $0xFFFFC000;
	s24 =	smov.u32 s26;
	s23 =	sadd.s32 $0x1000, s26  }
0x87: {  	[spmem:s2] =	stream.indirect.scatter.add.f32 [tilespmem:s21], [sflag:$0x1], $0x80, s28, s20, $0xb8;
	[tilespmem:$0x1C800] =	vst v63  }
0x88: {  	p0 =	sne.s32 s26, $0x9000;
	s26 =	sadd.s32 $0x18080, s25  }
0x89: {  	[spmem:s2] =	stream.indirect.scatter.add.f32 [tilespmem:s21], [sflag:$0x1], $0x80, s26, s20, $0xb8;
	[tilespmem:$0x1C800] =	vst v63  }
0x8a: {  	s26 =	sadd.s32 $0x18100, s25  }
0x8b: {  	[spmem:s2] =	stream.indirect.scatter.add.f32 [tilespmem:s21], [sflag:$0x1], $0x80, s26, s20, $0xb8;
	[tilespmem:$0x1C800] =	vst v63  }
0x8c: {  	s26 =	sadd.s32 $0x18180, s25  }
0x8d: {  	[spmem:s2] =	stream.indirect.scatter.add.f32 [tilespmem:s21], [sflag:$0x1], $0x80, s26, s20, $0xb8;
	[tilespmem:$0x1C800] =	vst v63  }
0x8e: {  	s26 =	sadd.s32 $0x18200, s25  }
0x8f: {  	[spmem:s2] =	stream.indirect.scatter.add.f32 [tilespmem:s21], [sflag:$0x1], $0x80, s26, s20, $0xb8;
	[tilespmem:$0x1C800] =	vst v63  }
0x90: {  	s26 =	sadd.s32 $0x18280, s25  }
0x91: {  	[spmem:s2] =	stream.indirect.scatter.add.f32 [tilespmem:s21], [sflag:$0x1], $0x80, s26, s20, $0xb8;
	[tilespmem:$0x1C800] =	vst v63  }
0x92: {  	s26 =	sadd.s32 $0x18300, s25  }
0x93: {  	[spmem:s2] =	stream.indirect.scatter.add.f32 [tilespmem:s21], [sflag:$0x1], $0x80, s26, s20, $0xb8;
	[tilespmem:$0x1C800] =	vst v63  }
0x94: {  	s25 =	sadd.s32 $0x18380, s25  }
0x95: {  	[spmem:s2] =	stream.indirect.scatter.add.f32 [tilespmem:s21], [sflag:$0x1], $0x80, s25, s20, $0xb8;
	[tilespmem:$0x1C800] =	vst v63  }
0x96: {  	_ =	swait.ge [sflag:s22], $0x4000  }
0x97: {  	[sflag:s22] =	ssyncset.done $0x0  }
0x98: {  	[sflag:s22] =	ssyncadd.s32 $0xFFFFC000  }
0x99: {  	_ =	swait.ge [sflag:s22], $0x4000  }
0x9a: {  	[sflag:s22] =	ssyncset.done $0x0  }
0x9b: {  	[sflag:s22] =	ssyncadd.s32 $0xFFFFC000  }
0x9c: {  	_ =	swait.ge [sflag:s22], $0x4000  }
0x9d: {  	[sflag:s22] =	ssyncset.done $0x0  }
0x9e: {  	[sflag:s22] =	ssyncadd.s32 $0xFFFFC000  }
0x9f: {  	_ =	swait.ge [sflag:s22], $0x4000  }
0xa0: {  	[sflag:s22] =	ssyncset.done $0x0  }
0xa1: {  	[sflag:s22] =	ssyncadd.s32 $0xFFFFC000  }
0xa2: {  	_ =	swait.ge [sflag:s22], $0x4000  }
0xa3: {  	[sflag:s22] =	ssyncset.done $0x0  }
0xa4: {  	[sflag:s22] =	ssyncadd.s32 $0xFFFFC000  }
0xa5: {  	_ =	swait.ge [sflag:s22], $0x4000  }
0xa6: {  	[sflag:s22] =	ssyncset.done $0x0  }
0xa7: {  	[sflag:s22] =	ssyncadd.s32 $0xFFFFC000  }
.Ltmp2:
0xa8: {  	_ =	swait.ge [sflag:s22], $0x4000;
	(pc) =	sbr.rel @p0 .LBB2_6-.Ltmp2, $4  }
0xa9: {  	[sflag:s22] =	ssyncset.done $0x0  }
0xaa: {  	[sflag:s22] =	ssyncadd.s32 $0xFFFFC000  }
0xab: {  	_ =	swait.ge [sflag:s22], $0x4000  }
0xac: {  	s26 =	smov.u32 s23;
	s25 =	sshra.s32 s24, $0x2;
	[sflag:s22] =	ssyncset.done $0x0  }
0xad: {  	s23 =	sadd.s32 $0x18000, s25;
	[sflag:s22] =	ssyncadd.s32 $0xFFFFC000  }
0xae: {  	[spmem:s2] =	stream.indirect.scatter.add.f32 [tilespmem:s21], [sflag:$0x1], $0x80, s23, s20, $0xb8;
	[tilespmem:$0x1C800] =	vst v63  }
0xaf: {  	s30 =	sadd.s32 $0x18080, s25  }
0xb0: {  	[spmem:s2] =	stream.indirect.scatter.add.f32 [tilespmem:s21], [sflag:$0x1], $0x80, s30, s20, $0xb8;
	[tilespmem:$0x1C800] =	vst v63  }
0xb1: {  	s31 =	sadd.s32 $0x18100, s25  }
0xb2: {  	[spmem:s2] =	stream.indirect.scatter.add.f32 [tilespmem:s21], [sflag:$0x1], $0x80, s31, s20, $0xb8;
	[tilespmem:$0x1C800] =	vst v63  }
0xb3: {  	s24 =	sadd.s32 $0x18180, s25  }
0xb4: {  	[spmem:s2] =	stream.indirect.scatter.add.f32 [tilespmem:s21], [sflag:$0x1], $0x80, s24, s20, $0xb8;
	[tilespmem:$0x1C800] =	vst v63  }
0xb5: {  	s26 =	sadd.s32 $0x18200, s25  }
0xb6: {  	[spmem:s2] =	stream.indirect.scatter.add.f32 [tilespmem:s21], [sflag:$0x1], $0x80, s26, s20, $0xb8;
	[tilespmem:$0x1C800] =	vst v63  }
0xb7: {  	s28 =	sadd.s32 $0x18280, s25  }
0xb8: {  	[spmem:s2] =	stream.indirect.scatter.add.f32 [tilespmem:s21], [sflag:$0x1], $0x80, s28, s20, $0xb8;
	[tilespmem:$0x1C800] =	vst v63  }
0xb9: {  	s29 =	sadd.s32 $0x18300, s25  }
0xba: {  	[spmem:s2] =	stream.indirect.scatter.add.f32 [tilespmem:s21], [sflag:$0x1], $0x80, s29, s20, $0xb8;
	[tilespmem:$0x1C800] =	vst v63  }
0xbb: {  	s30 =	sadd.s32 $0x18380, s25  }
0xbc: {  	[spmem:s2] =	stream.indirect.scatter.add.f32 [tilespmem:s21], [sflag:$0x1], $0x80, s30, s20, $0xb8;
	[tilespmem:$0x1C800] =	vst v63  }
0xbd: {  	_ =	swait.ge [sflag:s22], $0x4000  }
0xbe: {  	[sflag:s22] =	ssyncset.done $0x0  }
0xbf: {  	[sflag:s22] =	ssyncadd.s32 $0xFFFFC000  }
0xc0: {  	_ =	swait.ge [sflag:s22], $0x4000  }
0xc1: {  	[sflag:s22] =	ssyncset.done $0x0  }
0xc2: {  	[sflag:s22] =	ssyncadd.s32 $0xFFFFC000  }
0xc3: {  	_ =	swait.ge [sflag:s22], $0x4000  }
0xc4: {  	[sflag:s22] =	ssyncset.done $0x0  }
0xc5: {  	[sflag:s22] =	ssyncadd.s32 $0xFFFFC000  }
0xc6: {  	_ =	swait.ge [sflag:s22], $0x4000  }
0xc7: {  	[sflag:s22] =	ssyncset.done $0x0  }
0xc8: {  	[sflag:s22] =	ssyncadd.s32 $0xFFFFC000  }
0xc9: {  	_ =	swait.ge [sflag:s22], $0x4000  }
0xca: {  	[sflag:s22] =	ssyncset.done $0x0  }
0xcb: {  	[sflag:s22] =	ssyncadd.s32 $0xFFFFC000  }
0xcc: {  	_ =	swait.ge [sflag:s22], $0x4000  }
0xcd: {  	[sflag:s22] =	ssyncset.done $0x0  }
0xce: {  	[sflag:s22] =	ssyncadd.s32 $0xFFFFC000  }
0xcf: {  	_ =	swait.ge [sflag:s22], $0x4000  }
0xd0: {  	[sflag:s22] =	ssyncset.done $0x0  }
0xd1: {  	[sflag:s22] =	ssyncadd.s32 $0xFFFFC000  }
0xd2: {  	_ =	swait.ge [sflag:s22], $0x4000  }
0xd3: {  	s3 =	sadd.s32 $0x1, s3;
	s31 =	sshll.u32 s0, $0x6;
	[sflag:s22] =	ssyncset.done $0x0  }
0xd4: {  	p0 =	sne.s32 s3, s16;
	s23 =	sor.u32 $0x1C02, s31;
	[sflag:s22] =	ssyncadd.s32 $0xFFFFC000  }
.Ltmp3:
0xd5: {  	s24 =	sshrl.u32 s4, $0x3;
	[bflag:$0x0] =	sbarrier.arrive $0xFFFF;
	(pc) =	sbr.rel @p0 .LBB2_1-.Ltmp3, $4  }
0xd6: {  	[hbm:s15], [sflag:s23] =	dma.local [spmem:s24], $0x2800  }
0xd7: {  	_ =	swait.ge [sflag:s18], $0x2800  }
0xd8: {  	[sflag:s18] =	ssyncset.done $0x0  }
0xd9: {  	[sflag:s18] =	ssyncadd.s32 $0xFFFFD800  }
0xda: {  	_ =	sfence.sel $0x180000  }
0xdb: {  	[bflag:$0x0] =	sbarrier.arrive $0xFFFF  }
0xdc: {  	p0 =	sne.s32 s0, $0x0;
	_ =	strace $0x90000047  }
0xdd: {  	s0 =	sadd.s32 @!p0 $0x100000, s1;
	[bflag:$0x2] =	sbarrier.arrive $0xFFFF  }
0xde: {  	[sflag:s0] =	ssyncadd.tile.s32 @!p0 $0x1;
	_ =	shalt  }
.Lfunc_end2:
_tile_overlayer_lowered:
.L_overlay_start_2:
0xdf: {  	(tag) =	ssettag $0x2  }
0xe0: {  	s0 =	rddreg [dreg:$0x0];
	s2 =	stileid.u32  }
0xe1: {  	s1 =	rddreg [dreg:$0x1];
	p0 =	sne.s32 s2, $0x0  }
0xe2: {  	s3 =	rddreg [dreg:$0x2];
	[bflag:$0x3] =	sbarrier.arrive $0xFFFF;
	s2 =	simm.s32 @!p0 $0x1C02  }
0xe3: {  	[timem:s3], [sflag:s2] =	dma.local @!p0 [hbm:s0], s1  }
0xe4: {  	s0 =	simm.s32 @!p0 $0x2  }
0xe5: {  	_ =	swait.ge @!p0 [sflag:s0], s1  }
0xe6: {  	s1 =	ssub.s32 @!p0 $0x0, s1;
	[sflag:s0] =	ssyncset.done @!p0 $0x0  }
0xe7: {  	[sflag:s0] =	ssyncadd.s32 @!p0 s1  }
0xe8: {  	[bflag:$0x3] =	sbarrier.arrive $0xFFFF  }
0xe9: {  	_ =	shalt  }

</sc_bundles>
